<compile_context>
chip_gen: v7x
topology: tpu7x:2x2x1
jax: 0.10.2.dev20260603
libtpu: 0.0.44.dev20260713+nightly
codegen_flags: <defaults>
</compile_context>

<pallas_src>
import functools

import jax
import jax.numpy as jnp
from jax import lax
from jax.experimental import pallas as pl
from jax.experimental.pallas import tpu as pltpu
from jax.experimental.pallas import tpu_sc as plsc

NC = 2
NS = 16
CH = 128
EB = 2048



def _make_deg(n_pad, e_pad):
    nw = NC * NS
    ept = e_pad // nw
    assert ept % EB == 0
    mesh = plsc.VectorSubcoreMesh(core_axis_name="c", subcore_axis_name="s",
                                  num_cores=NC, num_subcores=NS)

    @functools.partial(
        pl.kernel,
        mesh=mesh,
        out_type=jax.ShapeDtypeStruct((nw, n_pad), jnp.float32),
        scratch_types=[
            pltpu.VMEM((EB,), jnp.int32),
            pltpu.VMEM((n_pad,), jnp.float32),
        ],
        compiler_params=pltpu.CompilerParams(needs_layout_passes=False),
    )
    def deg(dst_hbm, out_hbm, didx, cnt):
        c = lax.axis_index("c")
        s = lax.axis_index("s")
        wid = s * NC + c

        def z(i, _):
            cnt[pl.ds(i * 16, 16)] = jnp.zeros((16,), jnp.float32)
            return 0

        lax.fori_loop(0, n_pad // 16, z, 0)
        ones16 = jnp.ones((16,), jnp.float32)
        ebase = wid * ept

        def chunk(k, _):
            base = pl.multiple_of(ebase + k * EB, EB)
            pltpu.sync_copy(dst_hbm.at[pl.ds(base, EB)], didx)

            def inner(j, _):
                idx = didx[pl.ds(j * 16, 16)]
                plsc.addupdate_scatter(cnt, [idx], ones16)
                return 0

            lax.fori_loop(0, EB // 16, inner, 0)
            return 0

        lax.fori_loop(0, ept // EB, chunk, 0)
        pltpu.sync_copy(cnt, out_hbm.at[wid])

    return deg


def _make_agg(n_pad, e_pad, d):
    nw = NC * NS
    ept = e_pad // nw
    n_chunks = ept // CH
    rpt = n_pad // NS
    mesh = plsc.VectorSubcoreMesh(core_axis_name="c", subcore_axis_name="s", num_cores=NC, num_subcores=NS)

    nb = 2
    gch = 40
    assert n_chunks % gch == 0 and gch % nb == 0

    @functools.partial(
        pl.kernel,
        mesh=mesh,
        out_type=jax.ShapeDtypeStruct((NC, n_pad, d), jnp.float32),
        scratch_types=[
            pltpu.VMEM((gch, CH), jnp.int32),
            pltpu.VMEM((gch, CH), jnp.int32),
            pltpu.VMEM((nb, CH, d), jnp.float32),
            pltpu.VMEM_SHARED((n_pad, d), jnp.float32),
            pltpu.SemaphoreType.DMA,
        ],
    )
    def agg(y_hbm, src_hbm, dst_hbm, out_hbm, sidx, didx, rows, acc, sem):
        c = lax.axis_index("c")
        s = lax.axis_index("s")
        wid = s * NC + c

        def zbuf(i, _):
            rows[0, i // 8, pl.ds((i % 8) * 16, 16)] = jnp.zeros(
                (16,), jnp.float32)
            return 0

        lax.fori_loop(0, CH * d // 16, zbuf, 0)
        row0 = s * rpt

        zdescs = [
            pltpu.async_copy(
                rows.at[0], acc.at[pl.ds(row0 + k * CH, CH), :], sem)
            for k in range(rpt // CH)
        ]
        for zd in zdescs:
            zd.wait()
        plsc.subcore_barrier()

        def group(g, _):
            crow = wid * n_chunks + g * gch
            pltpu.sync_copy(src_hbm.at[pl.ds(crow, gch), :], sidx)
            pltpu.sync_copy(dst_hbm.at[pl.ds(crow, gch), :], didx)

            def pair(p, _):
                descs = []
                for b in range(nb):
                    descs.append(pltpu.async_copy(
                        y_hbm.at[sidx.at[p * nb + b]], rows.at[b], sem))
                for b in range(nb):
                    descs[b].wait()
                    pltpu.sync_copy(
                        rows.at[b], acc.at[didx.at[p * nb + b]], add=True)
                return 0

            lax.fori_loop(0, gch // nb, pair, 0)
            return 0

        lax.fori_loop(0, n_chunks // gch, group, 0)
        plsc.subcore_barrier()

        odescs = [
            pltpu.async_copy(
                acc.at[pl.ds(row0 + k * CH, CH), :],
                out_hbm.at[c, pl.ds(row0 + k * CH, CH), :], sem)
            for k in range(rpt // CH)
        ]
        for od in odescs:
            od.wait()

    return agg



def _tc0_body(degp_ref, dinv_ref):
    deg = 1.0 + jnp.sum(degp_ref[...], axis=0)
    dinv_ref[...] = lax.rsqrt(deg)[:, None]


def _tc1_body(x_ref, w_ref, dinv_ref, y_ref):
    xw = jnp.dot(x_ref[...], w_ref[...], preferred_element_type=jnp.float32)
    y_ref[...] = xw * dinv_ref[...]


def _tc2_body(aggp_ref, y1_ref, dinv_ref, b1_ref, t_ref, stats_ref, acc_ref):
    i = pl.program_id(0)
    t = dinv_ref[...] * (aggp_ref[0] + aggp_ref[1] + y1_ref[...]) + b1_ref[...]
    t_ref[...] = t
    ps = jnp.sum(t, axis=0, keepdims=True)
    pq = jnp.sum(t * t, axis=0, keepdims=True)

    @pl.when(i == 0)
    def _():
        acc_ref[0:1, :] = ps
        acc_ref[1:2, :] = pq

    @pl.when(i > 0)
    def _():
        acc_ref[0:1, :] += ps
        acc_ref[1:2, :] += pq

    @pl.when(i == pl.num_programs(0) - 1)
    def _():
        stats_ref[...] = acc_ref[...]


def _tc3_body(n, t_ref, stats_ref, g_ref, be_ref, dinv_ref, w_ref, y2_ref):
    mean = stats_ref[0:1, :] / n
    var = stats_ref[1:2, :] / n - mean * mean
    inv = lax.rsqrt(var + 1e-5)
    h = (t_ref[...] - mean) * inv * g_ref[...] + be_ref[...]
    h = jnp.maximum(h, 0.0)
    y2_ref[...] = dinv_ref[...] * jnp.dot(
        h, w_ref[...], preferred_element_type=jnp.float32)


def _tc4_body(aggp_ref, y2_ref, dinv_ref, b2_ref, out_ref):
    out_ref[...] = (
        dinv_ref[...] * (aggp_ref[0] + aggp_ref[1] + y2_ref[...]) + b2_ref[...])


def _row_specs(r, d):
    return pl.BlockSpec((r, d), lambda i: (i, 0))



def kernel(x, edge_index, W1, b1, gamma, beta, W2, b2):
    n, d_in = x.shape
    d_h = W1.shape[1]
    d_out = W2.shape[1]
    e = edge_index.shape[1]

    grain = NC * NS * EB
    e_pad = -(-e // grain) * grain
    n_pad = -(-n // (NS * CH)) * (NS * CH)

    src = edge_index[0].astype(jnp.int32)
    dst = edge_index[1].astype(jnp.int32)
    src_p = jnp.concatenate([src, jnp.zeros((e_pad - e,), jnp.int32)])
    dst_p = jnp.concatenate([dst, jnp.full((e_pad - e,), n, jnp.int32)])
    src_p2 = src_p.reshape(e_pad // CH, CH)
    dst_p2 = dst_p.reshape(e_pad // CH, CH)

    degp = _make_deg(n_pad, e_pad)(dst_p)

    r = 2000
    grid = n // r
    f32 = jnp.float32

    dinv = pl.pallas_call(
        _tc0_body,
        in_specs=[pl.BlockSpec((NC * NS, n_pad), lambda: (0, 0))],
        out_specs=pl.BlockSpec((n_pad, 1), lambda: (0, 0)),
        out_shape=jax.ShapeDtypeStruct((n_pad, 1), f32),
    )(degp)

    y1 = pl.pallas_call(
        _tc1_body,
        grid=(grid,),
        in_specs=[
            _row_specs(r, d_in),
            pl.BlockSpec((d_in, d_h), lambda i: (0, 0)),
            pl.BlockSpec((r, 1), lambda i: (i, 0)),
        ],
        out_specs=_row_specs(r, d_h),
        out_shape=jax.ShapeDtypeStruct((n, d_h), f32),
    )(x, W1, dinv)

    agg_fn = _make_agg(n_pad, e_pad, d_h)
    agg1 = agg_fn(y1, src_p2, dst_p2)

    t, stats = pl.pallas_call(
        _tc2_body,
        grid=(grid,),
        in_specs=[
            pl.BlockSpec((2, r, d_h), lambda i: (0, i, 0)),
            _row_specs(r, d_h),
            pl.BlockSpec((r, 1), lambda i: (i, 0)),
            pl.BlockSpec((d_h,), lambda i: (0,)),
        ],
        out_specs=[_row_specs(r, d_h), pl.BlockSpec((8, d_h), lambda i: (0, 0))],
        out_shape=[
            jax.ShapeDtypeStruct((n, d_h), f32),
            jax.ShapeDtypeStruct((8, d_h), f32),
        ],
        scratch_shapes=[pltpu.VMEM((8, d_h), f32)],
    )(agg1, y1, dinv, b1)

    y2 = pl.pallas_call(
        functools.partial(_tc3_body, float(n)),
        grid=(grid,),
        in_specs=[
            _row_specs(r, d_h),
            pl.BlockSpec((8, d_h), lambda i: (0, 0)),
            pl.BlockSpec((d_h,), lambda i: (0,)),
            pl.BlockSpec((d_h,), lambda i: (0,)),
            pl.BlockSpec((r, 1), lambda i: (i, 0)),
            pl.BlockSpec((d_h, d_out), lambda i: (0, 0)),
        ],
        out_specs=_row_specs(r, d_out),
        out_shape=jax.ShapeDtypeStruct((n, d_out), f32),
    )(t, stats, gamma, beta, dinv, W2)

    agg2 = agg_fn(y2, src_p2, dst_p2)

    out = pl.pallas_call(
        _tc4_body,
        grid=(grid,),
        in_specs=[
            pl.BlockSpec((2, r, d_out), lambda i: (0, i, 0)),
            _row_specs(r, d_out),
            pl.BlockSpec((r, 1), lambda i: (i, 0)),
            pl.BlockSpec((d_out,), lambda i: (0,)),
        ],
        out_specs=_row_specs(r, d_out),
        out_shape=jax.ShapeDtypeStruct((n, d_out), f32),
    )(agg2, y2, dinv, b2)

    return out

# --- scband reference (transcript-rebuilt; emitter-appended) ---
"""Pipeline reference for scband-gcn-21646635172410 (READ-ONLY COPY).

The authoritative reference and input builder live on the scoring server;
editing this copy changes nothing except your own understanding.
"""

import jax, jax.numpy as jnp
import numpy as np

N = 10000
E = 320000
D_IN = 128
D_H = 128
D_OUT = 128


def setup_inputs(seed: int = 0) -> dict:
    key = jax.random.key(seed)
    ks = jax.random.split(key, 8)
    x = jax.random.normal(ks[0], (N, D_IN), dtype=jnp.float32)
    edge_index = jax.random.randint(ks[1], (2, E), 0, N).astype(jnp.int64)
    W1 = jax.random.normal(ks[2], (D_IN, D_H), dtype=jnp.float32) * (1.0 / np.sqrt(D_IN))
    b1 = jnp.zeros((D_H,), dtype=jnp.float32)
    gamma = jnp.ones((D_H,), dtype=jnp.float32)
    beta = jnp.zeros((D_H,), dtype=jnp.float32)
    W2 = jax.random.normal(ks[3], (D_H, D_OUT), dtype=jnp.float32) * (1.0 / np.sqrt(D_H))
    b2 = jnp.zeros((D_OUT,), dtype=jnp.float32)
    return {"x": x, "edge_index": edge_index, "W1": W1, "b1": b1,
            "gamma": gamma, "beta": beta, "W2": W2, "b2": b2}


def _gcn_conv(x, W, b, src, dst, n):
    # PyG GCNConv: add self-loops, symmetric degree normalization, linear, scatter-add
    loop = jnp.arange(n, dtype=src.dtype)
    src2 = jnp.concatenate([src, loop])
    dst2 = jnp.concatenate([dst, loop])
    deg = jnp.zeros((n,), dtype=x.dtype).at[dst2].add(1.0)
    dinv = jnp.where(deg > 0, deg ** -0.5, 0.0)
    norm = dinv[src2] * dinv[dst2]
    xw = x @ W
    msg = xw[src2] * norm[:, None]
    out = jnp.zeros((n, W.shape[1]), dtype=x.dtype).at[dst2].add(msg)
    return out + b


def reference(x, edge_index, W1, b1, gamma, beta, W2, b2):
    src = edge_index[0]
    dst = edge_index[1]
    h = _gcn_conv(x, W1, b1, src, dst, N)
    # BatchNorm1d over node dimension (batch statistics)
    mean = jnp.mean(h, axis=0)
    var = jnp.var(h, axis=0)
    h = (h - mean) / jnp.sqrt(var + 1e-5) * gamma + beta
    h = jax.nn.relu(h)
    # dropout is identity in eval mode
    out = _gcn_conv(h, W2, b2, src, dst, N)
    return out

if __name__ == "__main__":
    import jax
    _d = setup_inputs()
    print(jax.jit(kernel)(*tuple(_d.values())))

</pallas_src>

<mosaic_0001>
#map = affine_map<(d0, d1) -> (0, 0)>
#map1 = affine_map<(d0, d1) -> (0, 0, 0)>
module attributes {stable_mosaic.version = 14 : i64} {
  func.func @agg(%arg0: i32, %arg1: i32, %arg2: memref<10000x128xf32, #tpu.memory_space<hbm>>, %arg3: memref<2560x128xi32, #tpu.memory_space<hbm>>, %arg4: memref<2560x128xi32, #tpu.memory_space<hbm>>, %arg5: memref<2x10240x128xf32, #tpu.memory_space<hbm>>, %arg6: memref<40x128xi32, #tpu.memory_space<vmem>>, %arg7: memref<40x128xi32, #tpu.memory_space<vmem>>, %arg8: memref<2x128x128xf32, #tpu.memory_space<vmem>>, %arg9: memref<10240x128xf32, #tpu.memory_space<vmem_shared>>, %arg10: memref<!tpu.dma_semaphore, #tpu.memory_space<semaphore_mem>>) attributes {dimension_semantics = [#tpu.dimension_semantics<core_parallel>, #tpu.dimension_semantics<subcore_parallel>], iteration_bounds = array<i64: 2, 16>, scalar_prefetch = 0 : i64, scratch_operands = 5 : i64, tpu.core_type = #tpu.core_type<sc_vector_subcore>, window_params = [{transform_indices = #map}, {transform_indices = #map}, {transform_indices = #map}, {transform_indices = #map1}]} {
    %mul3A = arith.constant 2 : i32
    %mul3A_0 = arith.muli %arg1, %mul3A : i32
    %add3A = arith.addi %mul3A_0, %arg0 : i32
    %scan3A = arith.constant 0 : i32
    %scan3A_1 = arith.constant 0 : i32
    %scan3A_2 = arith.constant 1024 : i32
    %scan3A_3 = arith.addi %scan3A_1, %scan3A_2 : i32
    %scan3A_4 = arith.constant 1 : i32
    %scan3A_5 = scf.for %scan3A_225 = %scan3A_1 to %scan3A_3 step %scan3A_4 iter_args(%scan3A_226 = %scan3A) -> (i32)  : i32 {
      %broadcast_in_dim3A = arith.constant 0.000000e+00 : f32
      %broadcast_in_dim3A_227 = vector.broadcast %broadcast_in_dim3A : f32 to vector<16xf32>
      %jit3A = arith.constant 8 : i32
      %div3A = arith.divsi %scan3A_225, %jit3A : i32
      %sign3A = arith.constant 0 : i32
      %sign3A_228 = arith.cmpi sgt, %scan3A_225, %sign3A : i32
      %sign3A_229 = arith.extui %sign3A_228 : i1 to i32
      %sign3A_230 = arith.constant 0 : i32
      %sign3A_231 = arith.cmpi slt, %scan3A_225, %sign3A_230 : i32
      %sign3A_232 = arith.extui %sign3A_231 : i1 to i32
      %sign3A_233 = arith.subi %sign3A_229, %sign3A_232 : i32
      %sign3A_234 = arith.constant 0 : i32
      %sign3A_235 = arith.cmpi sgt, %jit3A, %sign3A_234 : i32
      %sign3A_236 = arith.extui %sign3A_235 : i1 to i32
      %sign3A_237 = arith.constant 0 : i32
      %sign3A_238 = arith.cmpi slt, %jit3A, %sign3A_237 : i32
      %sign3A_239 = arith.extui %sign3A_238 : i1 to i32
      %sign3A_240 = arith.subi %sign3A_236, %sign3A_239 : i32
      %ne3A = arith.cmpi ne, %sign3A_233, %sign3A_240 : i32
      %rem3A = arith.remsi %scan3A_225, %jit3A : i32
      %ne3A_241 = arith.constant 0 : i32
      %ne3A_242 = arith.cmpi ne, %rem3A, %ne3A_241 : i32
      %and3A = arith.andi %ne3A, %ne3A_242 : i1
      %sub3A = arith.constant 1 : i32
      %sub3A_243 = arith.subi %div3A, %sub3A : i32
      %select_n3A = arith.select %and3A, %sub3A_243, %div3A : i32
      %jit3A_244 = arith.constant 8 : i32
      %eq3A = arith.constant 0 : i32
      %eq3A_245 = arith.cmpi eq, %jit3A_244, %eq3A : i32
      %jit3A_246 = arith.constant 1 : i32
      %select_n3A_247 = arith.select %eq3A_245, %jit3A_246, %jit3A_244 : i32
      %rem3A_248 = arith.remsi %scan3A_225, %select_n3A_247 : i32
      %ne3A_249 = arith.constant 0 : i32
      %ne3A_250 = arith.cmpi ne, %rem3A_248, %ne3A_249 : i32
      %lt3A = arith.constant 0 : i32
      %lt3A_251 = arith.cmpi slt, %rem3A_248, %lt3A : i32
      %lt3A_252 = arith.constant 0 : i32
      %lt3A_253 = arith.cmpi slt, %select_n3A_247, %lt3A_252 : i32
      %ne3A_254 = arith.xori %lt3A_251, %lt3A_253 : i1
      %and3A_255 = arith.andi %ne3A_254, %ne3A_250 : i1
      %add3A_256 = arith.addi %rem3A_248, %select_n3A_247 : i32
      %select_n3A_257 = arith.select %and3A_255, %add3A_256, %rem3A_248 : i32
      %mul3A_258 = arith.constant 16 : i32
      %mul3A_259 = arith.muli %select_n3A_257, %mul3A_258 : i32
      %swap3A = arith.constant 0 : i32
      %swap3A_260 = arith.index_cast %swap3A : i32 to index
      %swap3A_261 = arith.index_cast %select_n3A : i32 to index
      %swap3A_262 = arith.index_cast %mul3A_259 : i32 to index
      %swap3A_263 = tpu.vector_load %arg8[%swap3A_260, %swap3A_261, %swap3A_262] {strides = array<i32>} : memref<2x128x128xf32, #tpu.memory_space<vmem>>, vector<1x1x16xf32>,
      %swap3A_264 = vector.shape_cast %swap3A_263 : vector<1x1x16xf32> to vector<16xf32>
      %swap3A_265 = vector.shape_cast %broadcast_in_dim3A_227 : vector<16xf32> to vector<1x1x16xf32>
      tpu.vector_store %arg8[%swap3A_260, %swap3A_261, %swap3A_262], %swap3A_265 {strides = array<i32>} : memref<2x128x128xf32, #tpu.memory_space<vmem>>, vector<1x1x16xf32>,
      %scan3A_266 = arith.constant 0 : i32
      scf.yield %scan3A_266 : i32
    }
    %scan3A_6 = arith.constant 1024 : i32
    %mul3A_7 = arith.constant 640 : i32
    %mul3A_8 = arith.muli %arg1, %mul3A_7 : i32
    %add3A_9 = arith.constant 0 : i32
    %add3A_10 = arith.addi %mul3A_8, %add3A_9 : i32
    %dma_start3A = arith.constant 0 : i32
    %dma_start3A_11 = arith.constant 0 : i32
    %dma_start3A_12 = arith.constant 0 : i32
    %dma_start3A_13 = tpu.memref_slice %arg8[%dma_start3A, %dma_start3A_11, %dma_start3A_12] : memref<2x128x128xf32, #tpu.memory_space<vmem>> -> memref<1x128x128xf32, #tpu.memory_space<vmem>>
    %dma_start3A_14 = tpu.memref_squeeze %dma_start3A_13 : memref<1x128x128xf32, #tpu.memory_space<vmem>> -> memref<128x128xf32, #tpu.memory_space<vmem>>
    %dma_start3A_15 = arith.constant 0 : i32
    %dma_start3A_16 = tpu.memref_slice %arg9[%add3A_10, %dma_start3A_15] : memref<10240x128xf32, #tpu.memory_space<vmem_shared>> -> memref<128x128xf32, #tpu.memory_space<vmem_shared>>
    %dma_start3A_17 = arith.constant 0 : i32
    %dma_start3A_18 = tpu.memref_slice %arg9[%add3A_10, %dma_start3A_17] : memref<10240x128xf32, #tpu.memory_space<vmem_shared>> -> memref<128x128xf32, #tpu.memory_space<vmem_shared>>
    %dma_start3A_19 = arith.constant 0 : i32
    %dma_start3A_20 = arith.constant 0 : i32
    %dma_start3A_21 = tpu.memref_slice %arg8[%dma_start3A, %dma_start3A_19, %dma_start3A_20] : memref<2x128x128xf32, #tpu.memory_space<vmem>> -> memref<1x128x128xf32, #tpu.memory_space<vmem>>
    %dma_start3A_22 = tpu.memref_squeeze %dma_start3A_21 : memref<1x128x128xf32, #tpu.memory_space<vmem>> -> memref<128x128xf32, #tpu.memory_space<vmem>>
    tpu.enqueue_dma source(%dma_start3A_22 : memref<128x128xf32, #tpu.memory_space<vmem>>) target(%dma_start3A_18 : memref<128x128xf32, #tpu.memory_space<vmem_shared>>) target_semaphore(%arg10 : memref<!tpu.dma_semaphore, #tpu.memory_space<semaphore_mem>>)
    %add3A_23 = arith.constant 128 : i32
    %add3A_24 = arith.addi %mul3A_8, %add3A_23 : i32
    %dma_start3A_25 = arith.constant 0 : i32
    %dma_start3A_26 = arith.constant 0 : i32
    %dma_start3A_27 = arith.constant 0 : i32
    %dma_start3A_28 = tpu.memref_slice %arg8[%dma_start3A_25, %dma_start3A_26, %dma_start3A_27] : memref<2x128x128xf32, #tpu.memory_space<vmem>> -> memref<1x128x128xf32, #tpu.memory_space<vmem>>
    %dma_start3A_29 = tpu.memref_squeeze %dma_start3A_28 : memref<1x128x128xf32, #tpu.memory_space<vmem>> -> memref<128x128xf32, #tpu.memory_space<vmem>>
    %dma_start3A_30 = arith.constant 0 : i32
    %dma_start3A_31 = tpu.memref_slice %arg9[%add3A_24, %dma_start3A_30] : memref<10240x128xf32, #tpu.memory_space<vmem_shared>> -> memref<128x128xf32, #tpu.memory_space<vmem_shared>>
    %dma_start3A_32 = arith.constant 0 : i32
    %dma_start3A_33 = tpu.memref_slice %arg9[%add3A_24, %dma_start3A_32] : memref<10240x128xf32, #tpu.memory_space<vmem_shared>> -> memref<128x128xf32, #tpu.memory_space<vmem_shared>>
    %dma_start3A_34 = arith.constant 0 : i32
    %dma_start3A_35 = arith.constant 0 : i32
    %dma_start3A_36 = tpu.memref_slice %arg8[%dma_start3A_25, %dma_start3A_34, %dma_start3A_35] : memref<2x128x128xf32, #tpu.memory_space<vmem>> -> memref<1x128x128xf32, #tpu.memory_space<vmem>>
    %dma_start3A_37 = tpu.memref_squeeze %dma_start3A_36 : memref<1x128x128xf32, #tpu.memory_space<vmem>> -> memref<128x128xf32, #tpu.memory_space<vmem>>
    tpu.enqueue_dma source(%dma_start3A_37 : memref<128x128xf32, #tpu.memory_space<vmem>>) target(%dma_start3A_33 : memref<128x128xf32, #tpu.memory_space<vmem_shared>>) target_semaphore(%arg10 : memref<!tpu.dma_semaphore, #tpu.memory_space<semaphore_mem>>)
    %add3A_38 = arith.constant 256 : i32
    %add3A_39 = arith.addi %mul3A_8, %add3A_38 : i32
    %dma_start3A_40 = arith.constant 0 : i32
    %dma_start3A_41 = arith.constant 0 : i32
    %dma_start3A_42 = arith.constant 0 : i32
    %dma_start3A_43 = tpu.memref_slice %arg8[%dma_start3A_40, %dma_start3A_41, %dma_start3A_42] : memref<2x128x128xf32, #tpu.memory_space<vmem>> -> memref<1x128x128xf32, #tpu.memory_space<vmem>>
    %dma_start3A_44 = tpu.memref_squeeze %dma_start3A_43 : memref<1x128x128xf32, #tpu.memory_space<vmem>> -> memref<128x128xf32, #tpu.memory_space<vmem>>
    %dma_start3A_45 = arith.constant 0 : i32
    %dma_start3A_46 = tpu.memref_slice %arg9[%add3A_39, %dma_start3A_45] : memref<10240x128xf32, #tpu.memory_space<vmem_shared>> -> memref<128x128xf32, #tpu.memory_space<vmem_shared>>
    %dma_start3A_47 = arith.constant 0 : i32
    %dma_start3A_48 = tpu.memref_slice %arg9[%add3A_39, %dma_start3A_47] : memref<10240x128xf32, #tpu.memory_space<vmem_shared>> -> memref<128x128xf32, #tpu.memory_space<vmem_shared>>
    %dma_start3A_49 = arith.constant 0 : i32
    %dma_start3A_50 = arith.constant 0 : i32
    %dma_start3A_51 = tpu.memref_slice %arg8[%dma_start3A_40, %dma_start3A_49, %dma_start3A_50] : memref<2x128x128xf32, #tpu.memory_space<vmem>> -> memref<1x128x128xf32, #tpu.memory_space<vmem>>
    %dma_start3A_52 = tpu.memref_squeeze %dma_start3A_51 : memref<1x128x128xf32, #tpu.memory_space<vmem>> -> memref<128x128xf32, #tpu.memory_space<vmem>>
    tpu.enqueue_dma source(%dma_start3A_52 : memref<128x128xf32, #tpu.memory_space<vmem>>) target(%dma_start3A_48 : memref<128x128xf32, #tpu.memory_space<vmem_shared>>) target_semaphore(%arg10 : memref<!tpu.dma_semaphore, #tpu.memory_space<semaphore_mem>>)
    %add3A_53 = arith.constant 384 : i32
    %add3A_54 = arith.addi %mul3A_8, %add3A_53 : i32
    %dma_start3A_55 = arith.constant 0 : i32
    %dma_start3A_56 = arith.constant 0 : i32
    %dma_start3A_57 = arith.constant 0 : i32
    %dma_start3A_58 = tpu.memref_slice %arg8[%dma_start3A_55, %dma_start3A_56, %dma_start3A_57] : memref<2x128x128xf32, #tpu.memory_space<vmem>> -> memref<1x128x128xf32, #tpu.memory_space<vmem>>
    %dma_start3A_59 = tpu.memref_squeeze %dma_start3A_58 : memref<1x128x128xf32, #tpu.memory_space<vmem>> -> memref<128x128xf32, #tpu.memory_space<vmem>>
    %dma_start3A_60 = arith.constant 0 : i32
    %dma_start3A_61 = tpu.memref_slice %arg9[%add3A_54, %dma_start3A_60] : memref<10240x128xf32, #tpu.memory_space<vmem_shared>> -> memref<128x128xf32, #tpu.memory_space<vmem_shared>>
    %dma_start3A_62 = arith.constant 0 : i32
    %dma_start3A_63 = tpu.memref_slice %arg9[%add3A_54, %dma_start3A_62] : memref<10240x128xf32, #tpu.memory_space<vmem_shared>> -> memref<128x128xf32, #tpu.memory_space<vmem_shared>>
    %dma_start3A_64 = arith.constant 0 : i32
    %dma_start3A_65 = arith.constant 0 : i32
    %dma_start3A_66 = tpu.memref_slice %arg8[%dma_start3A_55, %dma_start3A_64, %dma_start3A_65] : memref<2x128x128xf32, #tpu.memory_space<vmem>> -> memref<1x128x128xf32, #tpu.memory_space<vmem>>
    %dma_start3A_67 = tpu.memref_squeeze %dma_start3A_66 : memref<1x128x128xf32, #tpu.memory_space<vmem>> -> memref<128x128xf32, #tpu.memory_space<vmem>>
    tpu.enqueue_dma source(%dma_start3A_67 : memref<128x128xf32, #tpu.memory_space<vmem>>) target(%dma_start3A_63 : memref<128x128xf32, #tpu.memory_space<vmem_shared>>) target_semaphore(%arg10 : memref<!tpu.dma_semaphore, #tpu.memory_space<semaphore_mem>>)
    %add3A_68 = arith.constant 512 : i32
    %add3A_69 = arith.addi %mul3A_8, %add3A_68 : i32
    %dma_start3A_70 = arith.constant 0 : i32
    %dma_start3A_71 = arith.constant 0 : i32
    %dma_start3A_72 = arith.constant 0 : i32
    %dma_start3A_73 = tpu.memref_slice %arg8[%dma_start3A_70, %dma_start3A_71, %dma_start3A_72] : memref<2x128x128xf32, #tpu.memory_space<vmem>> -> memref<1x128x128xf32, #tpu.memory_space<vmem>>
    %dma_start3A_74 = tpu.memref_squeeze %dma_start3A_73 : memref<1x128x128xf32, #tpu.memory_space<vmem>> -> memref<128x128xf32, #tpu.memory_space<vmem>>
    %dma_start3A_75 = arith.constant 0 : i32
    %dma_start3A_76 = tpu.memref_slice %arg9[%add3A_69, %dma_start3A_75] : memref<10240x128xf32, #tpu.memory_space<vmem_shared>> -> memref<128x128xf32, #tpu.memory_space<vmem_shared>>
    %dma_start3A_77 = arith.constant 0 : i32
    %dma_start3A_78 = tpu.memref_slice %arg9[%add3A_69, %dma_start3A_77] : memref<10240x128xf32, #tpu.memory_space<vmem_shared>> -> memref<128x128xf32, #tpu.memory_space<vmem_shared>>
    %dma_start3A_79 = arith.constant 0 : i32
    %dma_start3A_80 = arith.constant 0 : i32
    %dma_start3A_81 = tpu.memref_slice %arg8[%dma_start3A_70, %dma_start3A_79, %dma_start3A_80] : memref<2x128x128xf32, #tpu.memory_space<vmem>> -> memref<1x128x128xf32, #tpu.memory_space<vmem>>
    %dma_start3A_82 = tpu.memref_squeeze %dma_start3A_81 : memref<1x128x128xf32, #tpu.memory_space<vmem>> -> memref<128x128xf32, #tpu.memory_space<vmem>>
    tpu.enqueue_dma source(%dma_start3A_82 : memref<128x128xf32, #tpu.memory_space<vmem>>) target(%dma_start3A_78 : memref<128x128xf32, #tpu.memory_space<vmem_shared>>) target_semaphore(%arg10 : memref<!tpu.dma_semaphore, #tpu.memory_space<semaphore_mem>>)
    %dma_wait3A = arith.constant 0 : i32
    %dma_wait3A_83 = arith.constant 0 : i32
    %dma_wait3A_84 = arith.constant 0 : i32
    %dma_wait3A_85 = tpu.memref_slice %arg8[%dma_wait3A, %dma_wait3A_83, %dma_wait3A_84] : memref<2x128x128xf32, #tpu.memory_space<vmem>> -> memref<1x128x128xf32, #tpu.memory_space<vmem>>
    %dma_wait3A_86 = tpu.memref_squeeze %dma_wait3A_85 : memref<1x128x128xf32, #tpu.memory_space<vmem>> -> memref<128x128xf32, #tpu.memory_space<vmem>>
    %dma_wait3A_87 = arith.constant 0 : i32
    %dma_wait3A_88 = tpu.memref_slice %arg9[%add3A_10, %dma_wait3A_87] : memref<10240x128xf32, #tpu.memory_space<vmem_shared>> -> memref<128x128xf32, #tpu.memory_space<vmem_shared>>
    %dma_wait3A_89 = arith.constant 0 : i32
    %dma_wait3A_90 = tpu.memref_slice %arg9[%add3A_10, %dma_wait3A_89] : memref<10240x128xf32, #tpu.memory_space<vmem_shared>> -> memref<128x128xf32, #tpu.memory_space<vmem_shared>>
    %dma_wait3A_91 = arith.constant 0 : i32
    %dma_wait3A_92 = arith.constant 0 : i32
    %dma_wait3A_93 = tpu.memref_slice %arg8[%dma_wait3A, %dma_wait3A_91, %dma_wait3A_92] : memref<2x128x128xf32, #tpu.memory_space<vmem>> -> memref<1x128x128xf32, #tpu.memory_space<vmem>>
    %dma_wait3A_94 = tpu.memref_squeeze %dma_wait3A_93 : memref<1x128x128xf32, #tpu.memory_space<vmem>> -> memref<128x128xf32, #tpu.memory_space<vmem>>
    tpu.wait_dma2 semaphore(%arg10 : memref<!tpu.dma_semaphore, #tpu.memory_space<semaphore_mem>>) src(%dma_wait3A_94 : memref<128x128xf32, #tpu.memory_space<vmem>>) dst(%dma_wait3A_90 : memref<128x128xf32, #tpu.memory_space<vmem_shared>>)
    %dma_wait3A_95 = arith.constant 0 : i32
    %dma_wait3A_96 = arith.constant 0 : i32
    %dma_wait3A_97 = arith.constant 0 : i32
    %dma_wait3A_98 = tpu.memref_slice %arg8[%dma_wait3A_95, %dma_wait3A_96, %dma_wait3A_97] : memref<2x128x128xf32, #tpu.memory_space<vmem>> -> memref<1x128x128xf32, #tpu.memory_space<vmem>>
    %dma_wait3A_99 = tpu.memref_squeeze %dma_wait3A_98 : memref<1x128x128xf32, #tpu.memory_space<vmem>> -> memref<128x128xf32, #tpu.memory_space<vmem>>
    %dma_wait3A_100 = arith.constant 0 : i32
    %dma_wait3A_101 = tpu.memref_slice %arg9[%add3A_24, %dma_wait3A_100] : memref<10240x128xf32, #tpu.memory_space<vmem_shared>> -> memref<128x128xf32, #tpu.memory_space<vmem_shared>>
    %dma_wait3A_102 = arith.constant 0 : i32
    %dma_wait3A_103 = tpu.memref_slice %arg9[%add3A_24, %dma_wait3A_102] : memref<10240x128xf32, #tpu.memory_space<vmem_shared>> -> memref<128x128xf32, #tpu.memory_space<vmem_shared>>
    %dma_wait3A_104 = arith.constant 0 : i32
    %dma_wait3A_105 = arith.constant 0 : i32
    %dma_wait3A_106 = tpu.memref_slice %arg8[%dma_wait3A_95, %dma_wait3A_104, %dma_wait3A_105] : memref<2x128x128xf32, #tpu.memory_space<vmem>> -> memref<1x128x128xf32, #tpu.memory_space<vmem>>
    %dma_wait3A_107 = tpu.memref_squeeze %dma_wait3A_106 : memref<1x128x128xf32, #tpu.memory_space<vmem>> -> memref<128x128xf32, #tpu.memory_space<vmem>>
    tpu.wait_dma2 semaphore(%arg10 : memref<!tpu.dma_semaphore, #tpu.memory_space<semaphore_mem>>) src(%dma_wait3A_107 : memref<128x128xf32, #tpu.memory_space<vmem>>) dst(%dma_wait3A_103 : memref<128x128xf32, #tpu.memory_space<vmem_shared>>)
    %dma_wait3A_108 = arith.constant 0 : i32
    %dma_wait3A_109 = arith.constant 0 : i32
    %dma_wait3A_110 = arith.constant 0 : i32
    %dma_wait3A_111 = tpu.memref_slice %arg8[%dma_wait3A_108, %dma_wait3A_109, %dma_wait3A_110] : memref<2x128x128xf32, #tpu.memory_space<vmem>> -> memref<1x128x128xf32, #tpu.memory_space<vmem>>
    %dma_wait3A_112 = tpu.memref_squeeze %dma_wait3A_111 : memref<1x128x128xf32, #tpu.memory_space<vmem>> -> memref<128x128xf32, #tpu.memory_space<vmem>>
    %dma_wait3A_113 = arith.constant 0 : i32
    %dma_wait3A_114 = tpu.memref_slice %arg9[%add3A_39, %dma_wait3A_113] : memref<10240x128xf32, #tpu.memory_space<vmem_shared>> -> memref<128x128xf32, #tpu.memory_space<vmem_shared>>
    %dma_wait3A_115 = arith.constant 0 : i32
    %dma_wait3A_116 = tpu.memref_slice %arg9[%add3A_39, %dma_wait3A_115] : memref<10240x128xf32, #tpu.memory_space<vmem_shared>> -> memref<128x128xf32, #tpu.memory_space<vmem_shared>>
    %dma_wait3A_117 = arith.constant 0 : i32
    %dma_wait3A_118 = arith.constant 0 : i32
    %dma_wait3A_119 = tpu.memref_slice %arg8[%dma_wait3A_108, %dma_wait3A_117, %dma_wait3A_118] : memref<2x128x128xf32, #tpu.memory_space<vmem>> -> memref<1x128x128xf32, #tpu.memory_space<vmem>>
    %dma_wait3A_120 = tpu.memref_squeeze %dma_wait3A_119 : memref<1x128x128xf32, #tpu.memory_space<vmem>> -> memref<128x128xf32, #tpu.memory_space<vmem>>
    tpu.wait_dma2 semaphore(%arg10 : memref<!tpu.dma_semaphore, #tpu.memory_space<semaphore_mem>>) src(%dma_wait3A_120 : memref<128x128xf32, #tpu.memory_space<vmem>>) dst(%dma_wait3A_116 : memref<128x128xf32, #tpu.memory_space<vmem_shared>>)
    %dma_wait3A_121 = arith.constant 0 : i32
    %dma_wait3A_122 = arith.constant 0 : i32
    %dma_wait3A_123 = arith.constant 0 : i32
    %dma_wait3A_124 = tpu.memref_slice %arg8[%dma_wait3A_121, %dma_wait3A_122, %dma_wait3A_123] : memref<2x128x128xf32, #tpu.memory_space<vmem>> -> memref<1x128x128xf32, #tpu.memory_space<vmem>>
    %dma_wait3A_125 = tpu.memref_squeeze %dma_wait3A_124 : memref<1x128x128xf32, #tpu.memory_space<vmem>> -> memref<128x128xf32, #tpu.memory_space<vmem>>
    %dma_wait3A_126 = arith.constant 0 : i32
    %dma_wait3A_127 = tpu.memref_slice %arg9[%add3A_54, %dma_wait3A_126] : memref<10240x128xf32, #tpu.memory_space<vmem_shared>> -> memref<128x128xf32, #tpu.memory_space<vmem_shared>>
    %dma_wait3A_128 = arith.constant 0 : i32
    %dma_wait3A_129 = tpu.memref_slice %arg9[%add3A_54, %dma_wait3A_128] : memref<10240x128xf32, #tpu.memory_space<vmem_shared>> -> memref<128x128xf32, #tpu.memory_space<vmem_shared>>
    %dma_wait3A_130 = arith.constant 0 : i32
    %dma_wait3A_131 = arith.constant 0 : i32
    %dma_wait3A_132 = tpu.memref_slice %arg8[%dma_wait3A_121, %dma_wait3A_130, %dma_wait3A_131] : memref<2x128x128xf32, #tpu.memory_space<vmem>> -> memref<1x128x128xf32, #tpu.memory_space<vmem>>
    %dma_wait3A_133 = tpu.memref_squeeze %dma_wait3A_132 : memref<1x128x128xf32, #tpu.memory_space<vmem>> -> memref<128x128xf32, #tpu.memory_space<vmem>>
    tpu.wait_dma2 semaphore(%arg10 : memref<!tpu.dma_semaphore, #tpu.memory_space<semaphore_mem>>) src(%dma_wait3A_133 : memref<128x128xf32, #tpu.memory_space<vmem>>) dst(%dma_wait3A_129 : memref<128x128xf32, #tpu.memory_space<vmem_shared>>)
    %dma_wait3A_134 = arith.constant 0 : i32
    %dma_wait3A_135 = arith.constant 0 : i32
    %dma_wait3A_136 = arith.constant 0 : i32
    %dma_wait3A_137 = tpu.memref_slice %arg8[%dma_wait3A_134, %dma_wait3A_135, %dma_wait3A_136] : memref<2x128x128xf32, #tpu.memory_space<vmem>> -> memref<1x128x128xf32, #tpu.memory_space<vmem>>
    %dma_wait3A_138 = tpu.memref_squeeze %dma_wait3A_137 : memref<1x128x128xf32, #tpu.memory_space<vmem>> -> memref<128x128xf32, #tpu.memory_space<vmem>>
    %dma_wait3A_139 = arith.constant 0 : i32
    %dma_wait3A_140 = tpu.memref_slice %arg9[%add3A_69, %dma_wait3A_139] : memref<10240x128xf32, #tpu.memory_space<vmem_shared>> -> memref<128x128xf32, #tpu.memory_space<vmem_shared>>
    %dma_wait3A_141 = arith.constant 0 : i32
    %dma_wait3A_142 = tpu.memref_slice %arg9[%add3A_69, %dma_wait3A_141] : memref<10240x128xf32, #tpu.memory_space<vmem_shared>> -> memref<128x128xf32, #tpu.memory_space<vmem_shared>>
    %dma_wait3A_143 = arith.constant 0 : i32
    %dma_wait3A_144 = arith.constant 0 : i32
    %dma_wait3A_145 = tpu.memref_slice %arg8[%dma_wait3A_134, %dma_wait3A_143, %dma_wait3A_144] : memref<2x128x128xf32, #tpu.memory_space<vmem>> -> memref<1x128x128xf32, #tpu.memory_space<vmem>>
    %dma_wait3A_146 = tpu.memref_squeeze %dma_wait3A_145 : memref<1x128x128xf32, #tpu.memory_space<vmem>> -> memref<128x128xf32, #tpu.memory_space<vmem>>
    tpu.wait_dma2 semaphore(%arg10 : memref<!tpu.dma_semaphore, #tpu.memory_space<semaphore_mem>>) src(%dma_wait3A_146 : memref<128x128xf32, #tpu.memory_space<vmem>>) dst(%dma_wait3A_142 : memref<128x128xf32, #tpu.memory_space<vmem_shared>>)
    %barrier3A = arith.constant 0 : index
    tpu.barrier barrier_id(%barrier3A)
    %scan3A_147 = arith.constant 0 : i32
    %scan3A_148 = arith.constant 0 : i32
    %scan3A_149 = arith.constant 2 : i32
    %scan3A_150 = arith.addi %scan3A_148, %scan3A_149 : i32
    %scan3A_151 = arith.constant 1 : i32
    %scan3A_152 = scf.for %scan3A_225 = %scan3A_148 to %scan3A_150 step %scan3A_151 iter_args(%scan3A_226 = %scan3A_147) -> (i32)  : i32 {
      %mul3A_227 = arith.constant 80 : i32
      %mul3A_228 = arith.muli %add3A, %mul3A_227 : i32
      %mul3A_229 = arith.constant 40 : i32
      %mul3A_230 = arith.muli %scan3A_225, %mul3A_229 : i32
      %add3A_231 = arith.addi %mul3A_228, %mul3A_230 : i32
      "tpu.region"() ({
        %run_scoped3A = tpu.sem_alloc : memref<!tpu.dma_semaphore, #tpu.memory_space<semaphore_mem>>
        %dma_start3A_240 = arith.constant 0 : i32
        %dma_start3A_241 = tpu.memref_slice %arg3[%add3A_231, %dma_start3A_240] : memref<2560x128xi32, #tpu.memory_space<hbm>> -> memref<40x128xi32, #tpu.memory_space<hbm>>
        %dma_start3A_242 = arith.constant 0 : i32
        %dma_start3A_243 = tpu.memref_slice %arg3[%add3A_231, %dma_start3A_242] : memref<2560x128xi32, #tpu.memory_space<hbm>> -> memref<40x128xi32, #tpu.memory_space<hbm>>
        tpu.enqueue_dma source(%dma_start3A_243 : memref<40x128xi32, #tpu.memory_space<hbm>>) target(%arg6 : memref<40x128xi32, #tpu.memory_space<vmem>>) target_semaphore(%run_scoped3A : memref<!tpu.dma_semaphore, #tpu.memory_space<semaphore_mem>>)
        %dma_wait3A_244 = arith.constant 0 : i32
        %dma_wait3A_245 = tpu.memref_slice %arg3[%add3A_231, %dma_wait3A_244] : memref<2560x128xi32, #tpu.memory_space<hbm>> -> memref<40x128xi32, #tpu.memory_space<hbm>>
        %dma_wait3A_246 = arith.constant 0 : i32
        %dma_wait3A_247 = tpu.memref_slice %arg3[%add3A_231, %dma_wait3A_246] : memref<2560x128xi32, #tpu.memory_space<hbm>> -> memref<40x128xi32, #tpu.memory_space<hbm>>
        tpu.wait_dma2 semaphore(%run_scoped3A : memref<!tpu.dma_semaphore, #tpu.memory_space<semaphore_mem>>) src(%dma_wait3A_247 : memref<40x128xi32, #tpu.memory_space<hbm>>) dst(%arg6 : memref<40x128xi32, #tpu.memory_space<vmem>>)
        tpu.yield
      }) : () -> ()
      "tpu.region"() ({
        %run_scoped3A = tpu.sem_alloc : memref<!tpu.dma_semaphore, #tpu.memory_space<semaphore_mem>>
        %dma_start3A_240 = arith.constant 0 : i32
        %dma_start3A_241 = tpu.memref_slice %arg4[%add3A_231, %dma_start3A_240] : memref<2560x128xi32, #tpu.memory_space<hbm>> -> memref<40x128xi32, #tpu.memory_space<hbm>>
        %dma_start3A_242 = arith.constant 0 : i32
        %dma_start3A_243 = tpu.memref_slice %arg4[%add3A_231, %dma_start3A_242] : memref<2560x128xi32, #tpu.memory_space<hbm>> -> memref<40x128xi32, #tpu.memory_space<hbm>>
        tpu.enqueue_dma source(%dma_start3A_243 : memref<40x128xi32, #tpu.memory_space<hbm>>) target(%arg7 : memref<40x128xi32, #tpu.memory_space<vmem>>) target_semaphore(%run_scoped3A : memref<!tpu.dma_semaphore, #tpu.memory_space<semaphore_mem>>)
        %dma_wait3A_244 = arith.constant 0 : i32
        %dma_wait3A_245 = tpu.memref_slice %arg4[%add3A_231, %dma_wait3A_244] : memref<2560x128xi32, #tpu.memory_space<hbm>> -> memref<40x128xi32, #tpu.memory_space<hbm>>
        %dma_wait3A_246 = arith.constant 0 : i32
        %dma_wait3A_247 = tpu.memref_slice %arg4[%add3A_231, %dma_wait3A_246] : memref<2560x128xi32, #tpu.memory_space<hbm>> -> memref<40x128xi32, #tpu.memory_space<hbm>>
        tpu.wait_dma2 semaphore(%run_scoped3A : memref<!tpu.dma_semaphore, #tpu.memory_space<semaphore_mem>>) src(%dma_wait3A_247 : memref<40x128xi32, #tpu.memory_space<hbm>>) dst(%arg7 : memref<40x128xi32, #tpu.memory_space<vmem>>)
        tpu.yield
      }) : () -> ()
      %scan3A_232 = arith.constant 0 : i32
      %scan3A_233 = arith.constant 0 : i32
      %scan3A_234 = arith.constant 20 : i32
      %scan3A_235 = arith.addi %scan3A_233, %scan3A_234 : i32
      %scan3A_236 = arith.constant 1 : i32
      %scan3A_237 = scf.for %scan3A_240 = %scan3A_233 to %scan3A_235 step %scan3A_236 iter_args(%scan3A_241 = %scan3A_232) -> (i32)  : i32 {
        %mul3A_242 = arith.constant 2 : i32
        %mul3A_243 = arith.muli %scan3A_240, %mul3A_242 : i32
        %add3A_244 = arith.constant 0 : i32
        %add3A_245 = arith.addi %mul3A_243, %add3A_244 : i32
        %dma_start3A_246 = arith.constant 0 : i32
        %dma_start3A_247 = arith.constant 0 : i32
        %dma_start3A_248 = arith.constant 0 : i32
        %dma_start3A_249 = tpu.memref_slice %arg8[%dma_start3A_246, %dma_start3A_247, %dma_start3A_248] : memref<2x128x128xf32, #tpu.memory_space<vmem>> -> memref<1x128x128xf32, #tpu.memory_space<vmem>>
        %dma_start3A_250 = tpu.memref_squeeze %dma_start3A_249 : memref<1x128x128xf32, #tpu.memory_space<vmem>> -> memref<128x128xf32, #tpu.memory_space<vmem>>
        %dma_start3A_251 = arith.constant 0 : i32
        %dma_start3A_252 = tpu.memref_slice %arg6[%add3A_245, %dma_start3A_251] : memref<40x128xi32, #tpu.memory_space<vmem>> -> memref<1x128xi32, #tpu.memory_space<vmem>>
        %dma_start3A_253 = tpu.memref_squeeze %dma_start3A_252 : memref<1x128xi32, #tpu.memory_space<vmem>> -> memref<128xi32, #tpu.memory_space<vmem>>
        %dma_start3A_254 = arith.constant 0 : i32
        %dma_start3A_255 = arith.constant 0 : i32
        %dma_start3A_256 = tpu.memref_slice %arg2[%dma_start3A_254, %dma_start3A_255] : memref<10000x128xf32, #tpu.memory_space<hbm>> -> memref<10000x128xf32, #tpu.memory_space<hbm>>
        tpu.enqueue_indirect_dma source(%dma_start3A_256 : memref<10000x128xf32, #tpu.memory_space<hbm>>) target(%dma_start3A_250 : memref<128x128xf32, #tpu.memory_space<vmem>>) offsets(%dma_start3A_253 : memref<128xi32, #tpu.memory_space<vmem>>) semaphore(%arg10 : memref<!tpu.dma_semaphore, #tpu.memory_space<semaphore_mem>>)
        %mul3A_257 = arith.constant 2 : i32
        %mul3A_258 = arith.muli %scan3A_240, %mul3A_257 : i32
        %add3A_259 = arith.constant 1 : i32
        %add3A_260 = arith.addi %mul3A_258, %add3A_259 : i32
        %dma_start3A_261 = arith.constant 1 : i32
        %dma_start3A_262 = arith.constant 0 : i32
        %dma_start3A_263 = arith.constant 0 : i32
        %dma_start3A_264 = tpu.memref_slice %arg8[%dma_start3A_261, %dma_start3A_262, %dma_start3A_263] : memref<2x128x128xf32, #tpu.memory_space<vmem>> -> memref<1x128x128xf32, #tpu.memory_space<vmem>>
        %dma_start3A_265 = tpu.memref_squeeze %dma_start3A_264 : memref<1x128x128xf32, #tpu.memory_space<vmem>> -> memref<128x128xf32, #tpu.memory_space<vmem>>
        %dma_start3A_266 = arith.constant 0 : i32
        %dma_start3A_267 = tpu.memref_slice %arg6[%add3A_260, %dma_start3A_266] : memref<40x128xi32, #tpu.memory_space<vmem>> -> memref<1x128xi32, #tpu.memory_space<vmem>>
        %dma_start3A_268 = tpu.memref_squeeze %dma_start3A_267 : memref<1x128xi32, #tpu.memory_space<vmem>> -> memref<128xi32, #tpu.memory_space<vmem>>
        %dma_start3A_269 = arith.constant 0 : i32
        %dma_start3A_270 = arith.constant 0 : i32
        %dma_start3A_271 = tpu.memref_slice %arg2[%dma_start3A_269, %dma_start3A_270] : memref<10000x128xf32, #tpu.memory_space<hbm>> -> memref<10000x128xf32, #tpu.memory_space<hbm>>
        tpu.enqueue_indirect_dma source(%dma_start3A_271 : memref<10000x128xf32, #tpu.memory_space<hbm>>) target(%dma_start3A_265 : memref<128x128xf32, #tpu.memory_space<vmem>>) offsets(%dma_start3A_268 : memref<128xi32, #tpu.memory_space<vmem>>) semaphore(%arg10 : memref<!tpu.dma_semaphore, #tpu.memory_space<semaphore_mem>>)
        %dma_wait3A_272 = arith.constant 0 : i32
        %dma_wait3A_273 = arith.constant 0 : i32
        %dma_wait3A_274 = arith.constant 0 : i32
        %dma_wait3A_275 = tpu.memref_slice %arg8[%dma_wait3A_272, %dma_wait3A_273, %dma_wait3A_274] : memref<2x128x128xf32, #tpu.memory_space<vmem>> -> memref<1x128x128xf32, #tpu.memory_space<vmem>>
        %dma_wait3A_276 = tpu.memref_squeeze %dma_wait3A_275 : memref<1x128x128xf32, #tpu.memory_space<vmem>> -> memref<128x128xf32, #tpu.memory_space<vmem>>
        %dma_wait3A_277 = arith.constant 0 : i32
        %dma_wait3A_278 = tpu.memref_slice %arg6[%add3A_245, %dma_wait3A_277] : memref<40x128xi32, #tpu.memory_space<vmem>> -> memref<1x128xi32, #tpu.memory_space<vmem>>
        %dma_wait3A_279 = tpu.memref_squeeze %dma_wait3A_278 : memref<1x128xi32, #tpu.memory_space<vmem>> -> memref<128xi32, #tpu.memory_space<vmem>>
        %dma_wait3A_280 = arith.constant 0 : i32
        %dma_wait3A_281 = arith.constant 0 : i32
        %dma_wait3A_282 = tpu.memref_slice %arg2[%dma_wait3A_280, %dma_wait3A_281] : memref<10000x128xf32, #tpu.memory_space<hbm>> -> memref<10000x128xf32, #tpu.memory_space<hbm>>
        tpu.wait_indirect_dma semaphore(%arg10 : memref<!tpu.dma_semaphore, #tpu.memory_space<semaphore_mem>>) src(%dma_wait3A_282 : memref<10000x128xf32, #tpu.memory_space<hbm>>) dst(%dma_wait3A_276 : memref<128x128xf32, #tpu.memory_space<vmem>>)
        %mul3A_283 = arith.constant 2 : i32
        %mul3A_284 = arith.muli %scan3A_240, %mul3A_283 : i32
        %add3A_285 = arith.constant 0 : i32
        %add3A_286 = arith.addi %mul3A_284, %add3A_285 : i32
        %run_scoped3A = arith.constant 0 : i32
        "tpu.region"() ({
          %run_scoped3A_304 = tpu.sem_alloc : memref<!tpu.dma_semaphore, #tpu.memory_space<semaphore_mem>>
          %dma_start3A_305 = arith.constant 0 : i32
          %dma_start3A_306 = arith.constant 0 : i32
          %dma_start3A_307 = tpu.memref_slice %arg8[%run_scoped3A, %dma_start3A_305, %dma_start3A_306] : memref<2x128x128xf32, #tpu.memory_space<vmem>> -> memref<1x128x128xf32, #tpu.memory_space<vmem>>
          %dma_start3A_308 = tpu.memref_squeeze %dma_start3A_307 : memref<1x128x128xf32, #tpu.memory_space<vmem>> -> memref<128x128xf32, #tpu.memory_space<vmem>>
          %dma_start3A_309 = arith.constant 0 : i32
          %dma_start3A_310 = tpu.memref_slice %arg7[%add3A_286, %dma_start3A_309] : memref<40x128xi32, #tpu.memory_space<vmem>> -> memref<1x128xi32, #tpu.memory_space<vmem>>
          %dma_start3A_311 = tpu.memref_squeeze %dma_start3A_310 : memref<1x128xi32, #tpu.memory_space<vmem>> -> memref<128xi32, #tpu.memory_space<vmem>>
          %dma_start3A_312 = arith.constant 0 : i32
          %dma_start3A_313 = arith.constant 0 : i32
          %dma_start3A_314 = tpu.memref_slice %arg9[%dma_start3A_312, %dma_start3A_313] : memref<10240x128xf32, #tpu.memory_space<vmem_shared>> -> memref<10240x128xf32, #tpu.memory_space<vmem_shared>>
          tpu.enqueue_indirect_dma source(%dma_start3A_308 : memref<128x128xf32, #tpu.memory_space<vmem>>) target(%dma_start3A_314 : memref<10240x128xf32, #tpu.memory_space<vmem_shared>>) offsets(%dma_start3A_311 : memref<128xi32, #tpu.memory_space<vmem>>) semaphore(%run_scoped3A_304 : memref<!tpu.dma_semaphore, #tpu.memory_space<semaphore_mem>>) {add = true}
          %dma_wait3A_315 = arith.constant 0 : i32
          %dma_wait3A_316 = arith.constant 0 : i32
          %dma_wait3A_317 = tpu.memref_slice %arg8[%run_scoped3A, %dma_wait3A_315, %dma_wait3A_316] : memref<2x128x128xf32, #tpu.memory_space<vmem>> -> memref<1x128x128xf32, #tpu.memory_space<vmem>>
          %dma_wait3A_318 = tpu.memref_squeeze %dma_wait3A_317 : memref<1x128x128xf32, #tpu.memory_space<vmem>> -> memref<128x128xf32, #tpu.memory_space<vmem>>
          %dma_wait3A_319 = arith.constant 0 : i32
          %dma_wait3A_320 = tpu.memref_slice %arg7[%add3A_286, %dma_wait3A_319] : memref<40x128xi32, #tpu.memory_space<vmem>> -> memref<1x128xi32, #tpu.memory_space<vmem>>
          %dma_wait3A_321 = tpu.memref_squeeze %dma_wait3A_320 : memref<1x128xi32, #tpu.memory_space<vmem>> -> memref<128xi32, #tpu.memory_space<vmem>>
          %dma_wait3A_322 = arith.constant 0 : i32
          %dma_wait3A_323 = arith.constant 0 : i32
          %dma_wait3A_324 = tpu.memref_slice %arg9[%dma_wait3A_322, %dma_wait3A_323] : memref<10240x128xf32, #tpu.memory_space<vmem_shared>> -> memref<10240x128xf32, #tpu.memory_space<vmem_shared>>
          tpu.wait_indirect_dma semaphore(%run_scoped3A_304 : memref<!tpu.dma_semaphore, #tpu.memory_space<semaphore_mem>>) src(%dma_wait3A_318 : memref<128x128xf32, #tpu.memory_space<vmem>>) dst(%dma_wait3A_324 : memref<10240x128xf32, #tpu.memory_space<vmem_shared>>)
          tpu.yield
        }) : () -> ()
        %dma_wait3A_287 = arith.constant 1 : i32
        %dma_wait3A_288 = arith.constant 0 : i32
        %dma_wait3A_289 = arith.constant 0 : i32
        %dma_wait3A_290 = tpu.memref_slice %arg8[%dma_wait3A_287, %dma_wait3A_288, %dma_wait3A_289] : memref<2x128x128xf32, #tpu.memory_space<vmem>> -> memref<1x128x128xf32, #tpu.memory_space<vmem>>
        %dma_wait3A_291 = tpu.memref_squeeze %dma_wait3A_290 : memref<1x128x128xf32, #tpu.memory_space<vmem>> -> memref<128x128xf32, #tpu.memory_space<vmem>>
        %dma_wait3A_292 = arith.constant 0 : i32
        %dma_wait3A_293 = tpu.memref_slice %arg6[%add3A_260, %dma_wait3A_292] : memref<40x128xi32, #tpu.memory_space<vmem>> -> memref<1x128xi32, #tpu.memory_space<vmem>>
        %dma_wait3A_294 = tpu.memref_squeeze %dma_wait3A_293 : memref<1x128xi32, #tpu.memory_space<vmem>> -> memref<128xi32, #tpu.memory_space<vmem>>
        %dma_wait3A_295 = arith.constant 0 : i32
        %dma_wait3A_296 = arith.constant 0 : i32
        %dma_wait3A_297 = tpu.memref_slice %arg2[%dma_wait3A_295, %dma_wait3A_296] : memref<10000x128xf32, #tpu.memory_space<hbm>> -> memref<10000x128xf32, #tpu.memory_space<hbm>>
        tpu.wait_indirect_dma semaphore(%arg10 : memref<!tpu.dma_semaphore, #tpu.memory_space<semaphore_mem>>) src(%dma_wait3A_297 : memref<10000x128xf32, #tpu.memory_space<hbm>>) dst(%dma_wait3A_291 : memref<128x128xf32, #tpu.memory_space<vmem>>)
        %mul3A_298 = arith.constant 2 : i32
        %mul3A_299 = arith.muli %scan3A_240, %mul3A_298 : i32
        %add3A_300 = arith.constant 1 : i32
        %add3A_301 = arith.addi %mul3A_299, %add3A_300 : i32
        %run_scoped3A_302 = arith.constant 1 : i32
        "tpu.region"() ({
          %run_scoped3A_304 = tpu.sem_alloc : memref<!tpu.dma_semaphore, #tpu.memory_space<semaphore_mem>>
          %dma_start3A_305 = arith.constant 0 : i32
          %dma_start3A_306 = arith.constant 0 : i32
          %dma_start3A_307 = tpu.memref_slice %arg8[%run_scoped3A_302, %dma_start3A_305, %dma_start3A_306] : memref<2x128x128xf32, #tpu.memory_space<vmem>> -> memref<1x128x128xf32, #tpu.memory_space<vmem>>
          %dma_start3A_308 = tpu.memref_squeeze %dma_start3A_307 : memref<1x128x128xf32, #tpu.memory_space<vmem>> -> memref<128x128xf32, #tpu.memory_space<vmem>>
          %dma_start3A_309 = arith.constant 0 : i32
          %dma_start3A_310 = tpu.memref_slice %arg7[%add3A_301, %dma_start3A_309] : memref<40x128xi32, #tpu.memory_space<vmem>> -> memref<1x128xi32, #tpu.memory_space<vmem>>
          %dma_start3A_311 = tpu.memref_squeeze %dma_start3A_310 : memref<1x128xi32, #tpu.memory_space<vmem>> -> memref<128xi32, #tpu.memory_space<vmem>>
          %dma_start3A_312 = arith.constant 0 : i32
          %dma_start3A_313 = arith.constant 0 : i32
          %dma_start3A_314 = tpu.memref_slice %arg9[%dma_start3A_312, %dma_start3A_313] : memref<10240x128xf32, #tpu.memory_space<vmem_shared>> -> memref<10240x128xf32, #tpu.memory_space<vmem_shared>>
          tpu.enqueue_indirect_dma source(%dma_start3A_308 : memref<128x128xf32, #tpu.memory_space<vmem>>) target(%dma_start3A_314 : memref<10240x128xf32, #tpu.memory_space<vmem_shared>>) offsets(%dma_start3A_311 : memref<128xi32, #tpu.memory_space<vmem>>) semaphore(%run_scoped3A_304 : memref<!tpu.dma_semaphore, #tpu.memory_space<semaphore_mem>>) {add = true}
          %dma_wait3A_315 = arith.constant 0 : i32
          %dma_wait3A_316 = arith.constant 0 : i32
          %dma_wait3A_317 = tpu.memref_slice %arg8[%run_scoped3A_302, %dma_wait3A_315, %dma_wait3A_316] : memref<2x128x128xf32, #tpu.memory_space<vmem>> -> memref<1x128x128xf32, #tpu.memory_space<vmem>>
          %dma_wait3A_318 = tpu.memref_squeeze %dma_wait3A_317 : memref<1x128x128xf32, #tpu.memory_space<vmem>> -> memref<128x128xf32, #tpu.memory_space<vmem>>
          %dma_wait3A_319 = arith.constant 0 : i32
          %dma_wait3A_320 = tpu.memref_slice %arg7[%add3A_301, %dma_wait3A_319] : memref<40x128xi32, #tpu.memory_space<vmem>> -> memref<1x128xi32, #tpu.memory_space<vmem>>
          %dma_wait3A_321 = tpu.memref_squeeze %dma_wait3A_320 : memref<1x128xi32, #tpu.memory_space<vmem>> -> memref<128xi32, #tpu.memory_space<vmem>>
          %dma_wait3A_322 = arith.constant 0 : i32
          %dma_wait3A_323 = arith.constant 0 : i32
          %dma_wait3A_324 = tpu.memref_slice %arg9[%dma_wait3A_322, %dma_wait3A_323] : memref<10240x128xf32, #tpu.memory_space<vmem_shared>> -> memref<10240x128xf32, #tpu.memory_space<vmem_shared>>
          tpu.wait_indirect_dma semaphore(%run_scoped3A_304 : memref<!tpu.dma_semaphore, #tpu.memory_space<semaphore_mem>>) src(%dma_wait3A_318 : memref<128x128xf32, #tpu.memory_space<vmem>>) dst(%dma_wait3A_324 : memref<10240x128xf32, #tpu.memory_space<vmem_shared>>)
          tpu.yield
        }) : () -> ()
        %scan3A_303 = arith.constant 0 : i32
        scf.yield %scan3A_303 : i32
      }
      %scan3A_238 = arith.constant 20 : i32
      %scan3A_239 = arith.constant 0 : i32
      scf.yield %scan3A_239 : i32
    }
    %scan3A_153 = arith.constant 2 : i32
    %barrier3A_154 = arith.constant 0 : index
    tpu.barrier barrier_id(%barrier3A_154)
    %add3A_155 = arith.constant 0 : i32
    %add3A_156 = arith.addi %mul3A_8, %add3A_155 : i32
    %add3A_157 = arith.constant 0 : i32
    %add3A_158 = arith.addi %mul3A_8, %add3A_157 : i32
    %dma_start3A_159 = arith.constant 0 : i32
    %dma_start3A_160 = tpu.memref_slice %arg5[%arg0, %add3A_158, %dma_start3A_159] : memref<2x10240x128xf32, #tpu.memory_space<hbm>> -> memref<1x128x128xf32, #tpu.memory_space<hbm>>
    %dma_start3A_161 = tpu.memref_squeeze %dma_start3A_160 : memref<1x128x128xf32, #tpu.memory_space<hbm>> -> memref<128x128xf32, #tpu.memory_space<hbm>>
    %dma_start3A_162 = arith.constant 0 : i32
    %dma_start3A_163 = tpu.memref_slice %arg9[%add3A_156, %dma_start3A_162] : memref<10240x128xf32, #tpu.memory_space<vmem_shared>> -> memref<128x128xf32, #tpu.memory_space<vmem_shared>>
    tpu.enqueue_dma source(%dma_start3A_163 : memref<128x128xf32, #tpu.memory_space<vmem_shared>>) target(%dma_start3A_161 : memref<128x128xf32, #tpu.memory_space<hbm>>) target_semaphore(%arg10 : memref<!tpu.dma_semaphore, #tpu.memory_space<semaphore_mem>>)
    %add3A_164 = arith.constant 128 : i32
    %add3A_165 = arith.addi %mul3A_8, %add3A_164 : i32
    %add3A_166 = arith.constant 128 : i32
    %add3A_167 = arith.addi %mul3A_8, %add3A_166 : i32
    %dma_start3A_168 = arith.constant 0 : i32
    %dma_start3A_169 = tpu.memref_slice %arg5[%arg0, %add3A_167, %dma_start3A_168] : memref<2x10240x128xf32, #tpu.memory_space<hbm>> -> memref<1x128x128xf32, #tpu.memory_space<hbm>>
    %dma_start3A_170 = tpu.memref_squeeze %dma_start3A_169 : memref<1x128x128xf32, #tpu.memory_space<hbm>> -> memref<128x128xf32, #tpu.memory_space<hbm>>
    %dma_start3A_171 = arith.constant 0 : i32
    %dma_start3A_172 = tpu.memref_slice %arg9[%add3A_165, %dma_start3A_171] : memref<10240x128xf32, #tpu.memory_space<vmem_shared>> -> memref<128x128xf32, #tpu.memory_space<vmem_shared>>
    tpu.enqueue_dma source(%dma_start3A_172 : memref<128x128xf32, #tpu.memory_space<vmem_shared>>) target(%dma_start3A_170 : memref<128x128xf32, #tpu.memory_space<hbm>>) target_semaphore(%arg10 : memref<!tpu.dma_semaphore, #tpu.memory_space<semaphore_mem>>)
    %add3A_173 = arith.constant 256 : i32
    %add3A_174 = arith.addi %mul3A_8, %add3A_173 : i32
    %add3A_175 = arith.constant 256 : i32
    %add3A_176 = arith.addi %mul3A_8, %add3A_175 : i32
    %dma_start3A_177 = arith.constant 0 : i32
    %dma_start3A_178 = tpu.memref_slice %arg5[%arg0, %add3A_176, %dma_start3A_177] : memref<2x10240x128xf32, #tpu.memory_space<hbm>> -> memref<1x128x128xf32, #tpu.memory_space<hbm>>
    %dma_start3A_179 = tpu.memref_squeeze %dma_start3A_178 : memref<1x128x128xf32, #tpu.memory_space<hbm>> -> memref<128x128xf32, #tpu.memory_space<hbm>>
    %dma_start3A_180 = arith.constant 0 : i32
    %dma_start3A_181 = tpu.memref_slice %arg9[%add3A_174, %dma_start3A_180] : memref<10240x128xf32, #tpu.memory_space<vmem_shared>> -> memref<128x128xf32, #tpu.memory_space<vmem_shared>>
    tpu.enqueue_dma source(%dma_start3A_181 : memref<128x128xf32, #tpu.memory_space<vmem_shared>>) target(%dma_start3A_179 : memref<128x128xf32, #tpu.memory_space<hbm>>) target_semaphore(%arg10 : memref<!tpu.dma_semaphore, #tpu.memory_space<semaphore_mem>>)
    %add3A_182 = arith.constant 384 : i32
    %add3A_183 = arith.addi %mul3A_8, %add3A_182 : i32
    %add3A_184 = arith.constant 384 : i32
    %add3A_185 = arith.addi %mul3A_8, %add3A_184 : i32
    %dma_start3A_186 = arith.constant 0 : i32
    %dma_start3A_187 = tpu.memref_slice %arg5[%arg0, %add3A_185, %dma_start3A_186] : memref<2x10240x128xf32, #tpu.memory_space<hbm>> -> memref<1x128x128xf32, #tpu.memory_space<hbm>>
    %dma_start3A_188 = tpu.memref_squeeze %dma_start3A_187 : memref<1x128x128xf32, #tpu.memory_space<hbm>> -> memref<128x128xf32, #tpu.memory_space<hbm>>
    %dma_start3A_189 = arith.constant 0 : i32
    %dma_start3A_190 = tpu.memref_slice %arg9[%add3A_183, %dma_start3A_189] : memref<10240x128xf32, #tpu.memory_space<vmem_shared>> -> memref<128x128xf32, #tpu.memory_space<vmem_shared>>
    tpu.enqueue_dma source(%dma_start3A_190 : memref<128x128xf32, #tpu.memory_space<vmem_shared>>) target(%dma_start3A_188 : memref<128x128xf32, #tpu.memory_space<hbm>>) target_semaphore(%arg10 : memref<!tpu.dma_semaphore, #tpu.memory_space<semaphore_mem>>)
    %add3A_191 = arith.constant 512 : i32
    %add3A_192 = arith.addi %mul3A_8, %add3A_191 : i32
    %add3A_193 = arith.constant 512 : i32
    %add3A_194 = arith.addi %mul3A_8, %add3A_193 : i32
    %dma_start3A_195 = arith.constant 0 : i32
    %dma_start3A_196 = tpu.memref_slice %arg5[%arg0, %add3A_194, %dma_start3A_195] : memref<2x10240x128xf32, #tpu.memory_space<hbm>> -> memref<1x128x128xf32, #tpu.memory_space<hbm>>
    %dma_start3A_197 = tpu.memref_squeeze %dma_start3A_196 : memref<1x128x128xf32, #tpu.memory_space<hbm>> -> memref<128x128xf32, #tpu.memory_space<hbm>>
    %dma_start3A_198 = arith.constant 0 : i32
    %dma_start3A_199 = tpu.memref_slice %arg9[%add3A_192, %dma_start3A_198] : memref<10240x128xf32, #tpu.memory_space<vmem_shared>> -> memref<128x128xf32, #tpu.memory_space<vmem_shared>>
    tpu.enqueue_dma source(%dma_start3A_199 : memref<128x128xf32, #tpu.memory_space<vmem_shared>>) target(%dma_start3A_197 : memref<128x128xf32, #tpu.memory_space<hbm>>) target_semaphore(%arg10 : memref<!tpu.dma_semaphore, #tpu.memory_space<semaphore_mem>>)
    %dma_wait3A_200 = arith.constant 0 : i32
    %dma_wait3A_201 = tpu.memref_slice %arg5[%arg0, %add3A_158, %dma_wait3A_200] : memref<2x10240x128xf32, #tpu.memory_space<hbm>> -> memref<1x128x128xf32, #tpu.memory_space<hbm>>
    %dma_wait3A_202 = tpu.memref_squeeze %dma_wait3A_201 : memref<1x128x128xf32, #tpu.memory_space<hbm>> -> memref<128x128xf32, #tpu.memory_space<hbm>>
    %dma_wait3A_203 = arith.constant 0 : i32
    %dma_wait3A_204 = tpu.memref_slice %arg9[%add3A_156, %dma_wait3A_203] : memref<10240x128xf32, #tpu.memory_space<vmem_shared>> -> memref<128x128xf32, #tpu.memory_space<vmem_shared>>
    tpu.wait_dma2 semaphore(%arg10 : memref<!tpu.dma_semaphore, #tpu.memory_space<semaphore_mem>>) src(%dma_wait3A_204 : memref<128x128xf32, #tpu.memory_space<vmem_shared>>) dst(%dma_wait3A_202 : memref<128x128xf32, #tpu.memory_space<hbm>>)
    %dma_wait3A_205 = arith.constant 0 : i32
    %dma_wait3A_206 = tpu.memref_slice %arg5[%arg0, %add3A_167, %dma_wait3A_205] : memref<2x10240x128xf32, #tpu.memory_space<hbm>> -> memref<1x128x128xf32, #tpu.memory_space<hbm>>
    %dma_wait3A_207 = tpu.memref_squeeze %dma_wait3A_206 : memref<1x128x128xf32, #tpu.memory_space<hbm>> -> memref<128x128xf32, #tpu.memory_space<hbm>>
    %dma_wait3A_208 = arith.constant 0 : i32
    %dma_wait3A_209 = tpu.memref_slice %arg9[%add3A_165, %dma_wait3A_208] : memref<10240x128xf32, #tpu.memory_space<vmem_shared>> -> memref<128x128xf32, #tpu.memory_space<vmem_shared>>
    tpu.wait_dma2 semaphore(%arg10 : memref<!tpu.dma_semaphore, #tpu.memory_space<semaphore_mem>>) src(%dma_wait3A_209 : memref<128x128xf32, #tpu.memory_space<vmem_shared>>) dst(%dma_wait3A_207 : memref<128x128xf32, #tpu.memory_space<hbm>>)
    %dma_wait3A_210 = arith.constant 0 : i32
    %dma_wait3A_211 = tpu.memref_slice %arg5[%arg0, %add3A_176, %dma_wait3A_210] : memref<2x10240x128xf32, #tpu.memory_space<hbm>> -> memref<1x128x128xf32, #tpu.memory_space<hbm>>
    %dma_wait3A_212 = tpu.memref_squeeze %dma_wait3A_211 : memref<1x128x128xf32, #tpu.memory_space<hbm>> -> memref<128x128xf32, #tpu.memory_space<hbm>>
    %dma_wait3A_213 = arith.constant 0 : i32
    %dma_wait3A_214 = tpu.memref_slice %arg9[%add3A_174, %dma_wait3A_213] : memref<10240x128xf32, #tpu.memory_space<vmem_shared>> -> memref<128x128xf32, #tpu.memory_space<vmem_shared>>
    tpu.wait_dma2 semaphore(%arg10 : memref<!tpu.dma_semaphore, #tpu.memory_space<semaphore_mem>>) src(%dma_wait3A_214 : memref<128x128xf32, #tpu.memory_space<vmem_shared>>) dst(%dma_wait3A_212 : memref<128x128xf32, #tpu.memory_space<hbm>>)
    %dma_wait3A_215 = arith.constant 0 : i32
    %dma_wait3A_216 = tpu.memref_slice %arg5[%arg0, %add3A_185, %dma_wait3A_215] : memref<2x10240x128xf32, #tpu.memory_space<hbm>> -> memref<1x128x128xf32, #tpu.memory_space<hbm>>
    %dma_wait3A_217 = tpu.memref_squeeze %dma_wait3A_216 : memref<1x128x128xf32, #tpu.memory_space<hbm>> -> memref<128x128xf32, #tpu.memory_space<hbm>>
    %dma_wait3A_218 = arith.constant 0 : i32
    %dma_wait3A_219 = tpu.memref_slice %arg9[%add3A_183, %dma_wait3A_218] : memref<10240x128xf32, #tpu.memory_space<vmem_shared>> -> memref<128x128xf32, #tpu.memory_space<vmem_shared>>
    tpu.wait_dma2 semaphore(%arg10 : memref<!tpu.dma_semaphore, #tpu.memory_space<semaphore_mem>>) src(%dma_wait3A_219 : memref<128x128xf32, #tpu.memory_space<vmem_shared>>) dst(%dma_wait3A_217 : memref<128x128xf32, #tpu.memory_space<hbm>>)
    %dma_wait3A_220 = arith.constant 0 : i32
    %dma_wait3A_221 = tpu.memref_slice %arg5[%arg0, %add3A_194, %dma_wait3A_220] : memref<2x10240x128xf32, #tpu.memory_space<hbm>> -> memref<1x128x128xf32, #tpu.memory_space<hbm>>
    %dma_wait3A_222 = tpu.memref_squeeze %dma_wait3A_221 : memref<1x128x128xf32, #tpu.memory_space<hbm>> -> memref<128x128xf32, #tpu.memory_space<hbm>>
    %dma_wait3A_223 = arith.constant 0 : i32
    %dma_wait3A_224 = tpu.memref_slice %arg9[%add3A_192, %dma_wait3A_223] : memref<10240x128xf32, #tpu.memory_space<vmem_shared>> -> memref<128x128xf32, #tpu.memory_space<vmem_shared>>
    tpu.wait_dma2 semaphore(%arg10 : memref<!tpu.dma_semaphore, #tpu.memory_space<semaphore_mem>>) src(%dma_wait3A_224 : memref<128x128xf32, #tpu.memory_space<vmem_shared>>) dst(%dma_wait3A_222 : memref<128x128xf32, #tpu.memory_space<hbm>>)
    return
  }
}

#map = affine_map<(d0, d1) -> (0)>
#map1 = affine_map<(d0, d1) -> (0, 0)>
module attributes {stable_mosaic.version = 14 : i64} {
  func.func @deg(%arg0: i32, %arg1: i32, %arg2: memref<327680xi32, #tpu.memory_space<hbm>>, %arg3: memref<32x10240xf32, #tpu.memory_space<hbm>>, %arg4: memref<2048xi32, #tpu.memory_space<vmem>>, %arg5: memref<10240xf32, #tpu.memory_space<vmem>>) attributes {dimension_semantics = [#tpu.dimension_semantics<core_parallel>, #tpu.dimension_semantics<subcore_parallel>], iteration_bounds = array<i64: 2, 16>, scalar_prefetch = 0 : i64, scratch_operands = 2 : i64, tpu.core_type = #tpu.core_type<sc_vector_subcore>, window_params = [{transform_indices = #map}, {transform_indices = #map1}]} {
    %mul3A = arith.constant 2 : i32
    %mul3A_0 = arith.muli %arg1, %mul3A : i32
    %add3A = arith.addi %mul3A_0, %arg0 : i32
    %scan3A = arith.constant 0 : i32
    %scan3A_1 = arith.constant 0 : i32
    %scan3A_2 = arith.constant 640 : i32
    %scan3A_3 = arith.addi %scan3A_1, %scan3A_2 : i32
    %scan3A_4 = arith.constant 1 : i32
    %scan3A_5 = scf.for %scan3A_17 = %scan3A_1 to %scan3A_3 step %scan3A_4 iter_args(%scan3A_18 = %scan3A) -> (i32)  : i32 {
      %broadcast_in_dim3A_19 = arith.constant 0.000000e+00 : f32
      %broadcast_in_dim3A_20 = vector.broadcast %broadcast_in_dim3A_19 : f32 to vector<16xf32>
      %mul3A_21 = arith.constant 16 : i32
      %mul3A_22 = arith.muli %scan3A_17, %mul3A_21 : i32
      %swap3A = arith.index_cast %mul3A_22 : i32 to index
      %swap3A_23 = tpu.vector_load %arg5[%swap3A] {strides = array<i32>} : memref<10240xf32, #tpu.memory_space<vmem>>, vector<16xf32>,
      tpu.vector_store %arg5[%swap3A], %broadcast_in_dim3A_20 {strides = array<i32>} : memref<10240xf32, #tpu.memory_space<vmem>>, vector<16xf32>,
      %scan3A_24 = arith.constant 0 : i32
      scf.yield %scan3A_24 : i32
    }
    %scan3A_6 = arith.constant 640 : i32
    %broadcast_in_dim3A = arith.constant 1.000000e+00 : f32
    %broadcast_in_dim3A_7 = vector.broadcast %broadcast_in_dim3A : f32 to vector<16xf32>
    %mul3A_8 = arith.constant 10240 : i32
    %mul3A_9 = arith.muli %add3A, %mul3A_8 : i32
    %scan3A_10 = arith.constant 0 : i32
    %scan3A_11 = arith.constant 0 : i32
    %scan3A_12 = arith.constant 5 : i32
    %scan3A_13 = arith.addi %scan3A_11, %scan3A_12 : i32
    %scan3A_14 = arith.constant 1 : i32
    %scan3A_15 = scf.for %scan3A_17 = %scan3A_11 to %scan3A_13 step %scan3A_14 iter_args(%scan3A_18 = %scan3A_10) -> (i32)  : i32 {
      %mul3A_19 = arith.constant 2048 : i32
      %mul3A_20 = arith.muli %scan3A_17, %mul3A_19 : i32
      %add3A_21 = arith.addi %mul3A_9, %mul3A_20 : i32
      %multiple_of3A = tpu.assume_multiple %add3A_21, 2048 : i32
      "tpu.region"() ({
        %run_scoped3A = tpu.sem_alloc : memref<!tpu.dma_semaphore, #tpu.memory_space<semaphore_mem>>
        %dma_start3A = tpu.memref_slice %arg2[%multiple_of3A] : memref<327680xi32, #tpu.memory_space<hbm>> -> memref<2048xi32, #tpu.memory_space<hbm>>
        %dma_start3A_30 = tpu.memref_slice %arg2[%multiple_of3A] : memref<327680xi32, #tpu.memory_space<hbm>> -> memref<2048xi32, #tpu.memory_space<hbm>>
        tpu.enqueue_dma source(%dma_start3A_30 : memref<2048xi32, #tpu.memory_space<hbm>>) target(%arg4 : memref<2048xi32, #tpu.memory_space<vmem>>) target_semaphore(%run_scoped3A : memref<!tpu.dma_semaphore, #tpu.memory_space<semaphore_mem>>)
        %dma_wait3A = tpu.memref_slice %arg2[%multiple_of3A] : memref<327680xi32, #tpu.memory_space<hbm>> -> memref<2048xi32, #tpu.memory_space<hbm>>
        %dma_wait3A_31 = tpu.memref_slice %arg2[%multiple_of3A] : memref<327680xi32, #tpu.memory_space<hbm>> -> memref<2048xi32, #tpu.memory_space<hbm>>
        tpu.wait_dma2 semaphore(%run_scoped3A : memref<!tpu.dma_semaphore, #tpu.memory_space<semaphore_mem>>) src(%dma_wait3A_31 : memref<2048xi32, #tpu.memory_space<hbm>>) dst(%arg4 : memref<2048xi32, #tpu.memory_space<vmem>>)
        tpu.yield
      }) : () -> ()
      %scan3A_22 = arith.constant 0 : i32
      %scan3A_23 = arith.constant 0 : i32
      %scan3A_24 = arith.constant 128 : i32
      %scan3A_25 = arith.addi %scan3A_23, %scan3A_24 : i32
      %scan3A_26 = arith.constant 1 : i32
      %scan3A_27 = scf.for %scan3A_30 = %scan3A_23 to %scan3A_25 step %scan3A_26 iter_args(%scan3A_31 = %scan3A_22) -> (i32)  : i32 {
        %mul3A_32 = arith.constant 16 : i32
        %mul3A_33 = arith.muli %scan3A_30, %mul3A_32 : i32
        %get3A = arith.index_cast %mul3A_33 : i32 to index
        %get3A_34 = tpu.vector_load %arg4[%get3A] {strides = array<i32>} : memref<2048xi32, #tpu.memory_space<vmem>>, vector<16xi32>,
        tpu.vector_store_idx %arg5[%get3A_34], %broadcast_in_dim3A_7 {add = true} : memref<10240xf32, #tpu.memory_space<vmem>>[vector<16xi32>], vector<16xf32>,
        %scan3A_35 = arith.constant 0 : i32
        scf.yield %scan3A_35 : i32
      }
      %scan3A_28 = arith.constant 128 : i32
      %scan3A_29 = arith.constant 0 : i32
      scf.yield %scan3A_29 : i32
    }
    %scan3A_16 = arith.constant 5 : i32
    "tpu.region"() ({
      %run_scoped3A = tpu.sem_alloc : memref<!tpu.dma_semaphore, #tpu.memory_space<semaphore_mem>>
      %dma_start3A = arith.constant 0 : i32
      %dma_start3A_17 = tpu.memref_slice %arg3[%add3A, %dma_start3A] : memref<32x10240xf32, #tpu.memory_space<hbm>> -> memref<1x10240xf32, #tpu.memory_space<hbm>>
      %dma_start3A_18 = tpu.memref_squeeze %dma_start3A_17 : memref<1x10240xf32, #tpu.memory_space<hbm>> -> memref<10240xf32, #tpu.memory_space<hbm>>
      %dma_start3A_19 = arith.constant 0 : i32
      %dma_start3A_20 = tpu.memref_slice %arg3[%add3A, %dma_start3A_19] : memref<32x10240xf32, #tpu.memory_space<hbm>> -> memref<1x10240xf32, #tpu.memory_space<hbm>>
      %dma_start3A_21 = tpu.memref_squeeze %dma_start3A_20 : memref<1x10240xf32, #tpu.memory_space<hbm>> -> memref<10240xf32, #tpu.memory_space<hbm>>
      tpu.enqueue_dma source(%arg5 : memref<10240xf32, #tpu.memory_space<vmem>>) target(%dma_start3A_21 : memref<10240xf32, #tpu.memory_space<hbm>>) target_semaphore(%run_scoped3A : memref<!tpu.dma_semaphore, #tpu.memory_space<semaphore_mem>>)
      %dma_wait3A = arith.constant 0 : i32
      %dma_wait3A_22 = tpu.memref_slice %arg3[%add3A, %dma_wait3A] : memref<32x10240xf32, #tpu.memory_space<hbm>> -> memref<1x10240xf32, #tpu.memory_space<hbm>>
      %dma_wait3A_23 = tpu.memref_squeeze %dma_wait3A_22 : memref<1x10240xf32, #tpu.memory_space<hbm>> -> memref<10240xf32, #tpu.memory_space<hbm>>
      %dma_wait3A_24 = arith.constant 0 : i32
      %dma_wait3A_25 = tpu.memref_slice %arg3[%add3A, %dma_wait3A_24] : memref<32x10240xf32, #tpu.memory_space<hbm>> -> memref<1x10240xf32, #tpu.memory_space<hbm>>
      %dma_wait3A_26 = tpu.memref_squeeze %dma_wait3A_25 : memref<1x10240xf32, #tpu.memory_space<hbm>> -> memref<10240xf32, #tpu.memory_space<hbm>>
      tpu.wait_dma2 semaphore(%run_scoped3A : memref<!tpu.dma_semaphore, #tpu.memory_space<semaphore_mem>>) src(%arg5 : memref<10240xf32, #tpu.memory_space<vmem>>) dst(%dma_wait3A_26 : memref<10240xf32, #tpu.memory_space<hbm>>)
      tpu.yield
    }) : () -> ()
    return
  }
}

#map = affine_map<(d0, d1) -> (0, 0)>
#map1 = affine_map<(d0, d1) -> (0, 0, 0)>
module attributes {stable_mosaic.version = 14 : i64} {
  func.func @agg(%arg0: i32, %arg1: i32, %arg2: memref<10000x128xf32, #tpu.memory_space<hbm>>, %arg3: memref<2560x128xi32, #tpu.memory_space<hbm>>, %arg4: memref<2560x128xi32, #tpu.memory_space<hbm>>, %arg5: memref<2x10240x128xf32, #tpu.memory_space<hbm>>, %arg6: memref<40x128xi32, #tpu.memory_space<vmem>>, %arg7: memref<40x128xi32, #tpu.memory_space<vmem>>, %arg8: memref<2x128x128xf32, #tpu.memory_space<vmem>>, %arg9: memref<10240x128xf32, #tpu.memory_space<vmem_shared>>, %arg10: memref<!tpu.dma_semaphore, #tpu.memory_space<semaphore_mem>>) attributes {dimension_semantics = [#tpu.dimension_semantics<core_parallel>, #tpu.dimension_semantics<subcore_parallel>], iteration_bounds = array<i64: 2, 16>, scalar_prefetch = 0 : i64, scratch_operands = 5 : i64, tpu.core_type = #tpu.core_type<sc_vector_subcore>, window_params = [{transform_indices = #map}, {transform_indices = #map}, {transform_indices = #map}, {transform_indices = #map1}]} {
    %mul3A = arith.constant 2 : i32
    %mul3A_0 = arith.muli %arg1, %mul3A : i32
    %add3A = arith.addi %mul3A_0, %arg0 : i32
    %scan3A = arith.constant 0 : i32
    %scan3A_1 = arith.constant 0 : i32
    %scan3A_2 = arith.constant 1024 : i32
    %scan3A_3 = arith.addi %scan3A_1, %scan3A_2 : i32
    %scan3A_4 = arith.constant 1 : i32
    %scan3A_5 = scf.for %scan3A_225 = %scan3A_1 to %scan3A_3 step %scan3A_4 iter_args(%scan3A_226 = %scan3A) -> (i32)  : i32 {
      %broadcast_in_dim3A = arith.constant 0.000000e+00 : f32
      %broadcast_in_dim3A_227 = vector.broadcast %broadcast_in_dim3A : f32 to vector<16xf32>
      %jit3A = arith.constant 8 : i32
      %div3A = arith.divsi %scan3A_225, %jit3A : i32
      %sign3A = arith.constant 0 : i32
      %sign3A_228 = arith.cmpi sgt, %scan3A_225, %sign3A : i32
      %sign3A_229 = arith.extui %sign3A_228 : i1 to i32
      %sign3A_230 = arith.constant 0 : i32
      %sign3A_231 = arith.cmpi slt, %scan3A_225, %sign3A_230 : i32
      %sign3A_232 = arith.extui %sign3A_231 : i1 to i32
      %sign3A_233 = arith.subi %sign3A_229, %sign3A_232 : i32
      %sign3A_234 = arith.constant 0 : i32
      %sign3A_235 = arith.cmpi sgt, %jit3A, %sign3A_234 : i32
      %sign3A_236 = arith.extui %sign3A_235 : i1 to i32
      %sign3A_237 = arith.constant 0 : i32
      %sign3A_238 = arith.cmpi slt, %jit3A, %sign3A_237 : i32
      %sign3A_239 = arith.extui %sign3A_238 : i1 to i32
      %sign3A_240 = arith.subi %sign3A_236, %sign3A_239 : i32
      %ne3A = arith.cmpi ne, %sign3A_233, %sign3A_240 : i32
      %rem3A = arith.remsi %scan3A_225, %jit3A : i32
      %ne3A_241 = arith.constant 0 : i32
      %ne3A_242 = arith.cmpi ne, %rem3A, %ne3A_241 : i32
      %and3A = arith.andi %ne3A, %ne3A_242 : i1
      %sub3A = arith.constant 1 : i32
      %sub3A_243 = arith.subi %div3A, %sub3A : i32
      %select_n3A = arith.select %and3A, %sub3A_243, %div3A : i32
      %jit3A_244 = arith.constant 8 : i32
      %eq3A = arith.constant 0 : i32
      %eq3A_245 = arith.cmpi eq, %jit3A_244, %eq3A : i32
      %jit3A_246 = arith.constant 1 : i32
      %select_n3A_247 = arith.select %eq3A_245, %jit3A_246, %jit3A_244 : i32
      %rem3A_248 = arith.remsi %scan3A_225, %select_n3A_247 : i32
      %ne3A_249 = arith.constant 0 : i32
      %ne3A_250 = arith.cmpi ne, %rem3A_248, %ne3A_249 : i32
      %lt3A = arith.constant 0 : i32
      %lt3A_251 = arith.cmpi slt, %rem3A_248, %lt3A : i32
      %lt3A_252 = arith.constant 0 : i32
      %lt3A_253 = arith.cmpi slt, %select_n3A_247, %lt3A_252 : i32
      %ne3A_254 = arith.xori %lt3A_251, %lt3A_253 : i1
      %and3A_255 = arith.andi %ne3A_254, %ne3A_250 : i1
      %add3A_256 = arith.addi %rem3A_248, %select_n3A_247 : i32
      %select_n3A_257 = arith.select %and3A_255, %add3A_256, %rem3A_248 : i32
      %mul3A_258 = arith.constant 16 : i32
      %mul3A_259 = arith.muli %select_n3A_257, %mul3A_258 : i32
      %swap3A = arith.constant 0 : i32
      %swap3A_260 = arith.index_cast %swap3A : i32 to index
      %swap3A_261 = arith.index_cast %select_n3A : i32 to index
      %swap3A_262 = arith.index_cast %mul3A_259 : i32 to index
      %swap3A_263 = tpu.vector_load %arg8[%swap3A_260, %swap3A_261, %swap3A_262] {strides = array<i32>} : memref<2x128x128xf32, #tpu.memory_space<vmem>>, vector<1x1x16xf32>,
      %swap3A_264 = vector.shape_cast %swap3A_263 : vector<1x1x16xf32> to vector<16xf32>
      %swap3A_265 = vector.shape_cast %broadcast_in_dim3A_227 : vector<16xf32> to vector<1x1x16xf32>
      tpu.vector_store %arg8[%swap3A_260, %swap3A_261, %swap3A_262], %swap3A_265 {strides = array<i32>} : memref<2x128x128xf32, #tpu.memory_space<vmem>>, vector<1x1x16xf32>,
      %scan3A_266 = arith.constant 0 : i32
      scf.yield %scan3A_266 : i32
    }
    %scan3A_6 = arith.constant 1024 : i32
    %mul3A_7 = arith.constant 640 : i32
    %mul3A_8 = arith.muli %arg1, %mul3A_7 : i32
    %add3A_9 = arith.constant 0 : i32
    %add3A_10 = arith.addi %mul3A_8, %add3A_9 : i32
    %dma_start3A = arith.constant 0 : i32
    %dma_start3A_11 = arith.constant 0 : i32
    %dma_start3A_12 = arith.constant 0 : i32
    %dma_start3A_13 = tpu.memref_slice %arg8[%dma_start3A, %dma_start3A_11, %dma_start3A_12] : memref<2x128x128xf32, #tpu.memory_space<vmem>> -> memref<1x128x128xf32, #tpu.memory_space<vmem>>
    %dma_start3A_14 = tpu.memref_squeeze %dma_start3A_13 : memref<1x128x128xf32, #tpu.memory_space<vmem>> -> memref<128x128xf32, #tpu.memory_space<vmem>>
    %dma_start3A_15 = arith.constant 0 : i32
    %dma_start3A_16 = tpu.memref_slice %arg9[%add3A_10, %dma_start3A_15] : memref<10240x128xf32, #tpu.memory_space<vmem_shared>> -> memref<128x128xf32, #tpu.memory_space<vmem_shared>>
    %dma_start3A_17 = arith.constant 0 : i32
    %dma_start3A_18 = tpu.memref_slice %arg9[%add3A_10, %dma_start3A_17] : memref<10240x128xf32, #tpu.memory_space<vmem_shared>> -> memref<128x128xf32, #tpu.memory_space<vmem_shared>>
    %dma_start3A_19 = arith.constant 0 : i32
    %dma_start3A_20 = arith.constant 0 : i32
    %dma_start3A_21 = tpu.memref_slice %arg8[%dma_start3A, %dma_start3A_19, %dma_start3A_20] : memref<2x128x128xf32, #tpu.memory_space<vmem>> -> memref<1x128x128xf32, #tpu.memory_space<vmem>>
    %dma_start3A_22 = tpu.memref_squeeze %dma_start3A_21 : memref<1x128x128xf32, #tpu.memory_space<vmem>> -> memref<128x128xf32, #tpu.memory_space<vmem>>
    tpu.enqueue_dma source(%dma_start3A_22 : memref<128x128xf32, #tpu.memory_space<vmem>>) target(%dma_start3A_18 : memref<128x128xf32, #tpu.memory_space<vmem_shared>>) target_semaphore(%arg10 : memref<!tpu.dma_semaphore, #tpu.memory_space<semaphore_mem>>)
    %add3A_23 = arith.constant 128 : i32
    %add3A_24 = arith.addi %mul3A_8, %add3A_23 : i32
    %dma_start3A_25 = arith.constant 0 : i32
    %dma_start3A_26 = arith.constant 0 : i32
    %dma_start3A_27 = arith.constant 0 : i32
    %dma_start3A_28 = tpu.memref_slice %arg8[%dma_start3A_25, %dma_start3A_26, %dma_start3A_27] : memref<2x128x128xf32, #tpu.memory_space<vmem>> -> memref<1x128x128xf32, #tpu.memory_space<vmem>>
    %dma_start3A_29 = tpu.memref_squeeze %dma_start3A_28 : memref<1x128x128xf32, #tpu.memory_space<vmem>> -> memref<128x128xf32, #tpu.memory_space<vmem>>
    %dma_start3A_30 = arith.constant 0 : i32
    %dma_start3A_31 = tpu.memref_slice %arg9[%add3A_24, %dma_start3A_30] : memref<10240x128xf32, #tpu.memory_space<vmem_shared>> -> memref<128x128xf32, #tpu.memory_space<vmem_shared>>
    %dma_start3A_32 = arith.constant 0 : i32
    %dma_start3A_33 = tpu.memref_slice %arg9[%add3A_24, %dma_start3A_32] : memref<10240x128xf32, #tpu.memory_space<vmem_shared>> -> memref<128x128xf32, #tpu.memory_space<vmem_shared>>
    %dma_start3A_34 = arith.constant 0 : i32
    %dma_start3A_35 = arith.constant 0 : i32
    %dma_start3A_36 = tpu.memref_slice %arg8[%dma_start3A_25, %dma_start3A_34, %dma_start3A_35] : memref<2x128x128xf32, #tpu.memory_space<vmem>> -> memref<1x128x128xf32, #tpu.memory_space<vmem>>
    %dma_start3A_37 = tpu.memref_squeeze %dma_start3A_36 : memref<1x128x128xf32, #tpu.memory_space<vmem>> -> memref<128x128xf32, #tpu.memory_space<vmem>>
    tpu.enqueue_dma source(%dma_start3A_37 : memref<128x128xf32, #tpu.memory_space<vmem>>) target(%dma_start3A_33 : memref<128x128xf32, #tpu.memory_space<vmem_shared>>) target_semaphore(%arg10 : memref<!tpu.dma_semaphore, #tpu.memory_space<semaphore_mem>>)
    %add3A_38 = arith.constant 256 : i32
    %add3A_39 = arith.addi %mul3A_8, %add3A_38 : i32
    %dma_start3A_40 = arith.constant 0 : i32
    %dma_start3A_41 = arith.constant 0 : i32
    %dma_start3A_42 = arith.constant 0 : i32
    %dma_start3A_43 = tpu.memref_slice %arg8[%dma_start3A_40, %dma_start3A_41, %dma_start3A_42] : memref<2x128x128xf32, #tpu.memory_space<vmem>> -> memref<1x128x128xf32, #tpu.memory_space<vmem>>
    %dma_start3A_44 = tpu.memref_squeeze %dma_start3A_43 : memref<1x128x128xf32, #tpu.memory_space<vmem>> -> memref<128x128xf32, #tpu.memory_space<vmem>>
    %dma_start3A_45 = arith.constant 0 : i32
    %dma_start3A_46 = tpu.memref_slice %arg9[%add3A_39, %dma_start3A_45] : memref<10240x128xf32, #tpu.memory_space<vmem_shared>> -> memref<128x128xf32, #tpu.memory_space<vmem_shared>>
    %dma_start3A_47 = arith.constant 0 : i32
    %dma_start3A_48 = tpu.memref_slice %arg9[%add3A_39, %dma_start3A_47] : memref<10240x128xf32, #tpu.memory_space<vmem_shared>> -> memref<128x128xf32, #tpu.memory_space<vmem_shared>>
    %dma_start3A_49 = arith.constant 0 : i32
    %dma_start3A_50 = arith.constant 0 : i32
    %dma_start3A_51 = tpu.memref_slice %arg8[%dma_start3A_40, %dma_start3A_49, %dma_start3A_50] : memref<2x128x128xf32, #tpu.memory_space<vmem>> -> memref<1x128x128xf32, #tpu.memory_space<vmem>>
    %dma_start3A_52 = tpu.memref_squeeze %dma_start3A_51 : memref<1x128x128xf32, #tpu.memory_space<vmem>> -> memref<128x128xf32, #tpu.memory_space<vmem>>
    tpu.enqueue_dma source(%dma_start3A_52 : memref<128x128xf32, #tpu.memory_space<vmem>>) target(%dma_start3A_48 : memref<128x128xf32, #tpu.memory_space<vmem_shared>>) target_semaphore(%arg10 : memref<!tpu.dma_semaphore, #tpu.memory_space<semaphore_mem>>)
    %add3A_53 = arith.constant 384 : i32
    %add3A_54 = arith.addi %mul3A_8, %add3A_53 : i32
    %dma_start3A_55 = arith.constant 0 : i32
    %dma_start3A_56 = arith.constant 0 : i32
    %dma_start3A_57 = arith.constant 0 : i32
    %dma_start3A_58 = tpu.memref_slice %arg8[%dma_start3A_55, %dma_start3A_56, %dma_start3A_57] : memref<2x128x128xf32, #tpu.memory_space<vmem>> -> memref<1x128x128xf32, #tpu.memory_space<vmem>>
    %dma_start3A_59 = tpu.memref_squeeze %dma_start3A_58 : memref<1x128x128xf32, #tpu.memory_space<vmem>> -> memref<128x128xf32, #tpu.memory_space<vmem>>
    %dma_start3A_60 = arith.constant 0 : i32
    %dma_start3A_61 = tpu.memref_slice %arg9[%add3A_54, %dma_start3A_60] : memref<10240x128xf32, #tpu.memory_space<vmem_shared>> -> memref<128x128xf32, #tpu.memory_space<vmem_shared>>
    %dma_start3A_62 = arith.constant 0 : i32
    %dma_start3A_63 = tpu.memref_slice %arg9[%add3A_54, %dma_start3A_62] : memref<10240x128xf32, #tpu.memory_space<vmem_shared>> -> memref<128x128xf32, #tpu.memory_space<vmem_shared>>
    %dma_start3A_64 = arith.constant 0 : i32
    %dma_start3A_65 = arith.constant 0 : i32
    %dma_start3A_66 = tpu.memref_slice %arg8[%dma_start3A_55, %dma_start3A_64, %dma_start3A_65] : memref<2x128x128xf32, #tpu.memory_space<vmem>> -> memref<1x128x128xf32, #tpu.memory_space<vmem>>
    %dma_start3A_67 = tpu.memref_squeeze %dma_start3A_66 : memref<1x128x128xf32, #tpu.memory_space<vmem>> -> memref<128x128xf32, #tpu.memory_space<vmem>>
    tpu.enqueue_dma source(%dma_start3A_67 : memref<128x128xf32, #tpu.memory_space<vmem>>) target(%dma_start3A_63 : memref<128x128xf32, #tpu.memory_space<vmem_shared>>) target_semaphore(%arg10 : memref<!tpu.dma_semaphore, #tpu.memory_space<semaphore_mem>>)
    %add3A_68 = arith.constant 512 : i32
    %add3A_69 = arith.addi %mul3A_8, %add3A_68 : i32
    %dma_start3A_70 = arith.constant 0 : i32
    %dma_start3A_71 = arith.constant 0 : i32
    %dma_start3A_72 = arith.constant 0 : i32
    %dma_start3A_73 = tpu.memref_slice %arg8[%dma_start3A_70, %dma_start3A_71, %dma_start3A_72] : memref<2x128x128xf32, #tpu.memory_space<vmem>> -> memref<1x128x128xf32, #tpu.memory_space<vmem>>
    %dma_start3A_74 = tpu.memref_squeeze %dma_start3A_73 : memref<1x128x128xf32, #tpu.memory_space<vmem>> -> memref<128x128xf32, #tpu.memory_space<vmem>>
    %dma_start3A_75 = arith.constant 0 : i32
    %dma_start3A_76 = tpu.memref_slice %arg9[%add3A_69, %dma_start3A_75] : memref<10240x128xf32, #tpu.memory_space<vmem_shared>> -> memref<128x128xf32, #tpu.memory_space<vmem_shared>>
    %dma_start3A_77 = arith.constant 0 : i32
    %dma_start3A_78 = tpu.memref_slice %arg9[%add3A_69, %dma_start3A_77] : memref<10240x128xf32, #tpu.memory_space<vmem_shared>> -> memref<128x128xf32, #tpu.memory_space<vmem_shared>>
    %dma_start3A_79 = arith.constant 0 : i32
    %dma_start3A_80 = arith.constant 0 : i32
    %dma_start3A_81 = tpu.memref_slice %arg8[%dma_start3A_70, %dma_start3A_79, %dma_start3A_80] : memref<2x128x128xf32, #tpu.memory_space<vmem>> -> memref<1x128x128xf32, #tpu.memory_space<vmem>>
    %dma_start3A_82 = tpu.memref_squeeze %dma_start3A_81 : memref<1x128x128xf32, #tpu.memory_space<vmem>> -> memref<128x128xf32, #tpu.memory_space<vmem>>
    tpu.enqueue_dma source(%dma_start3A_82 : memref<128x128xf32, #tpu.memory_space<vmem>>) target(%dma_start3A_78 : memref<128x128xf32, #tpu.memory_space<vmem_shared>>) target_semaphore(%arg10 : memref<!tpu.dma_semaphore, #tpu.memory_space<semaphore_mem>>)
    %dma_wait3A = arith.constant 0 : i32
    %dma_wait3A_83 = arith.constant 0 : i32
    %dma_wait3A_84 = arith.constant 0 : i32
    %dma_wait3A_85 = tpu.memref_slice %arg8[%dma_wait3A, %dma_wait3A_83, %dma_wait3A_84] : memref<2x128x128xf32, #tpu.memory_space<vmem>> -> memref<1x128x128xf32, #tpu.memory_space<vmem>>
    %dma_wait3A_86 = tpu.memref_squeeze %dma_wait3A_85 : memref<1x128x128xf32, #tpu.memory_space<vmem>> -> memref<128x128xf32, #tpu.memory_space<vmem>>
    %dma_wait3A_87 = arith.constant 0 : i32
    %dma_wait3A_88 = tpu.memref_slice %arg9[%add3A_10, %dma_wait3A_87] : memref<10240x128xf32, #tpu.memory_space<vmem_shared>> -> memref<128x128xf32, #tpu.memory_space<vmem_shared>>
    %dma_wait3A_89 = arith.constant 0 : i32
    %dma_wait3A_90 = tpu.memref_slice %arg9[%add3A_10, %dma_wait3A_89] : memref<10240x128xf32, #tpu.memory_space<vmem_shared>> -> memref<128x128xf32, #tpu.memory_space<vmem_shared>>
    %dma_wait3A_91 = arith.constant 0 : i32
    %dma_wait3A_92 = arith.constant 0 : i32
    %dma_wait3A_93 = tpu.memref_slice %arg8[%dma_wait3A, %dma_wait3A_91, %dma_wait3A_92] : memref<2x128x128xf32, #tpu.memory_space<vmem>> -> memref<1x128x128xf32, #tpu.memory_space<vmem>>
    %dma_wait3A_94 = tpu.memref_squeeze %dma_wait3A_93 : memref<1x128x128xf32, #tpu.memory_space<vmem>> -> memref<128x128xf32, #tpu.memory_space<vmem>>
    tpu.wait_dma2 semaphore(%arg10 : memref<!tpu.dma_semaphore, #tpu.memory_space<semaphore_mem>>) src(%dma_wait3A_94 : memref<128x128xf32, #tpu.memory_space<vmem>>) dst(%dma_wait3A_90 : memref<128x128xf32, #tpu.memory_space<vmem_shared>>)
    %dma_wait3A_95 = arith.constant 0 : i32
    %dma_wait3A_96 = arith.constant 0 : i32
    %dma_wait3A_97 = arith.constant 0 : i32
    %dma_wait3A_98 = tpu.memref_slice %arg8[%dma_wait3A_95, %dma_wait3A_96, %dma_wait3A_97] : memref<2x128x128xf32, #tpu.memory_space<vmem>> -> memref<1x128x128xf32, #tpu.memory_space<vmem>>
    %dma_wait3A_99 = tpu.memref_squeeze %dma_wait3A_98 : memref<1x128x128xf32, #tpu.memory_space<vmem>> -> memref<128x128xf32, #tpu.memory_space<vmem>>
    %dma_wait3A_100 = arith.constant 0 : i32
    %dma_wait3A_101 = tpu.memref_slice %arg9[%add3A_24, %dma_wait3A_100] : memref<10240x128xf32, #tpu.memory_space<vmem_shared>> -> memref<128x128xf32, #tpu.memory_space<vmem_shared>>
    %dma_wait3A_102 = arith.constant 0 : i32
    %dma_wait3A_103 = tpu.memref_slice %arg9[%add3A_24, %dma_wait3A_102] : memref<10240x128xf32, #tpu.memory_space<vmem_shared>> -> memref<128x128xf32, #tpu.memory_space<vmem_shared>>
    %dma_wait3A_104 = arith.constant 0 : i32
    %dma_wait3A_105 = arith.constant 0 : i32
    %dma_wait3A_106 = tpu.memref_slice %arg8[%dma_wait3A_95, %dma_wait3A_104, %dma_wait3A_105] : memref<2x128x128xf32, #tpu.memory_space<vmem>> -> memref<1x128x128xf32, #tpu.memory_space<vmem>>
    %dma_wait3A_107 = tpu.memref_squeeze %dma_wait3A_106 : memref<1x128x128xf32, #tpu.memory_space<vmem>> -> memref<128x128xf32, #tpu.memory_space<vmem>>
    tpu.wait_dma2 semaphore(%arg10 : memref<!tpu.dma_semaphore, #tpu.memory_space<semaphore_mem>>) src(%dma_wait3A_107 : memref<128x128xf32, #tpu.memory_space<vmem>>) dst(%dma_wait3A_103 : memref<128x128xf32, #tpu.memory_space<vmem_shared>>)
    %dma_wait3A_108 = arith.constant 0 : i32
    %dma_wait3A_109 = arith.constant 0 : i32
    %dma_wait3A_110 = arith.constant 0 : i32
    %dma_wait3A_111 = tpu.memref_slice %arg8[%dma_wait3A_108, %dma_wait3A_109, %dma_wait3A_110] : memref<2x128x128xf32, #tpu.memory_space<vmem>> -> memref<1x128x128xf32, #tpu.memory_space<vmem>>
    %dma_wait3A_112 = tpu.memref_squeeze %dma_wait3A_111 : memref<1x128x128xf32, #tpu.memory_space<vmem>> -> memref<128x128xf32, #tpu.memory_space<vmem>>
    %dma_wait3A_113 = arith.constant 0 : i32
    %dma_wait3A_114 = tpu.memref_slice %arg9[%add3A_39, %dma_wait3A_113] : memref<10240x128xf32, #tpu.memory_space<vmem_shared>> -> memref<128x128xf32, #tpu.memory_space<vmem_shared>>
    %dma_wait3A_115 = arith.constant 0 : i32
    %dma_wait3A_116 = tpu.memref_slice %arg9[%add3A_39, %dma_wait3A_115] : memref<10240x128xf32, #tpu.memory_space<vmem_shared>> -> memref<128x128xf32, #tpu.memory_space<vmem_shared>>
    %dma_wait3A_117 = arith.constant 0 : i32
    %dma_wait3A_118 = arith.constant 0 : i32
    %dma_wait3A_119 = tpu.memref_slice %arg8[%dma_wait3A_108, %dma_wait3A_117, %dma_wait3A_118] : memref<2x128x128xf32, #tpu.memory_space<vmem>> -> memref<1x128x128xf32, #tpu.memory_space<vmem>>
    %dma_wait3A_120 = tpu.memref_squeeze %dma_wait3A_119 : memref<1x128x128xf32, #tpu.memory_space<vmem>> -> memref<128x128xf32, #tpu.memory_space<vmem>>
    tpu.wait_dma2 semaphore(%arg10 : memref<!tpu.dma_semaphore, #tpu.memory_space<semaphore_mem>>) src(%dma_wait3A_120 : memref<128x128xf32, #tpu.memory_space<vmem>>) dst(%dma_wait3A_116 : memref<128x128xf32, #tpu.memory_space<vmem_shared>>)
    %dma_wait3A_121 = arith.constant 0 : i32
    %dma_wait3A_122 = arith.constant 0 : i32
    %dma_wait3A_123 = arith.constant 0 : i32
    %dma_wait3A_124 = tpu.memref_slice %arg8[%dma_wait3A_121, %dma_wait3A_122, %dma_wait3A_123] : memref<2x128x128xf32, #tpu.memory_space<vmem>> -> memref<1x128x128xf32, #tpu.memory_space<vmem>>
    %dma_wait3A_125 = tpu.memref_squeeze %dma_wait3A_124 : memref<1x128x128xf32, #tpu.memory_space<vmem>> -> memref<128x128xf32, #tpu.memory_space<vmem>>
    %dma_wait3A_126 = arith.constant 0 : i32
    %dma_wait3A_127 = tpu.memref_slice %arg9[%add3A_54, %dma_wait3A_126] : memref<10240x128xf32, #tpu.memory_space<vmem_shared>> -> memref<128x128xf32, #tpu.memory_space<vmem_shared>>
    %dma_wait3A_128 = arith.constant 0 : i32
    %dma_wait3A_129 = tpu.memref_slice %arg9[%add3A_54, %dma_wait3A_128] : memref<10240x128xf32, #tpu.memory_space<vmem_shared>> -> memref<128x128xf32, #tpu.memory_space<vmem_shared>>
    %dma_wait3A_130 = arith.constant 0 : i32
    %dma_wait3A_131 = arith.constant 0 : i32
    %dma_wait3A_132 = tpu.memref_slice %arg8[%dma_wait3A_121, %dma_wait3A_130, %dma_wait3A_131] : memref<2x128x128xf32, #tpu.memory_space<vmem>> -> memref<1x128x128xf32, #tpu.memory_space<vmem>>
    %dma_wait3A_133 = tpu.memref_squeeze %dma_wait3A_132 : memref<1x128x128xf32, #tpu.memory_space<vmem>> -> memref<128x128xf32, #tpu.memory_space<vmem>>
    tpu.wait_dma2 semaphore(%arg10 : memref<!tpu.dma_semaphore, #tpu.memory_space<semaphore_mem>>) src(%dma_wait3A_133 : memref<128x128xf32, #tpu.memory_space<vmem>>) dst(%dma_wait3A_129 : memref<128x128xf32, #tpu.memory_space<vmem_shared>>)
    %dma_wait3A_134 = arith.constant 0 : i32
    %dma_wait3A_135 = arith.constant 0 : i32
    %dma_wait3A_136 = arith.constant 0 : i32
    %dma_wait3A_137 = tpu.memref_slice %arg8[%dma_wait3A_134, %dma_wait3A_135, %dma_wait3A_136] : memref<2x128x128xf32, #tpu.memory_space<vmem>> -> memref<1x128x128xf32, #tpu.memory_space<vmem>>
    %dma_wait3A_138 = tpu.memref_squeeze %dma_wait3A_137 : memref<1x128x128xf32, #tpu.memory_space<vmem>> -> memref<128x128xf32, #tpu.memory_space<vmem>>
    %dma_wait3A_139 = arith.constant 0 : i32
    %dma_wait3A_140 = tpu.memref_slice %arg9[%add3A_69, %dma_wait3A_139] : memref<10240x128xf32, #tpu.memory_space<vmem_shared>> -> memref<128x128xf32, #tpu.memory_space<vmem_shared>>
    %dma_wait3A_141 = arith.constant 0 : i32
    %dma_wait3A_142 = tpu.memref_slice %arg9[%add3A_69, %dma_wait3A_141] : memref<10240x128xf32, #tpu.memory_space<vmem_shared>> -> memref<128x128xf32, #tpu.memory_space<vmem_shared>>
    %dma_wait3A_143 = arith.constant 0 : i32
    %dma_wait3A_144 = arith.constant 0 : i32
    %dma_wait3A_145 = tpu.memref_slice %arg8[%dma_wait3A_134, %dma_wait3A_143, %dma_wait3A_144] : memref<2x128x128xf32, #tpu.memory_space<vmem>> -> memref<1x128x128xf32, #tpu.memory_space<vmem>>
    %dma_wait3A_146 = tpu.memref_squeeze %dma_wait3A_145 : memref<1x128x128xf32, #tpu.memory_space<vmem>> -> memref<128x128xf32, #tpu.memory_space<vmem>>
    tpu.wait_dma2 semaphore(%arg10 : memref<!tpu.dma_semaphore, #tpu.memory_space<semaphore_mem>>) src(%dma_wait3A_146 : memref<128x128xf32, #tpu.memory_space<vmem>>) dst(%dma_wait3A_142 : memref<128x128xf32, #tpu.memory_space<vmem_shared>>)
    %barrier3A = arith.constant 0 : index
    tpu.barrier barrier_id(%barrier3A)
    %scan3A_147 = arith.constant 0 : i32
    %scan3A_148 = arith.constant 0 : i32
    %scan3A_149 = arith.constant 2 : i32
    %scan3A_150 = arith.addi %scan3A_148, %scan3A_149 : i32
    %scan3A_151 = arith.constant 1 : i32
    %scan3A_152 = scf.for %scan3A_225 = %scan3A_148 to %scan3A_150 step %scan3A_151 iter_args(%scan3A_226 = %scan3A_147) -> (i32)  : i32 {
      %mul3A_227 = arith.constant 80 : i32
      %mul3A_228 = arith.muli %add3A, %mul3A_227 : i32
      %mul3A_229 = arith.constant 40 : i32
      %mul3A_230 = arith.muli %scan3A_225, %mul3A_229 : i32
      %add3A_231 = arith.addi %mul3A_228, %mul3A_230 : i32
      "tpu.region"() ({
        %run_scoped3A = tpu.sem_alloc : memref<!tpu.dma_semaphore, #tpu.memory_space<semaphore_mem>>
        %dma_start3A_240 = arith.constant 0 : i32
        %dma_start3A_241 = tpu.memref_slice %arg3[%add3A_231, %dma_start3A_240] : memref<2560x128xi32, #tpu.memory_space<hbm>> -> memref<40x128xi32, #tpu.memory_space<hbm>>
        %dma_start3A_242 = arith.constant 0 : i32
        %dma_start3A_243 = tpu.memref_slice %arg3[%add3A_231, %dma_start3A_242] : memref<2560x128xi32, #tpu.memory_space<hbm>> -> memref<40x128xi32, #tpu.memory_space<hbm>>
        tpu.enqueue_dma source(%dma_start3A_243 : memref<40x128xi32, #tpu.memory_space<hbm>>) target(%arg6 : memref<40x128xi32, #tpu.memory_space<vmem>>) target_semaphore(%run_scoped3A : memref<!tpu.dma_semaphore, #tpu.memory_space<semaphore_mem>>)
        %dma_wait3A_244 = arith.constant 0 : i32
        %dma_wait3A_245 = tpu.memref_slice %arg3[%add3A_231, %dma_wait3A_244] : memref<2560x128xi32, #tpu.memory_space<hbm>> -> memref<40x128xi32, #tpu.memory_space<hbm>>
        %dma_wait3A_246 = arith.constant 0 : i32
        %dma_wait3A_247 = tpu.memref_slice %arg3[%add3A_231, %dma_wait3A_246] : memref<2560x128xi32, #tpu.memory_space<hbm>> -> memref<40x128xi32, #tpu.memory_space<hbm>>
        tpu.wait_dma2 semaphore(%run_scoped3A : memref<!tpu.dma_semaphore, #tpu.memory_space<semaphore_mem>>) src(%dma_wait3A_247 : memref<40x128xi32, #tpu.memory_space<hbm>>) dst(%arg6 : memref<40x128xi32, #tpu.memory_space<vmem>>)
        tpu.yield
      }) : () -> ()
      "tpu.region"() ({
        %run_scoped3A = tpu.sem_alloc : memref<!tpu.dma_semaphore, #tpu.memory_space<semaphore_mem>>
        %dma_start3A_240 = arith.constant 0 : i32
        %dma_start3A_241 = tpu.memref_slice %arg4[%add3A_231, %dma_start3A_240] : memref<2560x128xi32, #tpu.memory_space<hbm>> -> memref<40x128xi32, #tpu.memory_space<hbm>>
        %dma_start3A_242 = arith.constant 0 : i32
        %dma_start3A_243 = tpu.memref_slice %arg4[%add3A_231, %dma_start3A_242] : memref<2560x128xi32, #tpu.memory_space<hbm>> -> memref<40x128xi32, #tpu.memory_space<hbm>>
        tpu.enqueue_dma source(%dma_start3A_243 : memref<40x128xi32, #tpu.memory_space<hbm>>) target(%arg7 : memref<40x128xi32, #tpu.memory_space<vmem>>) target_semaphore(%run_scoped3A : memref<!tpu.dma_semaphore, #tpu.memory_space<semaphore_mem>>)
        %dma_wait3A_244 = arith.constant 0 : i32
        %dma_wait3A_245 = tpu.memref_slice %arg4[%add3A_231, %dma_wait3A_244] : memref<2560x128xi32, #tpu.memory_space<hbm>> -> memref<40x128xi32, #tpu.memory_space<hbm>>
        %dma_wait3A_246 = arith.constant 0 : i32
        %dma_wait3A_247 = tpu.memref_slice %arg4[%add3A_231, %dma_wait3A_246] : memref<2560x128xi32, #tpu.memory_space<hbm>> -> memref<40x128xi32, #tpu.memory_space<hbm>>
        tpu.wait_dma2 semaphore(%run_scoped3A : memref<!tpu.dma_semaphore, #tpu.memory_space<semaphore_mem>>) src(%dma_wait3A_247 : memref<40x128xi32, #tpu.memory_space<hbm>>) dst(%arg7 : memref<40x128xi32, #tpu.memory_space<vmem>>)
        tpu.yield
      }) : () -> ()
      %scan3A_232 = arith.constant 0 : i32
      %scan3A_233 = arith.constant 0 : i32
      %scan3A_234 = arith.constant 20 : i32
      %scan3A_235 = arith.addi %scan3A_233, %scan3A_234 : i32
      %scan3A_236 = arith.constant 1 : i32
      %scan3A_237 = scf.for %scan3A_240 = %scan3A_233 to %scan3A_235 step %scan3A_236 iter_args(%scan3A_241 = %scan3A_232) -> (i32)  : i32 {
        %mul3A_242 = arith.constant 2 : i32
        %mul3A_243 = arith.muli %scan3A_240, %mul3A_242 : i32
        %add3A_244 = arith.constant 0 : i32
        %add3A_245 = arith.addi %mul3A_243, %add3A_244 : i32
        %dma_start3A_246 = arith.constant 0 : i32
        %dma_start3A_247 = arith.constant 0 : i32
        %dma_start3A_248 = arith.constant 0 : i32
        %dma_start3A_249 = tpu.memref_slice %arg8[%dma_start3A_246, %dma_start3A_247, %dma_start3A_248] : memref<2x128x128xf32, #tpu.memory_space<vmem>> -> memref<1x128x128xf32, #tpu.memory_space<vmem>>
        %dma_start3A_250 = tpu.memref_squeeze %dma_start3A_249 : memref<1x128x128xf32, #tpu.memory_space<vmem>> -> memref<128x128xf32, #tpu.memory_space<vmem>>
        %dma_start3A_251 = arith.constant 0 : i32
        %dma_start3A_252 = tpu.memref_slice %arg6[%add3A_245, %dma_start3A_251] : memref<40x128xi32, #tpu.memory_space<vmem>> -> memref<1x128xi32, #tpu.memory_space<vmem>>
        %dma_start3A_253 = tpu.memref_squeeze %dma_start3A_252 : memref<1x128xi32, #tpu.memory_space<vmem>> -> memref<128xi32, #tpu.memory_space<vmem>>
        %dma_start3A_254 = arith.constant 0 : i32
        %dma_start3A_255 = arith.constant 0 : i32
        %dma_start3A_256 = tpu.memref_slice %arg2[%dma_start3A_254, %dma_start3A_255] : memref<10000x128xf32, #tpu.memory_space<hbm>> -> memref<10000x128xf32, #tpu.memory_space<hbm>>
        tpu.enqueue_indirect_dma source(%dma_start3A_256 : memref<10000x128xf32, #tpu.memory_space<hbm>>) target(%dma_start3A_250 : memref<128x128xf32, #tpu.memory_space<vmem>>) offsets(%dma_start3A_253 : memref<128xi32, #tpu.memory_space<vmem>>) semaphore(%arg10 : memref<!tpu.dma_semaphore, #tpu.memory_space<semaphore_mem>>)
        %mul3A_257 = arith.constant 2 : i32
        %mul3A_258 = arith.muli %scan3A_240, %mul3A_257 : i32
        %add3A_259 = arith.constant 1 : i32
        %add3A_260 = arith.addi %mul3A_258, %add3A_259 : i32
        %dma_start3A_261 = arith.constant 1 : i32
        %dma_start3A_262 = arith.constant 0 : i32
        %dma_start3A_263 = arith.constant 0 : i32
        %dma_start3A_264 = tpu.memref_slice %arg8[%dma_start3A_261, %dma_start3A_262, %dma_start3A_263] : memref<2x128x128xf32, #tpu.memory_space<vmem>> -> memref<1x128x128xf32, #tpu.memory_space<vmem>>
        %dma_start3A_265 = tpu.memref_squeeze %dma_start3A_264 : memref<1x128x128xf32, #tpu.memory_space<vmem>> -> memref<128x128xf32, #tpu.memory_space<vmem>>
        %dma_start3A_266 = arith.constant 0 : i32
        %dma_start3A_267 = tpu.memref_slice %arg6[%add3A_260, %dma_start3A_266] : memref<40x128xi32, #tpu.memory_space<vmem>> -> memref<1x128xi32, #tpu.memory_space<vmem>>
        %dma_start3A_268 = tpu.memref_squeeze %dma_start3A_267 : memref<1x128xi32, #tpu.memory_space<vmem>> -> memref<128xi32, #tpu.memory_space<vmem>>
        %dma_start3A_269 = arith.constant 0 : i32
        %dma_start3A_270 = arith.constant 0 : i32
        %dma_start3A_271 = tpu.memref_slice %arg2[%dma_start3A_269, %dma_start3A_270] : memref<10000x128xf32, #tpu.memory_space<hbm>> -> memref<10000x128xf32, #tpu.memory_space<hbm>>
        tpu.enqueue_indirect_dma source(%dma_start3A_271 : memref<10000x128xf32, #tpu.memory_space<hbm>>) target(%dma_start3A_265 : memref<128x128xf32, #tpu.memory_space<vmem>>) offsets(%dma_start3A_268 : memref<128xi32, #tpu.memory_space<vmem>>) semaphore(%arg10 : memref<!tpu.dma_semaphore, #tpu.memory_space<semaphore_mem>>)
        %dma_wait3A_272 = arith.constant 0 : i32
        %dma_wait3A_273 = arith.constant 0 : i32
        %dma_wait3A_274 = arith.constant 0 : i32
        %dma_wait3A_275 = tpu.memref_slice %arg8[%dma_wait3A_272, %dma_wait3A_273, %dma_wait3A_274] : memref<2x128x128xf32, #tpu.memory_space<vmem>> -> memref<1x128x128xf32, #tpu.memory_space<vmem>>
        %dma_wait3A_276 = tpu.memref_squeeze %dma_wait3A_275 : memref<1x128x128xf32, #tpu.memory_space<vmem>> -> memref<128x128xf32, #tpu.memory_space<vmem>>
        %dma_wait3A_277 = arith.constant 0 : i32
        %dma_wait3A_278 = tpu.memref_slice %arg6[%add3A_245, %dma_wait3A_277] : memref<40x128xi32, #tpu.memory_space<vmem>> -> memref<1x128xi32, #tpu.memory_space<vmem>>
        %dma_wait3A_279 = tpu.memref_squeeze %dma_wait3A_278 : memref<1x128xi32, #tpu.memory_space<vmem>> -> memref<128xi32, #tpu.memory_space<vmem>>
        %dma_wait3A_280 = arith.constant 0 : i32
        %dma_wait3A_281 = arith.constant 0 : i32
        %dma_wait3A_282 = tpu.memref_slice %arg2[%dma_wait3A_280, %dma_wait3A_281] : memref<10000x128xf32, #tpu.memory_space<hbm>> -> memref<10000x128xf32, #tpu.memory_space<hbm>>
        tpu.wait_indirect_dma semaphore(%arg10 : memref<!tpu.dma_semaphore, #tpu.memory_space<semaphore_mem>>) src(%dma_wait3A_282 : memref<10000x128xf32, #tpu.memory_space<hbm>>) dst(%dma_wait3A_276 : memref<128x128xf32, #tpu.memory_space<vmem>>)
        %mul3A_283 = arith.constant 2 : i32
        %mul3A_284 = arith.muli %scan3A_240, %mul3A_283 : i32
        %add3A_285 = arith.constant 0 : i32
        %add3A_286 = arith.addi %mul3A_284, %add3A_285 : i32
        %run_scoped3A = arith.constant 0 : i32
        "tpu.region"() ({
          %run_scoped3A_304 = tpu.sem_alloc : memref<!tpu.dma_semaphore, #tpu.memory_space<semaphore_mem>>
          %dma_start3A_305 = arith.constant 0 : i32
          %dma_start3A_306 = arith.constant 0 : i32
          %dma_start3A_307 = tpu.memref_slice %arg8[%run_scoped3A, %dma_start3A_305, %dma_start3A_306] : memref<2x128x128xf32, #tpu.memory_space<vmem>> -> memref<1x128x128xf32, #tpu.memory_space<vmem>>
          %dma_start3A_308 = tpu.memref_squeeze %dma_start3A_307 : memref<1x128x128xf32, #tpu.memory_space<vmem>> -> memref<128x128xf32, #tpu.memory_space<vmem>>
          %dma_start3A_309 = arith.constant 0 : i32
          %dma_start3A_310 = tpu.memref_slice %arg7[%add3A_286, %dma_start3A_309] : memref<40x128xi32, #tpu.memory_space<vmem>> -> memref<1x128xi32, #tpu.memory_space<vmem>>
          %dma_start3A_311 = tpu.memref_squeeze %dma_start3A_310 : memref<1x128xi32, #tpu.memory_space<vmem>> -> memref<128xi32, #tpu.memory_space<vmem>>
          %dma_start3A_312 = arith.constant 0 : i32
          %dma_start3A_313 = arith.constant 0 : i32
          %dma_start3A_314 = tpu.memref_slice %arg9[%dma_start3A_312, %dma_start3A_313] : memref<10240x128xf32, #tpu.memory_space<vmem_shared>> -> memref<10240x128xf32, #tpu.memory_space<vmem_shared>>
          tpu.enqueue_indirect_dma source(%dma_start3A_308 : memref<128x128xf32, #tpu.memory_space<vmem>>) target(%dma_start3A_314 : memref<10240x128xf32, #tpu.memory_space<vmem_shared>>) offsets(%dma_start3A_311 : memref<128xi32, #tpu.memory_space<vmem>>) semaphore(%run_scoped3A_304 : memref<!tpu.dma_semaphore, #tpu.memory_space<semaphore_mem>>) {add = true}
          %dma_wait3A_315 = arith.constant 0 : i32
          %dma_wait3A_316 = arith.constant 0 : i32
          %dma_wait3A_317 = tpu.memref_slice %arg8[%run_scoped3A, %dma_wait3A_315, %dma_wait3A_316] : memref<2x128x128xf32, #tpu.memory_space<vmem>> -> memref<1x128x128xf32, #tpu.memory_space<vmem>>
          %dma_wait3A_318 = tpu.memref_squeeze %dma_wait3A_317 : memref<1x128x128xf32, #tpu.memory_space<vmem>> -> memref<128x128xf32, #tpu.memory_space<vmem>>
          %dma_wait3A_319 = arith.constant 0 : i32
          %dma_wait3A_320 = tpu.memref_slice %arg7[%add3A_286, %dma_wait3A_319] : memref<40x128xi32, #tpu.memory_space<vmem>> -> memref<1x128xi32, #tpu.memory_space<vmem>>
          %dma_wait3A_321 = tpu.memref_squeeze %dma_wait3A_320 : memref<1x128xi32, #tpu.memory_space<vmem>> -> memref<128xi32, #tpu.memory_space<vmem>>
          %dma_wait3A_322 = arith.constant 0 : i32
          %dma_wait3A_323 = arith.constant 0 : i32
          %dma_wait3A_324 = tpu.memref_slice %arg9[%dma_wait3A_322, %dma_wait3A_323] : memref<10240x128xf32, #tpu.memory_space<vmem_shared>> -> memref<10240x128xf32, #tpu.memory_space<vmem_shared>>
          tpu.wait_indirect_dma semaphore(%run_scoped3A_304 : memref<!tpu.dma_semaphore, #tpu.memory_space<semaphore_mem>>) src(%dma_wait3A_318 : memref<128x128xf32, #tpu.memory_space<vmem>>) dst(%dma_wait3A_324 : memref<10240x128xf32, #tpu.memory_space<vmem_shared>>)
          tpu.yield
        }) : () -> ()
        %dma_wait3A_287 = arith.constant 1 : i32
        %dma_wait3A_288 = arith.constant 0 : i32
        %dma_wait3A_289 = arith.constant 0 : i32
        %dma_wait3A_290 = tpu.memref_slice %arg8[%dma_wait3A_287, %dma_wait3A_288, %dma_wait3A_289] : memref<2x128x128xf32, #tpu.memory_space<vmem>> -> memref<1x128x128xf32, #tpu.memory_space<vmem>>
        %dma_wait3A_291 = tpu.memref_squeeze %dma_wait3A_290 : memref<1x128x128xf32, #tpu.memory_space<vmem>> -> memref<128x128xf32, #tpu.memory_space<vmem>>
        %dma_wait3A_292 = arith.constant 0 : i32
        %dma_wait3A_293 = tpu.memref_slice %arg6[%add3A_260, %dma_wait3A_292] : memref<40x128xi32, #tpu.memory_space<vmem>> -> memref<1x128xi32, #tpu.memory_space<vmem>>
        %dma_wait3A_294 = tpu.memref_squeeze %dma_wait3A_293 : memref<1x128xi32, #tpu.memory_space<vmem>> -> memref<128xi32, #tpu.memory_space<vmem>>
        %dma_wait3A_295 = arith.constant 0 : i32
        %dma_wait3A_296 = arith.constant 0 : i32
        %dma_wait3A_297 = tpu.memref_slice %arg2[%dma_wait3A_295, %dma_wait3A_296] : memref<10000x128xf32, #tpu.memory_space<hbm>> -> memref<10000x128xf32, #tpu.memory_space<hbm>>
        tpu.wait_indirect_dma semaphore(%arg10 : memref<!tpu.dma_semaphore, #tpu.memory_space<semaphore_mem>>) src(%dma_wait3A_297 : memref<10000x128xf32, #tpu.memory_space<hbm>>) dst(%dma_wait3A_291 : memref<128x128xf32, #tpu.memory_space<vmem>>)
        %mul3A_298 = arith.constant 2 : i32
        %mul3A_299 = arith.muli %scan3A_240, %mul3A_298 : i32
        %add3A_300 = arith.constant 1 : i32
        %add3A_301 = arith.addi %mul3A_299, %add3A_300 : i32
        %run_scoped3A_302 = arith.constant 1 : i32
        "tpu.region"() ({
          %run_scoped3A_304 = tpu.sem_alloc : memref<!tpu.dma_semaphore, #tpu.memory_space<semaphore_mem>>
          %dma_start3A_305 = arith.constant 0 : i32
          %dma_start3A_306 = arith.constant 0 : i32
          %dma_start3A_307 = tpu.memref_slice %arg8[%run_scoped3A_302, %dma_start3A_305, %dma_start3A_306] : memref<2x128x128xf32, #tpu.memory_space<vmem>> -> memref<1x128x128xf32, #tpu.memory_space<vmem>>
          %dma_start3A_308 = tpu.memref_squeeze %dma_start3A_307 : memref<1x128x128xf32, #tpu.memory_space<vmem>> -> memref<128x128xf32, #tpu.memory_space<vmem>>
          %dma_start3A_309 = arith.constant 0 : i32
          %dma_start3A_310 = tpu.memref_slice %arg7[%add3A_301, %dma_start3A_309] : memref<40x128xi32, #tpu.memory_space<vmem>> -> memref<1x128xi32, #tpu.memory_space<vmem>>
          %dma_start3A_311 = tpu.memref_squeeze %dma_start3A_310 : memref<1x128xi32, #tpu.memory_space<vmem>> -> memref<128xi32, #tpu.memory_space<vmem>>
          %dma_start3A_312 = arith.constant 0 : i32
          %dma_start3A_313 = arith.constant 0 : i32
          %dma_start3A_314 = tpu.memref_slice %arg9[%dma_start3A_312, %dma_start3A_313] : memref<10240x128xf32, #tpu.memory_space<vmem_shared>> -> memref<10240x128xf32, #tpu.memory_space<vmem_shared>>
          tpu.enqueue_indirect_dma source(%dma_start3A_308 : memref<128x128xf32, #tpu.memory_space<vmem>>) target(%dma_start3A_314 : memref<10240x128xf32, #tpu.memory_space<vmem_shared>>) offsets(%dma_start3A_311 : memref<128xi32, #tpu.memory_space<vmem>>) semaphore(%run_scoped3A_304 : memref<!tpu.dma_semaphore, #tpu.memory_space<semaphore_mem>>) {add = true}
          %dma_wait3A_315 = arith.constant 0 : i32
          %dma_wait3A_316 = arith.constant 0 : i32
          %dma_wait3A_317 = tpu.memref_slice %arg8[%run_scoped3A_302, %dma_wait3A_315, %dma_wait3A_316] : memref<2x128x128xf32, #tpu.memory_space<vmem>> -> memref<1x128x128xf32, #tpu.memory_space<vmem>>
          %dma_wait3A_318 = tpu.memref_squeeze %dma_wait3A_317 : memref<1x128x128xf32, #tpu.memory_space<vmem>> -> memref<128x128xf32, #tpu.memory_space<vmem>>
          %dma_wait3A_319 = arith.constant 0 : i32
          %dma_wait3A_320 = tpu.memref_slice %arg7[%add3A_301, %dma_wait3A_319] : memref<40x128xi32, #tpu.memory_space<vmem>> -> memref<1x128xi32, #tpu.memory_space<vmem>>
          %dma_wait3A_321 = tpu.memref_squeeze %dma_wait3A_320 : memref<1x128xi32, #tpu.memory_space<vmem>> -> memref<128xi32, #tpu.memory_space<vmem>>
          %dma_wait3A_322 = arith.constant 0 : i32
          %dma_wait3A_323 = arith.constant 0 : i32
          %dma_wait3A_324 = tpu.memref_slice %arg9[%dma_wait3A_322, %dma_wait3A_323] : memref<10240x128xf32, #tpu.memory_space<vmem_shared>> -> memref<10240x128xf32, #tpu.memory_space<vmem_shared>>
          tpu.wait_indirect_dma semaphore(%run_scoped3A_304 : memref<!tpu.dma_semaphore, #tpu.memory_space<semaphore_mem>>) src(%dma_wait3A_318 : memref<128x128xf32, #tpu.memory_space<vmem>>) dst(%dma_wait3A_324 : memref<10240x128xf32, #tpu.memory_space<vmem_shared>>)
          tpu.yield
        }) : () -> ()
        %scan3A_303 = arith.constant 0 : i32
        scf.yield %scan3A_303 : i32
      }
      %scan3A_238 = arith.constant 20 : i32
      %scan3A_239 = arith.constant 0 : i32
      scf.yield %scan3A_239 : i32
    }
    %scan3A_153 = arith.constant 2 : i32
    %barrier3A_154 = arith.constant 0 : index
    tpu.barrier barrier_id(%barrier3A_154)
    %add3A_155 = arith.constant 0 : i32
    %add3A_156 = arith.addi %mul3A_8, %add3A_155 : i32
    %add3A_157 = arith.constant 0 : i32
    %add3A_158 = arith.addi %mul3A_8, %add3A_157 : i32
    %dma_start3A_159 = arith.constant 0 : i32
    %dma_start3A_160 = tpu.memref_slice %arg5[%arg0, %add3A_158, %dma_start3A_159] : memref<2x10240x128xf32, #tpu.memory_space<hbm>> -> memref<1x128x128xf32, #tpu.memory_space<hbm>>
    %dma_start3A_161 = tpu.memref_squeeze %dma_start3A_160 : memref<1x128x128xf32, #tpu.memory_space<hbm>> -> memref<128x128xf32, #tpu.memory_space<hbm>>
    %dma_start3A_162 = arith.constant 0 : i32
    %dma_start3A_163 = tpu.memref_slice %arg9[%add3A_156, %dma_start3A_162] : memref<10240x128xf32, #tpu.memory_space<vmem_shared>> -> memref<128x128xf32, #tpu.memory_space<vmem_shared>>
    tpu.enqueue_dma source(%dma_start3A_163 : memref<128x128xf32, #tpu.memory_space<vmem_shared>>) target(%dma_start3A_161 : memref<128x128xf32, #tpu.memory_space<hbm>>) target_semaphore(%arg10 : memref<!tpu.dma_semaphore, #tpu.memory_space<semaphore_mem>>)
    %add3A_164 = arith.constant 128 : i32
    %add3A_165 = arith.addi %mul3A_8, %add3A_164 : i32
    %add3A_166 = arith.constant 128 : i32
    %add3A_167 = arith.addi %mul3A_8, %add3A_166 : i32
    %dma_start3A_168 = arith.constant 0 : i32
    %dma_start3A_169 = tpu.memref_slice %arg5[%arg0, %add3A_167, %dma_start3A_168] : memref<2x10240x128xf32, #tpu.memory_space<hbm>> -> memref<1x128x128xf32, #tpu.memory_space<hbm>>
    %dma_start3A_170 = tpu.memref_squeeze %dma_start3A_169 : memref<1x128x128xf32, #tpu.memory_space<hbm>> -> memref<128x128xf32, #tpu.memory_space<hbm>>
    %dma_start3A_171 = arith.constant 0 : i32
    %dma_start3A_172 = tpu.memref_slice %arg9[%add3A_165, %dma_start3A_171] : memref<10240x128xf32, #tpu.memory_space<vmem_shared>> -> memref<128x128xf32, #tpu.memory_space<vmem_shared>>
    tpu.enqueue_dma source(%dma_start3A_172 : memref<128x128xf32, #tpu.memory_space<vmem_shared>>) target(%dma_start3A_170 : memref<128x128xf32, #tpu.memory_space<hbm>>) target_semaphore(%arg10 : memref<!tpu.dma_semaphore, #tpu.memory_space<semaphore_mem>>)
    %add3A_173 = arith.constant 256 : i32
    %add3A_174 = arith.addi %mul3A_8, %add3A_173 : i32
    %add3A_175 = arith.constant 256 : i32
    %add3A_176 = arith.addi %mul3A_8, %add3A_175 : i32
    %dma_start3A_177 = arith.constant 0 : i32
    %dma_start3A_178 = tpu.memref_slice %arg5[%arg0, %add3A_176, %dma_start3A_177] : memref<2x10240x128xf32, #tpu.memory_space<hbm>> -> memref<1x128x128xf32, #tpu.memory_space<hbm>>
    %dma_start3A_179 = tpu.memref_squeeze %dma_start3A_178 : memref<1x128x128xf32, #tpu.memory_space<hbm>> -> memref<128x128xf32, #tpu.memory_space<hbm>>
    %dma_start3A_180 = arith.constant 0 : i32
    %dma_start3A_181 = tpu.memref_slice %arg9[%add3A_174, %dma_start3A_180] : memref<10240x128xf32, #tpu.memory_space<vmem_shared>> -> memref<128x128xf32, #tpu.memory_space<vmem_shared>>
    tpu.enqueue_dma source(%dma_start3A_181 : memref<128x128xf32, #tpu.memory_space<vmem_shared>>) target(%dma_start3A_179 : memref<128x128xf32, #tpu.memory_space<hbm>>) target_semaphore(%arg10 : memref<!tpu.dma_semaphore, #tpu.memory_space<semaphore_mem>>)
    %add3A_182 = arith.constant 384 : i32
    %add3A_183 = arith.addi %mul3A_8, %add3A_182 : i32
    %add3A_184 = arith.constant 384 : i32
    %add3A_185 = arith.addi %mul3A_8, %add3A_184 : i32
    %dma_start3A_186 = arith.constant 0 : i32
    %dma_start3A_187 = tpu.memref_slice %arg5[%arg0, %add3A_185, %dma_start3A_186] : memref<2x10240x128xf32, #tpu.memory_space<hbm>> -> memref<1x128x128xf32, #tpu.memory_space<hbm>>
    %dma_start3A_188 = tpu.memref_squeeze %dma_start3A_187 : memref<1x128x128xf32, #tpu.memory_space<hbm>> -> memref<128x128xf32, #tpu.memory_space<hbm>>
    %dma_start3A_189 = arith.constant 0 : i32
    %dma_start3A_190 = tpu.memref_slice %arg9[%add3A_183, %dma_start3A_189] : memref<10240x128xf32, #tpu.memory_space<vmem_shared>> -> memref<128x128xf32, #tpu.memory_space<vmem_shared>>
    tpu.enqueue_dma source(%dma_start3A_190 : memref<128x128xf32, #tpu.memory_space<vmem_shared>>) target(%dma_start3A_188 : memref<128x128xf32, #tpu.memory_space<hbm>>) target_semaphore(%arg10 : memref<!tpu.dma_semaphore, #tpu.memory_space<semaphore_mem>>)
    %add3A_191 = arith.constant 512 : i32
    %add3A_192 = arith.addi %mul3A_8, %add3A_191 : i32
    %add3A_193 = arith.constant 512 : i32
    %add3A_194 = arith.addi %mul3A_8, %add3A_193 : i32
    %dma_start3A_195 = arith.constant 0 : i32
    %dma_start3A_196 = tpu.memref_slice %arg5[%arg0, %add3A_194, %dma_start3A_195] : memref<2x10240x128xf32, #tpu.memory_space<hbm>> -> memref<1x128x128xf32, #tpu.memory_space<hbm>>
    %dma_start3A_197 = tpu.memref_squeeze %dma_start3A_196 : memref<1x128x128xf32, #tpu.memory_space<hbm>> -> memref<128x128xf32, #tpu.memory_space<hbm>>
    %dma_start3A_198 = arith.constant 0 : i32
    %dma_start3A_199 = tpu.memref_slice %arg9[%add3A_192, %dma_start3A_198] : memref<10240x128xf32, #tpu.memory_space<vmem_shared>> -> memref<128x128xf32, #tpu.memory_space<vmem_shared>>
    tpu.enqueue_dma source(%dma_start3A_199 : memref<128x128xf32, #tpu.memory_space<vmem_shared>>) target(%dma_start3A_197 : memref<128x128xf32, #tpu.memory_space<hbm>>) target_semaphore(%arg10 : memref<!tpu.dma_semaphore, #tpu.memory_space<semaphore_mem>>)
    %dma_wait3A_200 = arith.constant 0 : i32
    %dma_wait3A_201 = tpu.memref_slice %arg5[%arg0, %add3A_158, %dma_wait3A_200] : memref<2x10240x128xf32, #tpu.memory_space<hbm>> -> memref<1x128x128xf32, #tpu.memory_space<hbm>>
    %dma_wait3A_202 = tpu.memref_squeeze %dma_wait3A_201 : memref<1x128x128xf32, #tpu.memory_space<hbm>> -> memref<128x128xf32, #tpu.memory_space<hbm>>
    %dma_wait3A_203 = arith.constant 0 : i32
    %dma_wait3A_204 = tpu.memref_slice %arg9[%add3A_156, %dma_wait3A_203] : memref<10240x128xf32, #tpu.memory_space<vmem_shared>> -> memref<128x128xf32, #tpu.memory_space<vmem_shared>>
    tpu.wait_dma2 semaphore(%arg10 : memref<!tpu.dma_semaphore, #tpu.memory_space<semaphore_mem>>) src(%dma_wait3A_204 : memref<128x128xf32, #tpu.memory_space<vmem_shared>>) dst(%dma_wait3A_202 : memref<128x128xf32, #tpu.memory_space<hbm>>)
    %dma_wait3A_205 = arith.constant 0 : i32
    %dma_wait3A_206 = tpu.memref_slice %arg5[%arg0, %add3A_167, %dma_wait3A_205] : memref<2x10240x128xf32, #tpu.memory_space<hbm>> -> memref<1x128x128xf32, #tpu.memory_space<hbm>>
    %dma_wait3A_207 = tpu.memref_squeeze %dma_wait3A_206 : memref<1x128x128xf32, #tpu.memory_space<hbm>> -> memref<128x128xf32, #tpu.memory_space<hbm>>
    %dma_wait3A_208 = arith.constant 0 : i32
    %dma_wait3A_209 = tpu.memref_slice %arg9[%add3A_165, %dma_wait3A_208] : memref<10240x128xf32, #tpu.memory_space<vmem_shared>> -> memref<128x128xf32, #tpu.memory_space<vmem_shared>>
    tpu.wait_dma2 semaphore(%arg10 : memref<!tpu.dma_semaphore, #tpu.memory_space<semaphore_mem>>) src(%dma_wait3A_209 : memref<128x128xf32, #tpu.memory_space<vmem_shared>>) dst(%dma_wait3A_207 : memref<128x128xf32, #tpu.memory_space<hbm>>)
    %dma_wait3A_210 = arith.constant 0 : i32
    %dma_wait3A_211 = tpu.memref_slice %arg5[%arg0, %add3A_176, %dma_wait3A_210] : memref<2x10240x128xf32, #tpu.memory_space<hbm>> -> memref<1x128x128xf32, #tpu.memory_space<hbm>>
    %dma_wait3A_212 = tpu.memref_squeeze %dma_wait3A_211 : memref<1x128x128xf32, #tpu.memory_space<hbm>> -> memref<128x128xf32, #tpu.memory_space<hbm>>
    %dma_wait3A_213 = arith.constant 0 : i32
    %dma_wait3A_214 = tpu.memref_slice %arg9[%add3A_174, %dma_wait3A_213] : memref<10240x128xf32, #tpu.memory_space<vmem_shared>> -> memref<128x128xf32, #tpu.memory_space<vmem_shared>>
    tpu.wait_dma2 semaphore(%arg10 : memref<!tpu.dma_semaphore, #tpu.memory_space<semaphore_mem>>) src(%dma_wait3A_214 : memref<128x128xf32, #tpu.memory_space<vmem_shared>>) dst(%dma_wait3A_212 : memref<128x128xf32, #tpu.memory_space<hbm>>)
    %dma_wait3A_215 = arith.constant 0 : i32
    %dma_wait3A_216 = tpu.memref_slice %arg5[%arg0, %add3A_185, %dma_wait3A_215] : memref<2x10240x128xf32, #tpu.memory_space<hbm>> -> memref<1x128x128xf32, #tpu.memory_space<hbm>>
    %dma_wait3A_217 = tpu.memref_squeeze %dma_wait3A_216 : memref<1x128x128xf32, #tpu.memory_space<hbm>> -> memref<128x128xf32, #tpu.memory_space<hbm>>
    %dma_wait3A_218 = arith.constant 0 : i32
    %dma_wait3A_219 = tpu.memref_slice %arg9[%add3A_183, %dma_wait3A_218] : memref<10240x128xf32, #tpu.memory_space<vmem_shared>> -> memref<128x128xf32, #tpu.memory_space<vmem_shared>>
    tpu.wait_dma2 semaphore(%arg10 : memref<!tpu.dma_semaphore, #tpu.memory_space<semaphore_mem>>) src(%dma_wait3A_219 : memref<128x128xf32, #tpu.memory_space<vmem_shared>>) dst(%dma_wait3A_217 : memref<128x128xf32, #tpu.memory_space<hbm>>)
    %dma_wait3A_220 = arith.constant 0 : i32
    %dma_wait3A_221 = tpu.memref_slice %arg5[%arg0, %add3A_194, %dma_wait3A_220] : memref<2x10240x128xf32, #tpu.memory_space<hbm>> -> memref<1x128x128xf32, #tpu.memory_space<hbm>>
    %dma_wait3A_222 = tpu.memref_squeeze %dma_wait3A_221 : memref<1x128x128xf32, #tpu.memory_space<hbm>> -> memref<128x128xf32, #tpu.memory_space<hbm>>
    %dma_wait3A_223 = arith.constant 0 : i32
    %dma_wait3A_224 = tpu.memref_slice %arg9[%add3A_192, %dma_wait3A_223] : memref<10240x128xf32, #tpu.memory_space<vmem_shared>> -> memref<128x128xf32, #tpu.memory_space<vmem_shared>>
    tpu.wait_dma2 semaphore(%arg10 : memref<!tpu.dma_semaphore, #tpu.memory_space<semaphore_mem>>) src(%dma_wait3A_224 : memref<128x128xf32, #tpu.memory_space<vmem_shared>>) dst(%dma_wait3A_222 : memref<128x128xf32, #tpu.memory_space<hbm>>)
    return
  }
}

module attributes {stable_mosaic.version = 14 : i64} {
  func.func @_tc0_body(%arg0: memref<32x10240xf32, #tpu.memory_space<vmem>>, %arg1: memref<10240x1xf32, #tpu.memory_space<vmem>>) attributes {dimension_semantics = [], scalar_prefetch = 0 : i64, scratch_operands = 0 : i64, tpu.core_type = #tpu.core_type<tc>} {
    %get3A = arith.constant 0 : index
    %get3A_0 = arith.constant 0 : index
    %get3A_1 = vector.load %arg0[%get3A, %get3A_0] : memref<32x10240xf32, #tpu.memory_space<vmem>>, vector<32x10240xf32>
    %reduce_sum3A = arith.constant dense<0.000000e+00> : vector<10240xf32>
    %reduce_sum3A_2 = vector.multi_reduction <add>, %get3A_1, %reduce_sum3A [0] : vector<32x10240xf32> to vector<10240xf32>
    %add3A = arith.constant 1.000000e+00 : f32
    %add3A_3 = vector.broadcast %add3A : f32 to vector<10240xf32>
    %add3A_4 = arith.addf %add3A_3, %reduce_sum3A_2 : vector<10240xf32>
    %rsqrt3A = math.rsqrt %add3A_4 : vector<10240xf32>
    %broadcast_in_dim3A = vector.shape_cast %rsqrt3A : vector<10240xf32> to vector<10240x1xf32>
    %swap3A = arith.constant 0 : index
    %swap3A_5 = arith.constant 0 : index
    %swap3A_6 = vector.load %arg1[%swap3A, %swap3A_5] : memref<10240x1xf32, #tpu.memory_space<vmem>>, vector<10240x1xf32>
    tpu.vector_store %arg1[%swap3A, %swap3A_5], %broadcast_in_dim3A {strides = array<i32>} : memref<10240x1xf32, #tpu.memory_space<vmem>>, vector<10240x1xf32>,
    return
  }
}

module attributes {stable_mosaic.version = 14 : i64} {
  func.func @_tc2_body(%arg0: i32, %arg1: memref<2x2000x128xf32, #tpu.memory_space<vmem>>, %arg2: memref<2000x128xf32, #tpu.memory_space<vmem>>, %arg3: memref<2000x1xf32, #tpu.memory_space<vmem>>, %arg4: memref<128xf32, #tpu.memory_space<vmem>>, %arg5: memref<2000x128xf32, #tpu.memory_space<vmem>>, %arg6: memref<8x128xf32, #tpu.memory_space<vmem>>, %arg7: memref<8x128xf32, #tpu.memory_space<vmem>>) attributes {dimension_semantics = [#tpu.dimension_semantics<arbitrary>], iteration_bounds = array<i64: 5>, scalar_prefetch = 0 : i64, scratch_operands = 1 : i64, tpu.core_type = #tpu.core_type<tc>, window_params = [{transform_indices = @transform_0, window_bounds = array<i64: 2, 2000, 128>}, {transform_indices = @transform_1, window_bounds = array<i64: 2000, 128>}, {transform_indices = @transform_2, window_bounds = array<i64: 2000, 1>}, {pipeline_mode = #tpu.pipeline_mode<synchronous>, transform_indices = @transform_3, window_bounds = array<i64: 128>}, {transform_indices = @transform_4, window_bounds = array<i64: 2000, 128>}, {pipeline_mode = #tpu.pipeline_mode<synchronous>, transform_indices = @transform_5, window_bounds = array<i64: 8, 128>}]} {
    %get3A = arith.constant 0 : index
    %get3A_0 = arith.constant 0 : index
    %get3A_1 = vector.load %arg3[%get3A, %get3A_0] : memref<2000x1xf32, #tpu.memory_space<vmem>>, vector<2000x1xf32>
    %get3A_2 = arith.constant 0 : index
    %get3A_3 = arith.constant 0 : index
    %get3A_4 = arith.constant 0 : index
    %get3A_5 = vector.load %arg1[%get3A_2, %get3A_3, %get3A_4] : memref<2x2000x128xf32, #tpu.memory_space<vmem>>, vector<1x2000x128xf32>
    %get3A_6 = vector.shape_cast %get3A_5 : vector<1x2000x128xf32> to vector<2000x128xf32>
    %get3A_7 = arith.constant 1 : index
    %get3A_8 = arith.constant 0 : index
    %get3A_9 = arith.constant 0 : index
    %get3A_10 = vector.load %arg1[%get3A_7, %get3A_8, %get3A_9] : memref<2x2000x128xf32, #tpu.memory_space<vmem>>, vector<1x2000x128xf32>
    %get3A_11 = vector.shape_cast %get3A_10 : vector<1x2000x128xf32> to vector<2000x128xf32>
    %add3A = arith.addf %get3A_6, %get3A_11 : vector<2000x128xf32>
    %get3A_12 = arith.constant 0 : index
    %get3A_13 = arith.constant 0 : index
    %get3A_14 = vector.load %arg2[%get3A_12, %get3A_13] : memref<2000x128xf32, #tpu.memory_space<vmem>>, vector<2000x128xf32>
    %add3A_15 = arith.addf %add3A, %get3A_14 : vector<2000x128xf32>
    %mul3A = vector.broadcast %get3A_1 : vector<2000x1xf32> to vector<2000x128xf32>
    %mul3A_16 = arith.mulf %mul3A, %add3A_15 : vector<2000x128xf32>
    %get3A_17 = arith.constant 0 : index
    %get3A_18 = vector.load %arg4[%get3A_17] : memref<128xf32, #tpu.memory_space<vmem>>, vector<128xf32>
    %broadcast_in_dim3A = vector.shape_cast %get3A_18 : vector<128xf32> to vector<1x128xf32>
    %add3A_19 = vector.broadcast %broadcast_in_dim3A : vector<1x128xf32> to vector<2000x128xf32>
    %add3A_20 = arith.addf %mul3A_16, %add3A_19 : vector<2000x128xf32>
    %swap3A = arith.constant 0 : index
    %swap3A_21 = arith.constant 0 : index
    %swap3A_22 = vector.load %arg5[%swap3A, %swap3A_21] : memref<2000x128xf32, #tpu.memory_space<vmem>>, vector<2000x128xf32>
    tpu.vector_store %arg5[%swap3A, %swap3A_21], %add3A_20 {strides = array<i32>} : memref<2000x128xf32, #tpu.memory_space<vmem>>, vector<2000x128xf32>,
    %reduce_sum3A = arith.constant dense<0.000000e+00> : vector<128xf32>
    %reduce_sum3A_23 = vector.multi_reduction <add>, %add3A_20, %reduce_sum3A [0] : vector<2000x128xf32> to vector<128xf32>
    %broadcast_in_dim3A_24 = vector.shape_cast %reduce_sum3A_23 : vector<128xf32> to vector<1x128xf32>
    %mul3A_25 = arith.mulf %add3A_20, %add3A_20 : vector<2000x128xf32>
    %reduce_sum3A_26 = arith.constant dense<0.000000e+00> : vector<128xf32>
    %reduce_sum3A_27 = vector.multi_reduction <add>, %mul3A_25, %reduce_sum3A_26 [0] : vector<2000x128xf32> to vector<128xf32>
    %broadcast_in_dim3A_28 = vector.shape_cast %reduce_sum3A_27 : vector<128xf32> to vector<1x128xf32>
    %eq3A = arith.constant 0 : i32
    %eq3A_29 = arith.cmpi eq, %arg0, %eq3A : i32
    %convert_element_type3A = arith.extui %eq3A_29 : i1 to i32
    %cond3A = arith.constant 0 : i32
    %cond3A_30 = arith.cmpi ne, %convert_element_type3A, %cond3A : i32
    scf.if %cond3A_30 {
      %swap3A_40 = arith.constant 0 : index
      %swap3A_41 = arith.constant 0 : index
      %swap3A_42 = vector.load %arg7[%swap3A_40, %swap3A_41] : memref<8x128xf32, #tpu.memory_space<vmem>>, vector<1x128xf32>
      tpu.vector_store %arg7[%swap3A_40, %swap3A_41], %broadcast_in_dim3A_24 {strides = array<i32>} : memref<8x128xf32, #tpu.memory_space<vmem>>, vector<1x128xf32>,
      %swap3A_43 = arith.constant 1 : index
      %swap3A_44 = arith.constant 0 : index
      %swap3A_45 = vector.load %arg7[%swap3A_43, %swap3A_44] : memref<8x128xf32, #tpu.memory_space<vmem>>, vector<1x128xf32>
      tpu.vector_store %arg7[%swap3A_43, %swap3A_44], %broadcast_in_dim3A_28 {strides = array<i32>} : memref<8x128xf32, #tpu.memory_space<vmem>>, vector<1x128xf32>,
    } else {
    }
    %gt3A = arith.constant 0 : i32
    %gt3A_31 = arith.cmpi sgt, %arg0, %gt3A : i32
    %convert_element_type3A_32 = arith.extui %gt3A_31 : i1 to i32
    %cond3A_33 = arith.constant 0 : i32
    %cond3A_34 = arith.cmpi ne, %convert_element_type3A_32, %cond3A_33 : i32
    scf.if %cond3A_34 {
      %get3A_40 = arith.constant 0 : index
      %get3A_41 = arith.constant 0 : index
      %get3A_42 = vector.load %arg7[%get3A_40, %get3A_41] : memref<8x128xf32, #tpu.memory_space<vmem>>, vector<1x128xf32>
      %add3A_43 = arith.addf %get3A_42, %broadcast_in_dim3A_24 : vector<1x128xf32>
      %swap3A_44 = arith.constant 0 : index
      %swap3A_45 = arith.constant 0 : index
      %swap3A_46 = vector.load %arg7[%swap3A_44, %swap3A_45] : memref<8x128xf32, #tpu.memory_space<vmem>>, vector<1x128xf32>
      tpu.vector_store %arg7[%swap3A_44, %swap3A_45], %add3A_43 {strides = array<i32>} : memref<8x128xf32, #tpu.memory_space<vmem>>, vector<1x128xf32>,
      %get3A_47 = arith.constant 1 : index
      %get3A_48 = arith.constant 0 : index
      %get3A_49 = vector.load %arg7[%get3A_47, %get3A_48] : memref<8x128xf32, #tpu.memory_space<vmem>>, vector<1x128xf32>
      %add3A_50 = arith.addf %get3A_49, %broadcast_in_dim3A_28 : vector<1x128xf32>
      %swap3A_51 = arith.constant 1 : index
      %swap3A_52 = arith.constant 0 : index
      %swap3A_53 = vector.load %arg7[%swap3A_51, %swap3A_52] : memref<8x128xf32, #tpu.memory_space<vmem>>, vector<1x128xf32>
      tpu.vector_store %arg7[%swap3A_51, %swap3A_52], %add3A_50 {strides = array<i32>} : memref<8x128xf32, #tpu.memory_space<vmem>>, vector<1x128xf32>,
    } else {
    }
    %eq3A_35 = arith.constant 4 : i32
    %eq3A_36 = arith.cmpi eq, %arg0, %eq3A_35 : i32
    %convert_element_type3A_37 = arith.extui %eq3A_36 : i1 to i32
    %cond3A_38 = arith.constant 0 : i32
    %cond3A_39 = arith.cmpi ne, %convert_element_type3A_37, %cond3A_38 : i32
    scf.if %cond3A_39 {
      %get3A_40 = arith.constant 0 : index
      %get3A_41 = arith.constant 0 : index
      %get3A_42 = vector.load %arg7[%get3A_40, %get3A_41] : memref<8x128xf32, #tpu.memory_space<vmem>>, vector<8x128xf32>
      %swap3A_43 = arith.constant 0 : index
      %swap3A_44 = arith.constant 0 : index
      %swap3A_45 = vector.load %arg6[%swap3A_43, %swap3A_44] : memref<8x128xf32, #tpu.memory_space<vmem>>, vector<8x128xf32>
      tpu.vector_store %arg6[%swap3A_43, %swap3A_44], %get3A_42 {strides = array<i32>} : memref<8x128xf32, #tpu.memory_space<vmem>>, vector<8x128xf32>,
    } else {
    }
    return
  }
  func.func @transform_0(%arg0: i32) -> (i32, i32, i32) {
    %c0_i32 = arith.constant 0 : i32
    %c0_i32_0 = arith.constant 0 : i32
    %c0_i32_1 = arith.constant 0 : i32
    return %c0_i32, %arg0, %c0_i32_0 : i32, i32, i32
  }
  func.func @transform_1(%arg0: i32) -> (i32, i32) {
    %c0_i32 = arith.constant 0 : i32
    %c0_i32_0 = arith.constant 0 : i32
    return %arg0, %c0_i32 : i32, i32
  }
  func.func @transform_2(%arg0: i32) -> (i32, i32) {
    %c0_i32 = arith.constant 0 : i32
    %c0_i32_0 = arith.constant 0 : i32
    return %arg0, %c0_i32 : i32, i32
  }
  func.func @transform_3(%arg0: i32) -> i32 {
    %c0_i32 = arith.constant 0 : i32
    %c0_i32_0 = arith.constant 0 : i32
    return %c0_i32 : i32
  }
  func.func @transform_4(%arg0: i32) -> (i32, i32) {
    %c0_i32 = arith.constant 0 : i32
    %c0_i32_0 = arith.constant 0 : i32
    return %arg0, %c0_i32 : i32, i32
  }
  func.func @transform_5(%arg0: i32) -> (i32, i32) {
    %c0_i32 = arith.constant 0 : i32
    %c0_i32_0 = arith.constant 0 : i32
    %c0_i32_1 = arith.constant 0 : i32
    return %c0_i32, %c0_i32_0 : i32, i32
  }
}

module attributes {stable_mosaic.version = 14 : i64} {
  func.func @_tc1_body(%arg0: i32, %arg1: memref<2000x128xf32, #tpu.memory_space<vmem>>, %arg2: memref<128x128xf32, #tpu.memory_space<vmem>>, %arg3: memref<2000x1xf32, #tpu.memory_space<vmem>>, %arg4: memref<2000x128xf32, #tpu.memory_space<vmem>>) attributes {dimension_semantics = [#tpu.dimension_semantics<arbitrary>], iteration_bounds = array<i64: 5>, scalar_prefetch = 0 : i64, scratch_operands = 0 : i64, tpu.core_type = #tpu.core_type<tc>, window_params = [{transform_indices = @transform_0, window_bounds = array<i64: 2000, 128>}, {pipeline_mode = #tpu.pipeline_mode<synchronous>, transform_indices = @transform_1, window_bounds = array<i64: 128, 128>}, {transform_indices = @transform_2, window_bounds = array<i64: 2000, 1>}, {transform_indices = @transform_3, window_bounds = array<i64: 2000, 128>}]} {
    %get3A = arith.constant 0 : index
    %get3A_0 = arith.constant 0 : index
    %get3A_1 = vector.load %arg1[%get3A, %get3A_0] : memref<2000x128xf32, #tpu.memory_space<vmem>>, vector<2000x128xf32>
    %get3A_2 = arith.constant 0 : index
    %get3A_3 = arith.constant 0 : index
    %get3A_4 = vector.load %arg2[%get3A_2, %get3A_3] : memref<128x128xf32, #tpu.memory_space<vmem>>, vector<128x128xf32>
    %dot_general3A = arith.constant dense<0.000000e+00> : vector<2000x128xf32>
    %dot_general3A_5 = tpu.matmul %get3A_1, %get3A_4, %dot_general3A {dimension_numbers = #tpu.dot_dimension_numbers<[1], [0], [0], [1], [0, 0, 1, 1], [], []>, transpose_lhs_hint = false} : vector<2000x128xf32>, vector<128x128xf32>, vector<2000x128xf32> -> vector<2000x128xf32>
    %get3A_6 = arith.constant 0 : index
    %get3A_7 = arith.constant 0 : index
    %get3A_8 = vector.load %arg3[%get3A_6, %get3A_7] : memref<2000x1xf32, #tpu.memory_space<vmem>>, vector<2000x1xf32>
    %mul3A = vector.broadcast %get3A_8 : vector<2000x1xf32> to vector<2000x128xf32>
    %mul3A_9 = arith.mulf %dot_general3A_5, %mul3A : vector<2000x128xf32>
    %swap3A = arith.constant 0 : index
    %swap3A_10 = arith.constant 0 : index
    %swap3A_11 = vector.load %arg4[%swap3A, %swap3A_10] : memref<2000x128xf32, #tpu.memory_space<vmem>>, vector<2000x128xf32>
    tpu.vector_store %arg4[%swap3A, %swap3A_10], %mul3A_9 {strides = array<i32>} : memref<2000x128xf32, #tpu.memory_space<vmem>>, vector<2000x128xf32>,
    return
  }
  func.func @transform_0(%arg0: i32) -> (i32, i32) {
    %c0_i32 = arith.constant 0 : i32
    %c0_i32_0 = arith.constant 0 : i32
    return %arg0, %c0_i32 : i32, i32
  }
  func.func @transform_1(%arg0: i32) -> (i32, i32) {
    %c0_i32 = arith.constant 0 : i32
    %c0_i32_0 = arith.constant 0 : i32
    %c0_i32_1 = arith.constant 0 : i32
    return %c0_i32, %c0_i32_0 : i32, i32
  }
  func.func @transform_2(%arg0: i32) -> (i32, i32) {
    %c0_i32 = arith.constant 0 : i32
    %c0_i32_0 = arith.constant 0 : i32
    return %arg0, %c0_i32 : i32, i32
  }
  func.func @transform_3(%arg0: i32) -> (i32, i32) {
    %c0_i32 = arith.constant 0 : i32
    %c0_i32_0 = arith.constant 0 : i32
    return %arg0, %c0_i32 : i32, i32
  }
}

module attributes {stable_mosaic.version = 14 : i64} {
  func.func @_tc3_body(%arg0: i32, %arg1: memref<2000x128xf32, #tpu.memory_space<vmem>>, %arg2: memref<8x128xf32, #tpu.memory_space<vmem>>, %arg3: memref<128xf32, #tpu.memory_space<vmem>>, %arg4: memref<128xf32, #tpu.memory_space<vmem>>, %arg5: memref<2000x1xf32, #tpu.memory_space<vmem>>, %arg6: memref<128x128xf32, #tpu.memory_space<vmem>>, %arg7: memref<2000x128xf32, #tpu.memory_space<vmem>>) attributes {dimension_semantics = [#tpu.dimension_semantics<arbitrary>], iteration_bounds = array<i64: 5>, scalar_prefetch = 0 : i64, scratch_operands = 0 : i64, tpu.core_type = #tpu.core_type<tc>, window_params = [{transform_indices = @transform_0, window_bounds = array<i64: 2000, 128>}, {pipeline_mode = #tpu.pipeline_mode<synchronous>, transform_indices = @transform_1, window_bounds = array<i64: 8, 128>}, {pipeline_mode = #tpu.pipeline_mode<synchronous>, transform_indices = @transform_2, window_bounds = array<i64: 128>}, {pipeline_mode = #tpu.pipeline_mode<synchronous>, transform_indices = @transform_3, window_bounds = array<i64: 128>}, {transform_indices = @transform_4, window_bounds = array<i64: 2000, 1>}, {pipeline_mode = #tpu.pipeline_mode<synchronous>, transform_indices = @transform_5, window_bounds = array<i64: 128, 128>}, {transform_indices = @transform_6, window_bounds = array<i64: 2000, 128>}]} {
    %get3A = arith.constant 0 : index
    %get3A_0 = arith.constant 0 : index
    %get3A_1 = vector.load %arg2[%get3A, %get3A_0] : memref<8x128xf32, #tpu.memory_space<vmem>>, vector<1x128xf32>
    %div3A = arith.constant 1.000000e+04 : f32
    %div3A_2 = vector.broadcast %div3A : f32 to vector<1x128xf32>
    %div3A_3 = arith.divf %get3A_1, %div3A_2 : vector<1x128xf32>
    %get3A_4 = arith.constant 1 : index
    %get3A_5 = arith.constant 0 : index
    %get3A_6 = vector.load %arg2[%get3A_4, %get3A_5] : memref<8x128xf32, #tpu.memory_space<vmem>>, vector<1x128xf32>
    %div3A_7 = arith.constant 1.000000e+04 : f32
    %div3A_8 = vector.broadcast %div3A_7 : f32 to vector<1x128xf32>
    %div3A_9 = arith.divf %get3A_6, %div3A_8 : vector<1x128xf32>
    %mul3A = arith.mulf %div3A_3, %div3A_3 : vector<1x128xf32>
    %sub3A = arith.subf %div3A_9, %mul3A : vector<1x128xf32>
    %add3A = arith.constant 9.99999974E-6 : f32
    %add3A_10 = vector.broadcast %add3A : f32 to vector<1x128xf32>
    %add3A_11 = arith.addf %sub3A, %add3A_10 : vector<1x128xf32>
    %rsqrt3A = math.rsqrt %add3A_11 : vector<1x128xf32>
    %get3A_12 = arith.constant 0 : index
    %get3A_13 = arith.constant 0 : index
    %get3A_14 = vector.load %arg1[%get3A_12, %get3A_13] : memref<2000x128xf32, #tpu.memory_space<vmem>>, vector<2000x128xf32>
    %sub3A_15 = vector.broadcast %div3A_3 : vector<1x128xf32> to vector<2000x128xf32>
    %sub3A_16 = arith.subf %get3A_14, %sub3A_15 : vector<2000x128xf32>
    %mul3A_17 = vector.broadcast %rsqrt3A : vector<1x128xf32> to vector<2000x128xf32>
    %mul3A_18 = arith.mulf %sub3A_16, %mul3A_17 : vector<2000x128xf32>
    %get3A_19 = arith.constant 0 : index
    %get3A_20 = vector.load %arg3[%get3A_19] : memref<128xf32, #tpu.memory_space<vmem>>, vector<128xf32>
    %broadcast_in_dim3A = vector.shape_cast %get3A_20 : vector<128xf32> to vector<1x128xf32>
    %mul3A_21 = vector.broadcast %broadcast_in_dim3A : vector<1x128xf32> to vector<2000x128xf32>
    %mul3A_22 = arith.mulf %mul3A_18, %mul3A_21 : vector<2000x128xf32>
    %get3A_23 = arith.constant 0 : index
    %get3A_24 = vector.load %arg4[%get3A_23] : memref<128xf32, #tpu.memory_space<vmem>>, vector<128xf32>
    %broadcast_in_dim3A_25 = vector.shape_cast %get3A_24 : vector<128xf32> to vector<1x128xf32>
    %add3A_26 = vector.broadcast %broadcast_in_dim3A_25 : vector<1x128xf32> to vector<2000x128xf32>
    %add3A_27 = arith.addf %mul3A_22, %add3A_26 : vector<2000x128xf32>
    %max3A = arith.constant 0.000000e+00 : f32
    %max3A_28 = vector.broadcast %max3A : f32 to vector<2000x128xf32>
    %max3A_29 = arith.maximumf %add3A_27, %max3A_28 : vector<2000x128xf32>
    %get3A_30 = arith.constant 0 : index
    %get3A_31 = arith.constant 0 : index
    %get3A_32 = vector.load %arg5[%get3A_30, %get3A_31] : memref<2000x1xf32, #tpu.memory_space<vmem>>, vector<2000x1xf32>
    %get3A_33 = arith.constant 0 : index
    %get3A_34 = arith.constant 0 : index
    %get3A_35 = vector.load %arg6[%get3A_33, %get3A_34] : memref<128x128xf32, #tpu.memory_space<vmem>>, vector<128x128xf32>
    %dot_general3A = arith.constant dense<0.000000e+00> : vector<2000x128xf32>
    %dot_general3A_36 = tpu.matmul %max3A_29, %get3A_35, %dot_general3A {dimension_numbers = #tpu.dot_dimension_numbers<[1], [0], [0], [1], [0, 0, 1, 1], [], []>, transpose_lhs_hint = false} : vector<2000x128xf32>, vector<128x128xf32>, vector<2000x128xf32> -> vector<2000x128xf32>
    %mul3A_37 = vector.broadcast %get3A_32 : vector<2000x1xf32> to vector<2000x128xf32>
    %mul3A_38 = arith.mulf %mul3A_37, %dot_general3A_36 : vector<2000x128xf32>
    %swap3A = arith.constant 0 : index
    %swap3A_39 = arith.constant 0 : index
    %swap3A_40 = vector.load %arg7[%swap3A, %swap3A_39] : memref<2000x128xf32, #tpu.memory_space<vmem>>, vector<2000x128xf32>
    tpu.vector_store %arg7[%swap3A, %swap3A_39], %mul3A_38 {strides = array<i32>} : memref<2000x128xf32, #tpu.memory_space<vmem>>, vector<2000x128xf32>,
    return
  }
  func.func @transform_0(%arg0: i32) -> (i32, i32) {
    %c0_i32 = arith.constant 0 : i32
    %c0_i32_0 = arith.constant 0 : i32
    return %arg0, %c0_i32 : i32, i32
  }
  func.func @transform_1(%arg0: i32) -> (i32, i32) {
    %c0_i32 = arith.constant 0 : i32
    %c0_i32_0 = arith.constant 0 : i32
    %c0_i32_1 = arith.constant 0 : i32
    return %c0_i32, %c0_i32_0 : i32, i32
  }
  func.func @transform_2(%arg0: i32) -> i32 {
    %c0_i32 = arith.constant 0 : i32
    %c0_i32_0 = arith.constant 0 : i32
    return %c0_i32 : i32
  }
  func.func @transform_3(%arg0: i32) -> i32 {
    %c0_i32 = arith.constant 0 : i32
    %c0_i32_0 = arith.constant 0 : i32
    return %c0_i32 : i32
  }
  func.func @transform_4(%arg0: i32) -> (i32, i32) {
    %c0_i32 = arith.constant 0 : i32
    %c0_i32_0 = arith.constant 0 : i32
    return %arg0, %c0_i32 : i32, i32
  }
  func.func @transform_5(%arg0: i32) -> (i32, i32) {
    %c0_i32 = arith.constant 0 : i32
    %c0_i32_0 = arith.constant 0 : i32
    %c0_i32_1 = arith.constant 0 : i32
    return %c0_i32, %c0_i32_0 : i32, i32
  }
  func.func @transform_6(%arg0: i32) -> (i32, i32) {
    %c0_i32 = arith.constant 0 : i32
    %c0_i32_0 = arith.constant 0 : i32
    return %arg0, %c0_i32 : i32, i32
  }
}

module attributes {stable_mosaic.version = 14 : i64} {
  func.func @_tc4_body(%arg0: i32, %arg1: memref<2x2000x128xf32, #tpu.memory_space<vmem>>, %arg2: memref<2000x128xf32, #tpu.memory_space<vmem>>, %arg3: memref<2000x1xf32, #tpu.memory_space<vmem>>, %arg4: memref<128xf32, #tpu.memory_space<vmem>>, %arg5: memref<2000x128xf32, #tpu.memory_space<vmem>>) attributes {dimension_semantics = [#tpu.dimension_semantics<arbitrary>], iteration_bounds = array<i64: 5>, scalar_prefetch = 0 : i64, scratch_operands = 0 : i64, tpu.core_type = #tpu.core_type<tc>, window_params = [{transform_indices = @transform_0, window_bounds = array<i64: 2, 2000, 128>}, {transform_indices = @transform_1, window_bounds = array<i64: 2000, 128>}, {transform_indices = @transform_2, window_bounds = array<i64: 2000, 1>}, {pipeline_mode = #tpu.pipeline_mode<synchronous>, transform_indices = @transform_3, window_bounds = array<i64: 128>}, {transform_indices = @transform_4, window_bounds = array<i64: 2000, 128>}]} {
    %get3A = arith.constant 0 : index
    %get3A_0 = arith.constant 0 : index
    %get3A_1 = vector.load %arg3[%get3A, %get3A_0] : memref<2000x1xf32, #tpu.memory_space<vmem>>, vector<2000x1xf32>
    %get3A_2 = arith.constant 0 : index
    %get3A_3 = arith.constant 0 : index
    %get3A_4 = arith.constant 0 : index
    %get3A_5 = vector.load %arg1[%get3A_2, %get3A_3, %get3A_4] : memref<2x2000x128xf32, #tpu.memory_space<vmem>>, vector<1x2000x128xf32>
    %get3A_6 = vector.shape_cast %get3A_5 : vector<1x2000x128xf32> to vector<2000x128xf32>
    %get3A_7 = arith.constant 1 : index
    %get3A_8 = arith.constant 0 : index
    %get3A_9 = arith.constant 0 : index
    %get3A_10 = vector.load %arg1[%get3A_7, %get3A_8, %get3A_9] : memref<2x2000x128xf32, #tpu.memory_space<vmem>>, vector<1x2000x128xf32>
    %get3A_11 = vector.shape_cast %get3A_10 : vector<1x2000x128xf32> to vector<2000x128xf32>
    %add3A = arith.addf %get3A_6, %get3A_11 : vector<2000x128xf32>
    %get3A_12 = arith.constant 0 : index
    %get3A_13 = arith.constant 0 : index
    %get3A_14 = vector.load %arg2[%get3A_12, %get3A_13] : memref<2000x128xf32, #tpu.memory_space<vmem>>, vector<2000x128xf32>
    %add3A_15 = arith.addf %add3A, %get3A_14 : vector<2000x128xf32>
    %mul3A = vector.broadcast %get3A_1 : vector<2000x1xf32> to vector<2000x128xf32>
    %mul3A_16 = arith.mulf %mul3A, %add3A_15 : vector<2000x128xf32>
    %get3A_17 = arith.constant 0 : index
    %get3A_18 = vector.load %arg4[%get3A_17] : memref<128xf32, #tpu.memory_space<vmem>>, vector<128xf32>
    %broadcast_in_dim3A = vector.shape_cast %get3A_18 : vector<128xf32> to vector<1x128xf32>
    %add3A_19 = vector.broadcast %broadcast_in_dim3A : vector<1x128xf32> to vector<2000x128xf32>
    %add3A_20 = arith.addf %mul3A_16, %add3A_19 : vector<2000x128xf32>
    %swap3A = arith.constant 0 : index
    %swap3A_21 = arith.constant 0 : index
    %swap3A_22 = vector.load %arg5[%swap3A, %swap3A_21] : memref<2000x128xf32, #tpu.memory_space<vmem>>, vector<2000x128xf32>
    tpu.vector_store %arg5[%swap3A, %swap3A_21], %add3A_20 {strides = array<i32>} : memref<2000x128xf32, #tpu.memory_space<vmem>>, vector<2000x128xf32>,
    return
  }
  func.func @transform_0(%arg0: i32) -> (i32, i32, i32) {
    %c0_i32 = arith.constant 0 : i32
    %c0_i32_0 = arith.constant 0 : i32
    %c0_i32_1 = arith.constant 0 : i32
    return %c0_i32, %arg0, %c0_i32_0 : i32, i32, i32
  }
  func.func @transform_1(%arg0: i32) -> (i32, i32) {
    %c0_i32 = arith.constant 0 : i32
    %c0_i32_0 = arith.constant 0 : i32
    return %arg0, %c0_i32 : i32, i32
  }
  func.func @transform_2(%arg0: i32) -> (i32, i32) {
    %c0_i32 = arith.constant 0 : i32
    %c0_i32_0 = arith.constant 0 : i32
    return %arg0, %c0_i32 : i32, i32
  }
  func.func @transform_3(%arg0: i32) -> i32 {
    %c0_i32 = arith.constant 0 : i32
    %c0_i32_0 = arith.constant 0 : i32
    return %c0_i32 : i32
  }
  func.func @transform_4(%arg0: i32) -> (i32, i32) {
    %c0_i32 = arith.constant 0 : i32
    %c0_i32_0 = arith.constant 0 : i32
    return %arg0, %c0_i32 : i32, i32
  }
}

</mosaic_0001>

<sc_bundles>
// kernel: kernel.10.cloned.1.call-start
scs
__scs_entry_jumppad:
0x0: {  	(pc) =	sbr.rel $0x88, $3  }
0x1: {  	(tag) =	ssettag $0x0;
	lr =	simm.s32 $0x1  }
0x2: {  	[smem:$0x3F99] =	sst lr;
	_ =	strace $0xD0000000  }
0x3: {  	_ = 	snop  }
0x4: {  	_ = 	snop  }
0x5: {  	_ = 	snop  }
0x6: {  	_ = 	snop  }
0x7: {  	_ = 	snop  }
__scs_overlays_trampoline_lowered:
0x8: {  	[smem:$0x3FA8] =	sst s0  }
0x9: {  	[smem:$0x3FA9] =	sst s1  }
0xa: {  	[smem:$0x3FAA] =	sst s2  }
0xb: {  	[smem:$0x3FAB] =	sst s3  }
0xc: {  	[smem:$0x3FAC] =	sst s4  }
0xd: {  	[smem:$0x3FAD] =	sst s5  }
0xe: {  	[smem:$0x3FAE] =	sst s6  }
0xf: {  	[smem:$0x3FAF] =	sst s7  }
0x10: {  	[smem:$0x3FB0] =	sst s8  }
0x11: {  	[smem:$0x3FB1] =	sst s9;
	s0 =	simm.s32 @!p0 $0x0  }
0x12: {  	s1 =	sld [smem:$0x3F97];
	s0 =	simm.s32 @p0 $0x1  }
0x13: {  	[smem:$0x3FB2] =	sst s0;
	s0 =	simm.s32 @!p1 $0x0  }
0x14: {  	s2 =	sld [smem:$0x3F96];
	s0 =	simm.s32 @p1 $0x1  }
0x15: {  	[smem:$0x3FB3] =	sst s0;
	s0 =	simm.s32 @!p2 $0x0  }
0x16: {  	s3 =	sld [smem:$0x3FDB];
	s0 =	simm.s32 @p2 $0x1  }
0x17: {  	s4 =	simm.s32 $0x1BF5;
	[smem:$0x3FB5] =	sst s0  }
0x18: {  	s0 =	sld [smem:$0x3F98];
	_ =	swait.ge [sflag:s4], $0x0  }
0x19: {  	s7 =	sld [smem:$0x3F99]  }
0x1a: {  	s8 =	sadd.s32 $0xFFFFE003, lr  }
0x1b: {  	s9 =	sadd.s32 $0xFFFFFEF7, lr;
	s5 =	simm.s32 $0xFFFFFFFF;
	p2 =	slt.u32 s8, $0xFFFFF086  }
0x1c: {  	p1 =	slt.u32 s9, $0xF7A;
	s5 =	simm.s32 @!p2 $0x0  }
0x1d: {  	s5 =	simm.s32 @p1 $0x1;
	p0 =	seq.s32 s7, s2  }
0x1e: {  	s7 =	smul.u32 @!p0 $0xF7A, s2;
	p2 =	seq.s32 @!p0 s5, $0x0  }
0x1f: {  	s9 =	smul.u32 $0xF7A, s1;
	s8 =	simm.s32 @!p0 $0x1BF5;
	p2 =	por !p2, p0  }
0x20: {  	[sflag:s8] =	ssyncset.s32 @!p0 $0xFFFFF086;
	s6 =	sadd.s32 @!p0 s3, s7;
	s7 =	simm.s32 @!p0 $0x108  }
0x21: {  	s3 =	sadd.s32 s3, s9;
	s6 =	sadd.s32 @!p0 $0x88, s6;
	s7 =	simm.s32 @p2 $0x1082  }
0x22: {  	[simem:s7], [sflag:s8] =	dma.local @!p0 [hbm:s6], $0xF7A  }
0x23: {  	s9 =	sor.u32 $0xD0000000, s2;
	s6 =	simm.s32 $0x108;
	_ =	swait.ge @!p0 [sflag:s8], $0x0  }
0x24: {  	s3 =	sadd.s32 $0x88, s3;
	s6 =	simm.s32 @!p1 $0x1082;
	[sflag:s4] =	ssyncset.s32 $0xFFFFF086  }
0x25: {  	[simem:s6], [sflag:s4] =	dma.local [hbm:s3], $0xF7A  }
0x26: {  	[smem:$0x3F99] =	sst s1;
	(tag) =	ssettag s2;
	_ =	strace s9  }
0x27: {  	s1 =	sld [smem:$0x3FA9]  }
0x28: {  	s2 =	sld [smem:$0x3FAA]  }
0x29: {  	s4 =	sld [smem:$0x3FAC]  }
0x2a: {  	p0 =	seq.s32 s5, $0x0;
	s5 =	sld [smem:$0x3FAD]  }
0x2b: {  	s6 =	sld [smem:$0x3FAE]  }
0x2c: {  	s7 =	sld [smem:$0x3FAF]  }
0x2d: {  	s3 =	simm.s32 $0x108;
	s8 =	sld [smem:$0x3FB0]  }
0x2e: {  	s3 =	simm.s32 @!p0 $0x1082;
	s9 =	sld [smem:$0x3FB1]  }
0x2f: {  	lr =	sadd.s32 s0, s3;
	s0 =	sld [smem:$0x3FA8]  }
0x30: {  	s3 =	sld [smem:$0x3FAB]  }
0x31: {  	[smem:$0x3FB4] =	sst s10  }
0x32: {  	s10 =	sld [smem:$0x3FB2];
	_ =	sdelay $0x3  }
0x33: {  	p0 =	seq.s32 s10, $0x1;
	s10 =	sld [smem:$0x3FB4];
	_ =	sdelay $0x3  }
0x34: {  	[smem:$0x3FB4] =	sst s10  }
0x35: {  	s10 =	sld [smem:$0x3FB3];
	_ =	sdelay $0x3  }
0x36: {  	p1 =	seq.s32 s10, $0x1;
	s10 =	sld [smem:$0x3FB4];
	_ =	sdelay $0x3  }
0x37: {  	[smem:$0x3FB4] =	sst s10  }
0x38: {  	s10 =	sld [smem:$0x3FB5]  }
0x39: {  	_ = 	snop;
	(pc) =	sbr.ind lr, $3  }
0x3a: {  	_ = 	snop  }
0x3b: {  	_ = 	snop  }
0x3c: {  	p2 =	seq.s32 s10, $0x1;
	s10 =	sld [smem:$0x3FB4]  }
0x3d: {  	_ =	shalt  }
0x3e: {  	_ =	shalt  }
0x3f: {  	_ =	shalt  }
0x40: {  	_ =	shalt  }
0x41: {  	_ =	shalt  }
0x42: {  	_ =	shalt  }
0x43: {  	_ =	shalt  }
0x44: {  	_ =	shalt  }
0x45: {  	_ =	shalt  }
0x46: {  	_ =	shalt  }
0x47: {  	_ =	shalt  }
0x48: {  	_ =	shalt  }
0x49: {  	_ =	shalt  }
0x4a: {  	_ =	shalt  }
0x4b: {  	_ =	shalt  }
0x4c: {  	_ =	shalt  }
0x4d: {  	_ =	shalt  }
0x4e: {  	_ =	shalt  }
0x4f: {  	_ =	shalt  }
0x50: {  	_ =	shalt  }
0x51: {  	_ =	shalt  }
0x52: {  	_ =	shalt  }
0x53: {  	_ =	shalt  }
0x54: {  	_ =	shalt  }
0x55: {  	_ =	shalt  }
0x56: {  	_ =	shalt  }
0x57: {  	_ =	shalt  }
0x58: {  	_ =	shalt  }
0x59: {  	_ =	shalt  }
0x5a: {  	_ =	shalt  }
0x5b: {  	_ =	shalt  }
0x5c: {  	_ =	shalt  }
0x5d: {  	_ =	shalt  }
0x5e: {  	_ =	shalt  }
0x5f: {  	_ =	shalt  }
0x60: {  	_ =	shalt  }
0x61: {  	_ =	shalt  }
0x62: {  	_ =	shalt  }
0x63: {  	_ =	shalt  }
0x64: {  	_ =	shalt  }
0x65: {  	_ =	shalt  }
0x66: {  	_ =	shalt  }
0x67: {  	_ =	shalt  }
0x68: {  	_ =	shalt  }
0x69: {  	_ =	shalt  }
0x6a: {  	_ =	shalt  }
0x6b: {  	_ =	shalt  }
0x6c: {  	_ =	shalt  }
0x6d: {  	_ =	shalt  }
0x6e: {  	_ =	shalt  }
0x6f: {  	_ =	shalt  }
0x70: {  	_ =	shalt  }
0x71: {  	_ =	shalt  }
0x72: {  	_ =	shalt  }
0x73: {  	_ =	shalt  }
0x74: {  	_ =	shalt  }
0x75: {  	_ =	shalt  }
0x76: {  	_ =	shalt  }
0x77: {  	_ =	shalt  }
0x78: {  	_ =	shalt  }
0x79: {  	_ =	shalt  }
0x7a: {  	_ =	shalt  }
0x7b: {  	_ =	shalt  }
0x7c: {  	_ =	shalt  }
0x7d: {  	_ =	shalt  }
0x7e: {  	_ =	shalt  }
0x7f: {  	_ =	shalt  }
0x80: {  	_ =	shalt  }
0x81: {  	_ =	shalt  }
0x82: {  	_ =	shalt  }
0x83: {  	_ =	shalt  }
0x84: {  	_ =	shalt  }
0x85: {  	_ =	shalt  }
0x86: {  	_ =	shalt  }
0x87: {  	_ =	shalt  }
.Lfunc_end0:
.L_simem_size_0:
called_computation_lowered:
.L_overlay_start_0:
0x88: {  	s2 =	sld [smem:$0x3FD9]  }
0x89: {  	s3 =	sld [smem:$0x3FFE];
	_ =	sdelay $0x1  }
0x8a: {  	s1 =	srdreg.scid  }
0x8b: {  	s0 =	sand.u32 $0x1, s1  }
0x8c: {  	s17 =	sshll.u32 s0, $0xA;
	s2 =	sadd.s32 s3, s2  }
0x8d: {  	s2 =	sadd.s32 s2, s17  }
0x8e: {  	[smem:$0x3FC0] =	sst s2  }
0x8f: {  	_ = 	snop  }
0x90: {  	s2 =	sld [smem:$0x3FD0];
	(tm) =	ssettm $0x1  }
0x91: {  	s18 =	sld [smem:$0x3FFB];
	_ =	sdelay $0x3  }
0x92: {  	_ =	strace s18  }
0x93: {  	s3 =	sld [smem:$0x3FFC];
	_ =	sdelay $0x3  }
0x94: {  	_ =	strace s3  }
0x95: {  	s3 =	sld [smem:$0x3FFD];
	_ =	sdelay $0x3  }
0x96: {  	_ =	strace s3  }
0x97: {  	_ =	strace $0x8FFFFFFF  }
0x98: {  	s19 =	sld [smem:$0x3FDB];
	_ =	sdelay $0x1  }
0x99: {  	s4 =	simm.s32 $_scs_section_size  }
0x9a: {  	s5 =	simm.s32 $_size__tile_overlayer_lowered;
	s6 =	simm.s32 $_tile_overlayer_lowered  }
0x9b: {  	s22 =	simm.s32 $0x1BFF;
	s21 =	sshll.u32 s6, $0x1;
	s3 =	sadd.s32 s4, s19  }
0x9c: {  	s7 =	simm.s32 $0x0;
	s20 =	sshll.u32 s5, $0x1;
	s5 =	sadd.s32 s21, s3  }
0x9d: {  	[timem:s7], [sflag:s22] =	dma.local [hbm:s5], s20  }
0x9e: {  	_ =	swait.ge [sflag:s22], s20  }
0x9f: {  	s4 =	ssub.s32 $0x0, s20;
	[sflag:s22] =	ssyncset.done $0x0  }
0xa0: {  	[sflag:s22] =	ssyncadd.s32 s4;
	_ =	sdelay $0x1  }
0xa1: {  	s23 =	simm.s32 $0x1B8B  }
0xa2: {  	_ =	swait.ge [sflag:s23], $0x1  }
0xa3: {  	[sflag:s23] =	ssyncset.done $0x0  }
0xa4: {  	s25 =	simm.s32 $0x1B8E;
	s24 =	sld [smem:$0x3FFE];
	[sflag:s23] =	ssyncadd.s32 $0xFFFFFFFF  }
0xa5: {  	s26 =	simm.s32 $execute0_lowered;
	[smem:$0x3FD2] =	sst s25  }
0xa6: {  	s5 =	sshll.u32 s26, $0x1;
	_ =	strace $0x80000046;
	[dreg:$0x1] =	wrdreg $0xFFFFFFFF  }
0xa7: {  	s28 =	simm.s32 $_size_execute0_lowered;
	s3 =	sadd.s32 s3, s5;
	[dreg:$0x0] =	wrdreg $0x0  }
0xa8: {  	s5 =	sshll.u32 s28, $0x1;
	[dreg:$0x2] =	wrdreg s3  }
0xa9: {  	[dreg:$0x3] =	wrdreg s5  }
0xaa: {  	[dreg:$0x4] =	wrdreg $0xC0  }
0xab: {  	_ =	task [dreg:s7], $0x5FFFF  }
0xac: {  	[dreg:$0x1] =	wrdreg $0xFFFFFFFF  }
0xad: {  	[dreg:$0x0] =	wrdreg $0x60  }
0xae: {  	[dreg:$0x2] =	wrdreg s2  }
0xaf: {  	[dreg:$0x3] =	wrdreg s24  }
0xb0: {  	[dreg:$0x4] =	wrdreg $0x9  }
0xb1: {  	_ =	task.clear_ibuf [dreg:s7], $0x5FFFF;
	_ =	strace $0x90000046  }
0xb2: {  	s29 =	simm.s32 $0x9;
	_ =	strace $0x80000048  }
0xb3: {  	_ =	swait.ge [sflag:s29], $0x1  }
0xb4: {  	[sflag:s29] =	ssyncadd.s32 $0xFFFFFFFF  }
0xb5: {  	_ =	strace $0x90000048  }
0xb6: {  	_ =	sfence  }
0xb7: {  	s30 =	sld [smem:$0x0];
	_ =	sdelay $0x2  }
0xb8: {  	s31 =	sshll.u32 s1, $0xD;
	s1 =	sshrl.u32 s1, $0x2  }
0xb9: {  	s3 =	sand.u32 $0x4000, s31;
	s1 =	sadd.s32 s1, s30  }
0xba: {  	s0 =	sor.u32 s3, s0;
	s1 =	sshll.u32 s1, $0x11  }
0xbb: {  	s0 =	sor.u32 s1, s0  }
0xbc: {  	s0 =	sadd.s32 $0x8F2B, s0  }
0xbd: {  	[sflag:s0] =	ssyncadd.remote.s32 $0x1  }
0xbe: {  	_ =	sfence.sel $0xFFFF  }
0xbf: {  	[dreg:$0x0] =	wrdreg $0xFFFFFFFF;
	(pc) =	sbr.abs _section_cstart, $3  }
0xc0: {  	[dreg:$0x1] =	wrdreg $0xFFFFFFFF  }
0xc1: {  	_ =	task.clear_ibuf [dreg:s7], $0x2FFFF;
	_ =	strace $0x9FFFFFFF  }
0xc2: {  	(tm) =	ssettm $0x7FFFFFFF  }
0xc3: {  	_ =	shalt  }
tec
execute0_lowered:
.L_overlay_start_1:
0x0: {  	(tag) =	ssettag $0x1  }
0x1: {  	s1 =	srdreg.scid;
	s4 =	rddreg [dreg:$0x0]  }
0x2: {  	s0 =	stileid.u32;
	s6 =	rddreg [dreg:$0x1]  }
0x3: {  	s2 =	simm.s32 $0x0;
	s10 =	simm.s32 $0x1;
	s11 =	simm.s32 $0x800  }
0x4: {  	s12 =	simm.s32 $0x80;
	s3 =	sand.u32 $0x1, s1;
	s29 =	sshll.u32 s0, $0x1  }
0x5: {  	s13 =	simm.s32 $0x400;
	s30 =	sshrl.u32 s0, $0x2;
	s5 =	sor.u32 s3, s29  }
0x6: {  	s1 =	rddreg [dreg:$0x2];
	s7 =	smul.u32 $0x14000, s30;
	s8 =	sshll.u32 s5, $0x7  }
0x7: {  	[smem:$0x7FF] =	sst s2;
	s5 =	smul.u32 $0x2800, s5;
	s8 =	sand.u32 $0x380, s8  }
0x8: {  	_ =	strace $0x80000047;
	s3 =	ssub.s32 $0x2, s3;
	s7 =	sor.u32 s7, s8  }
0x9: {  	s31 =	sshrl.u32 s3, $0x1;
	s5 =	sshrl.u32 s5, $0x3;
	s7 =	sshrl.u32 s7, $0x3  }
0xa: {  	s4 =	sadd.s32 s4, s5;
	s6 =	sadd.s32 s7, s6;
	s7 =	ssub.s32 s3, s31  }
0xb: {  	s8 =	sadd.s32 $0x300, s4;
	s9 =	sadd.s32 $0x400, s4;
	s3 =	sadd.s32 $0xCE00, s6  }
0xc: {  	v0 =	vimm.f32 $0.0e+00;
	v1 =	vimm.f32 $1.000000000e+00;
	s5 =	smax.u32 s7, $0x1;
	s6 =	sadd.s32 $0x100, s4;
	s7 =	sadd.s32 $0x200, s4  }
.LBB2_1:
0xd: {  	s14 =	simm.s32 $0x40;
	s15 =	simm.s32 $0x0  }
.LBB2_2:
0xe: {  	p0 =	sne.s32 s14, $0x9FC0;
	[tilespmem:s15+$0x800] =	vst v0;
	s15 =	smov.u32 s14;
	s14 =	sadd.s32 $0x40, s14  }
.Ltmp0:
0xf: {  	(pc) =	sbr.rel @p0 .LBB2_2-.Ltmp0, $2  }
0x10: {  	_ =	sdelay $0x2  }
0x11: {  	s15 =	sshra.s32 s15, $0x2  }
0x12: {  	[tilespmem:s15+$0x800] =	vst v0;
	s14 =	simm.s32 $0x0  }
0x13: {  	[tilespmem:s14], [sflag:$0x1] =	stream.linear.gather [hbm4b:s4+s14], $0x800, $0x38;
	[tilespmem:$0x3000] =	vst v63  }
0x14: {  	_ =	swait.ge [sflag:s10], $0x800  }
0x15: {  	[sflag:s10] =	ssyncset.done $0x0  }
0x16: {  	s15 =	simm.s32 $0x0;
	s14 =	simm.s32 $0x40;
	[sflag:s10] =	ssyncadd.s32 $0xFFFFF800  }
.LBB2_4:
0x17: {  	p0 =	sne.s32 s14, $0x1FC0;
	v2 =	vld [tilespmem:s15+$0x0];
	_ =	sdelay $0x3  }
.Ltmp1:
0x18: {  	(pc) =	sbr.rel @p0 .LBB2_4-.Ltmp1, $2  }
0x19: {  	_ =	sdelay $0x2  }
0x1a: {  	s15 =	sshra.s32 s14, $0x2;
	s14 =	sadd.s32 $0x40, s14;
	[tilespmem:v2+s11+$0x0] =	vst.idx.add.f32.msk $0xffff, v1  }
0x1b: {  	v2 =	vld [tilespmem:s15+$0x0];
	_ =	sdelay $0x7  }
0x1c: {  	s14 =	simm.s32 $0x0;
	[tilespmem:v2+s11+$0x0] =	vst.idx.add.f32.msk $0xffff, v1  }
0x1d: {  	[tilespmem:s14], [sflag:$0x1] =	stream.linear.gather [hbm4b:s6+s14], $0x800, $0x38;
	[tilespmem:$0x3000] =	vst v63  }
0x1e: {  	_ =	swait.ge [sflag:s10], $0x800  }
0x1f: {  	[sflag:s10] =	ssyncset.done $0x0  }
0x20: {  	s15 =	simm.s32 $0x0;
	s14 =	simm.s32 $0x40;
	[sflag:s10] =	ssyncadd.s32 $0xFFFFF800  }
.LBB2_6:
0x21: {  	p0 =	sne.s32 s14, $0x1FC0;
	v2 =	vld [tilespmem:s15+$0x0];
	_ =	sdelay $0x3  }
.Ltmp2:
0x22: {  	(pc) =	sbr.rel @p0 .LBB2_6-.Ltmp2, $2  }
0x23: {  	_ =	sdelay $0x2  }
0x24: {  	s15 =	sshra.s32 s14, $0x2;
	s14 =	sadd.s32 $0x40, s14;
	[tilespmem:v2+s11+$0x0] =	vst.idx.add.f32.msk $0xffff, v1  }
0x25: {  	v2 =	vld [tilespmem:s15+$0x0];
	_ =	sdelay $0x7  }
0x26: {  	s14 =	simm.s32 $0x0;
	[tilespmem:v2+s11+$0x0] =	vst.idx.add.f32.msk $0xffff, v1  }
0x27: {  	[tilespmem:s14], [sflag:$0x1] =	stream.linear.gather [hbm4b:s7+s14], $0x800, $0x38;
	[tilespmem:$0x3000] =	vst v63  }
0x28: {  	_ =	swait.ge [sflag:s10], $0x800  }
0x29: {  	[sflag:s10] =	ssyncset.done $0x0  }
0x2a: {  	s15 =	simm.s32 $0x0;
	s14 =	simm.s32 $0x40;
	[sflag:s10] =	ssyncadd.s32 $0xFFFFF800  }
.LBB2_8:
0x2b: {  	p0 =	sne.s32 s14, $0x1FC0;
	v2 =	vld [tilespmem:s15+$0x0];
	_ =	sdelay $0x3  }
.Ltmp3:
0x2c: {  	(pc) =	sbr.rel @p0 .LBB2_8-.Ltmp3, $2  }
0x2d: {  	_ =	sdelay $0x2  }
0x2e: {  	s15 =	sshra.s32 s14, $0x2;
	s14 =	sadd.s32 $0x40, s14;
	[tilespmem:v2+s11+$0x0] =	vst.idx.add.f32.msk $0xffff, v1  }
0x2f: {  	v2 =	vld [tilespmem:s15+$0x0];
	_ =	sdelay $0x7  }
0x30: {  	s14 =	simm.s32 $0x0;
	[tilespmem:v2+s11+$0x0] =	vst.idx.add.f32.msk $0xffff, v1  }
0x31: {  	[tilespmem:s14], [sflag:$0x1] =	stream.linear.gather [hbm4b:s8+s14], $0x800, $0x38;
	[tilespmem:$0x3000] =	vst v63  }
0x32: {  	_ =	swait.ge [sflag:s10], $0x800  }
0x33: {  	[sflag:s10] =	ssyncset.done $0x0  }
0x34: {  	s15 =	simm.s32 $0x0;
	s14 =	simm.s32 $0x40;
	[sflag:s10] =	ssyncadd.s32 $0xFFFFF800  }
.LBB2_10:
0x35: {  	p0 =	sne.s32 s14, $0x1FC0;
	v2 =	vld [tilespmem:s15+$0x0];
	_ =	sdelay $0x3  }
.Ltmp4:
0x36: {  	(pc) =	sbr.rel @p0 .LBB2_10-.Ltmp4, $2  }
0x37: {  	_ =	sdelay $0x2  }
0x38: {  	s15 =	sshra.s32 s14, $0x2;
	s14 =	sadd.s32 $0x40, s14;
	[tilespmem:v2+s11+$0x0] =	vst.idx.add.f32.msk $0xffff, v1  }
0x39: {  	v2 =	vld [tilespmem:s15+$0x0];
	_ =	sdelay $0x7  }
0x3a: {  	s14 =	simm.s32 $0x0;
	[tilespmem:v2+s11+$0x0] =	vst.idx.add.f32.msk $0xffff, v1  }
0x3b: {  	[tilespmem:s14], [sflag:$0x1] =	stream.linear.gather [hbm4b:s9+s14], $0x800, $0x38;
	[tilespmem:$0x3000] =	vst v63  }
0x3c: {  	_ =	swait.ge [sflag:s10], $0x800  }
0x3d: {  	[sflag:s10] =	ssyncset.done $0x0  }
0x3e: {  	s15 =	simm.s32 $0x0;
	s14 =	simm.s32 $0x40;
	[sflag:s10] =	ssyncadd.s32 $0xFFFFF800  }
.LBB2_12:
0x3f: {  	p0 =	sne.s32 s14, $0x1FC0;
	v2 =	vld [tilespmem:s15+$0x0];
	_ =	sdelay $0x3  }
.Ltmp5:
0x40: {  	(pc) =	sbr.rel @p0 .LBB2_12-.Ltmp5, $2  }
0x41: {  	_ =	sdelay $0x2  }
0x42: {  	s15 =	sshra.s32 s14, $0x2;
	s14 =	sadd.s32 $0x40, s14;
	[tilespmem:v2+s11+$0x0] =	vst.idx.add.f32.msk $0xffff, v1  }
0x43: {  	v2 =	vld [tilespmem:s15+$0x0];
	_ =	sdelay $0x5  }
0x44: {  	s2 =	sadd.s32 $0x1, s2  }
0x45: {  	p0 =	sne.s32 s2, s5  }
.Ltmp6:
0x46: {  	[tilespmem:v2+s11+$0x0] =	vst.idx.add.f32.msk $0xffff, v1;
	(pc) =	sbr.rel @p0 .LBB2_1-.Ltmp6, $4  }
0x47: {  	[hbm4b:s3+s12] =	stream.strided.scatter [tilespmem:s11], [sflag:$0x1], $0x2800, s13, s12, $0x38;
	[tilespmem:$0x3000] =	vst v63  }
0x48: {  	_ =	swait.ge [sflag:s10], $0x2800  }
0x49: {  	[sflag:s10] =	ssyncset.done $0x0  }
0x4a: {  	[sflag:s10] =	ssyncadd.s32 $0xFFFFD800  }
0x4b: {  	_ =	sfence.sel $0x180000  }
0x4c: {  	[bflag:$0x0] =	sbarrier.arrive $0xFFFF  }
0x4d: {  	p0 =	sne.s32 s0, $0x0;
	_ =	strace $0x90000047  }
0x4e: {  	s0 =	sadd.s32 @!p0 $0x100000, s1;
	[bflag:$0x2] =	sbarrier.arrive $0xFFFF  }
0x4f: {  	[sflag:s0] =	ssyncadd.tile.s32 @!p0 $0x1;
	_ =	shalt  }
.Lfunc_end2:
_tile_overlayer_lowered:
.L_overlay_start_2:
0x50: {  	(tag) =	ssettag $0x2  }
0x51: {  	s0 =	rddreg [dreg:$0x0];
	s2 =	stileid.u32  }
0x52: {  	s1 =	rddreg [dreg:$0x1];
	p0 =	sne.s32 s2, $0x0  }
0x53: {  	s3 =	rddreg [dreg:$0x2];
	[bflag:$0x3] =	sbarrier.arrive $0xFFFF;
	s2 =	simm.s32 @!p0 $0x1C01  }
0x54: {  	[timem:s3], [sflag:s2] =	dma.local @!p0 [hbm:s0], s1  }
0x55: {  	s0 =	simm.s32 @!p0 $0x1  }
0x56: {  	_ =	swait.ge @!p0 [sflag:s0], s1  }
0x57: {  	s1 =	ssub.s32 @!p0 $0x0, s1;
	[sflag:s0] =	ssyncset.done @!p0 $0x0  }
0x58: {  	[sflag:s0] =	ssyncadd.s32 @!p0 s1  }
0x59: {  	[bflag:$0x3] =	sbarrier.arrive $0xFFFF  }
0x5a: {  	_ =	shalt  }

// kernel: kernel.13.cloned.1.call-start
scs
__scs_entry_jumppad:
0x0: {  	(pc) =	sbr.rel $0x88, $3  }
0x1: {  	(tag) =	ssettag $0x0;
	lr =	simm.s32 $0x1  }
0x2: {  	[smem:$0x3F99] =	sst lr;
	_ =	strace $0xD0000000  }
0x3: {  	_ = 	snop  }
0x4: {  	_ = 	snop  }
0x5: {  	_ = 	snop  }
0x6: {  	_ = 	snop  }
0x7: {  	_ = 	snop  }
__scs_overlays_trampoline_lowered:
0x8: {  	[smem:$0x3FA8] =	sst s0  }
0x9: {  	[smem:$0x3FA9] =	sst s1  }
0xa: {  	[smem:$0x3FAA] =	sst s2  }
0xb: {  	[smem:$0x3FAB] =	sst s3  }
0xc: {  	[smem:$0x3FAC] =	sst s4  }
0xd: {  	[smem:$0x3FAD] =	sst s5  }
0xe: {  	[smem:$0x3FAE] =	sst s6  }
0xf: {  	[smem:$0x3FAF] =	sst s7  }
0x10: {  	[smem:$0x3FB0] =	sst s8  }
0x11: {  	[smem:$0x3FB1] =	sst s9;
	s0 =	simm.s32 @!p0 $0x0  }
0x12: {  	s1 =	sld [smem:$0x3F97];
	s0 =	simm.s32 @p0 $0x1  }
0x13: {  	[smem:$0x3FB2] =	sst s0;
	s0 =	simm.s32 @!p1 $0x0  }
0x14: {  	s2 =	sld [smem:$0x3F96];
	s0 =	simm.s32 @p1 $0x1  }
0x15: {  	[smem:$0x3FB3] =	sst s0;
	s0 =	simm.s32 @!p2 $0x0  }
0x16: {  	s3 =	sld [smem:$0x3FDB];
	s0 =	simm.s32 @p2 $0x1  }
0x17: {  	s4 =	simm.s32 $0x1BF5;
	[smem:$0x3FB5] =	sst s0  }
0x18: {  	s0 =	sld [smem:$0x3F98];
	_ =	swait.ge [sflag:s4], $0x0  }
0x19: {  	s7 =	sld [smem:$0x3F99]  }
0x1a: {  	s8 =	sadd.s32 $0xFFFFE003, lr  }
0x1b: {  	s9 =	sadd.s32 $0xFFFFFEF7, lr;
	s5 =	simm.s32 $0xFFFFFFFF;
	p2 =	slt.u32 s8, $0xFFFFF086  }
0x1c: {  	p1 =	slt.u32 s9, $0xF7A;
	s5 =	simm.s32 @!p2 $0x0  }
0x1d: {  	s5 =	simm.s32 @p1 $0x1;
	p0 =	seq.s32 s7, s2  }
0x1e: {  	s7 =	smul.u32 @!p0 $0xF7A, s2;
	p2 =	seq.s32 @!p0 s5, $0x0  }
0x1f: {  	s9 =	smul.u32 $0xF7A, s1;
	s8 =	simm.s32 @!p0 $0x1BF5;
	p2 =	por !p2, p0  }
0x20: {  	[sflag:s8] =	ssyncset.s32 @!p0 $0xFFFFF086;
	s6 =	sadd.s32 @!p0 s3, s7;
	s7 =	simm.s32 @!p0 $0x108  }
0x21: {  	s3 =	sadd.s32 s3, s9;
	s6 =	sadd.s32 @!p0 $0x88, s6;
	s7 =	simm.s32 @p2 $0x1082  }
0x22: {  	[simem:s7], [sflag:s8] =	dma.local @!p0 [hbm:s6], $0xF7A  }
0x23: {  	s9 =	sor.u32 $0xD0000000, s2;
	s6 =	simm.s32 $0x108;
	_ =	swait.ge @!p0 [sflag:s8], $0x0  }
0x24: {  	s3 =	sadd.s32 $0x88, s3;
	s6 =	simm.s32 @!p1 $0x1082;
	[sflag:s4] =	ssyncset.s32 $0xFFFFF086  }
0x25: {  	[simem:s6], [sflag:s4] =	dma.local [hbm:s3], $0xF7A  }
0x26: {  	[smem:$0x3F99] =	sst s1;
	(tag) =	ssettag s2;
	_ =	strace s9  }
0x27: {  	s1 =	sld [smem:$0x3FA9]  }
0x28: {  	s2 =	sld [smem:$0x3FAA]  }
0x29: {  	s4 =	sld [smem:$0x3FAC]  }
0x2a: {  	p0 =	seq.s32 s5, $0x0;
	s5 =	sld [smem:$0x3FAD]  }
0x2b: {  	s6 =	sld [smem:$0x3FAE]  }
0x2c: {  	s7 =	sld [smem:$0x3FAF]  }
0x2d: {  	s3 =	simm.s32 $0x108;
	s8 =	sld [smem:$0x3FB0]  }
0x2e: {  	s3 =	simm.s32 @!p0 $0x1082;
	s9 =	sld [smem:$0x3FB1]  }
0x2f: {  	lr =	sadd.s32 s0, s3;
	s0 =	sld [smem:$0x3FA8]  }
0x30: {  	s3 =	sld [smem:$0x3FAB]  }
0x31: {  	[smem:$0x3FB4] =	sst s10  }
0x32: {  	s10 =	sld [smem:$0x3FB2];
	_ =	sdelay $0x3  }
0x33: {  	p0 =	seq.s32 s10, $0x1;
	s10 =	sld [smem:$0x3FB4];
	_ =	sdelay $0x3  }
0x34: {  	[smem:$0x3FB4] =	sst s10  }
0x35: {  	s10 =	sld [smem:$0x3FB3];
	_ =	sdelay $0x3  }
0x36: {  	p1 =	seq.s32 s10, $0x1;
	s10 =	sld [smem:$0x3FB4];
	_ =	sdelay $0x3  }
0x37: {  	[smem:$0x3FB4] =	sst s10  }
0x38: {  	s10 =	sld [smem:$0x3FB5]  }
0x39: {  	_ = 	snop;
	(pc) =	sbr.ind lr, $3  }
0x3a: {  	_ = 	snop  }
0x3b: {  	_ = 	snop  }
0x3c: {  	p2 =	seq.s32 s10, $0x1;
	s10 =	sld [smem:$0x3FB4]  }
0x3d: {  	_ =	shalt  }
0x3e: {  	_ =	shalt  }
0x3f: {  	_ =	shalt  }
0x40: {  	_ =	shalt  }
0x41: {  	_ =	shalt  }
0x42: {  	_ =	shalt  }
0x43: {  	_ =	shalt  }
0x44: {  	_ =	shalt  }
0x45: {  	_ =	shalt  }
0x46: {  	_ =	shalt  }
0x47: {  	_ =	shalt  }
0x48: {  	_ =	shalt  }
0x49: {  	_ =	shalt  }
0x4a: {  	_ =	shalt  }
0x4b: {  	_ =	shalt  }
0x4c: {  	_ =	shalt  }
0x4d: {  	_ =	shalt  }
0x4e: {  	_ =	shalt  }
0x4f: {  	_ =	shalt  }
0x50: {  	_ =	shalt  }
0x51: {  	_ =	shalt  }
0x52: {  	_ =	shalt  }
0x53: {  	_ =	shalt  }
0x54: {  	_ =	shalt  }
0x55: {  	_ =	shalt  }
0x56: {  	_ =	shalt  }
0x57: {  	_ =	shalt  }
0x58: {  	_ =	shalt  }
0x59: {  	_ =	shalt  }
0x5a: {  	_ =	shalt  }
0x5b: {  	_ =	shalt  }
0x5c: {  	_ =	shalt  }
0x5d: {  	_ =	shalt  }
0x5e: {  	_ =	shalt  }
0x5f: {  	_ =	shalt  }
0x60: {  	_ =	shalt  }
0x61: {  	_ =	shalt  }
0x62: {  	_ =	shalt  }
0x63: {  	_ =	shalt  }
0x64: {  	_ =	shalt  }
0x65: {  	_ =	shalt  }
0x66: {  	_ =	shalt  }
0x67: {  	_ =	shalt  }
0x68: {  	_ =	shalt  }
0x69: {  	_ =	shalt  }
0x6a: {  	_ =	shalt  }
0x6b: {  	_ =	shalt  }
0x6c: {  	_ =	shalt  }
0x6d: {  	_ =	shalt  }
0x6e: {  	_ =	shalt  }
0x6f: {  	_ =	shalt  }
0x70: {  	_ =	shalt  }
0x71: {  	_ =	shalt  }
0x72: {  	_ =	shalt  }
0x73: {  	_ =	shalt  }
0x74: {  	_ =	shalt  }
0x75: {  	_ =	shalt  }
0x76: {  	_ =	shalt  }
0x77: {  	_ =	shalt  }
0x78: {  	_ =	shalt  }
0x79: {  	_ =	shalt  }
0x7a: {  	_ =	shalt  }
0x7b: {  	_ =	shalt  }
0x7c: {  	_ =	shalt  }
0x7d: {  	_ =	shalt  }
0x7e: {  	_ =	shalt  }
0x7f: {  	_ =	shalt  }
0x80: {  	_ =	shalt  }
0x81: {  	_ =	shalt  }
0x82: {  	_ =	shalt  }
0x83: {  	_ =	shalt  }
0x84: {  	_ =	shalt  }
0x85: {  	_ =	shalt  }
0x86: {  	_ =	shalt  }
0x87: {  	_ =	shalt  }
.Lfunc_end0:
.L_simem_size_0:
called_computation.1_lowered:
.L_overlay_start_0:
0x88: {  	s2 =	sld [smem:$0x3FD9]  }
0x89: {  	s3 =	sld [smem:$0x3FFE];
	_ =	sdelay $0x1  }
0x8a: {  	s1 =	srdreg.scid  }
0x8b: {  	s0 =	sand.u32 $0x1, s1  }
0x8c: {  	s17 =	sshll.u32 s0, $0xA;
	s2 =	sadd.s32 s3, s2  }
0x8d: {  	s2 =	sadd.s32 s2, s17  }
0x8e: {  	[smem:$0x3FC0] =	sst s2  }
0x8f: {  	_ = 	snop  }
0x90: {  	s2 =	sld [smem:$0x3FD0];
	(tm) =	ssettm $0x1  }
0x91: {  	s18 =	sld [smem:$0x3FFB];
	_ =	sdelay $0x3  }
0x92: {  	_ =	strace s18  }
0x93: {  	s3 =	sld [smem:$0x3FFC];
	_ =	sdelay $0x3  }
0x94: {  	_ =	strace s3  }
0x95: {  	s3 =	sld [smem:$0x3FFD];
	_ =	sdelay $0x3  }
0x96: {  	_ =	strace s3  }
0x97: {  	_ =	strace $0x8FFFFFFF  }
0x98: {  	s19 =	sld [smem:$0x3FDB];
	_ =	sdelay $0x1  }
0x99: {  	s4 =	simm.s32 $_scs_section_size  }
0x9a: {  	s5 =	simm.s32 $_size__tile_overlayer_lowered;
	s6 =	simm.s32 $_tile_overlayer_lowered  }
0x9b: {  	s22 =	simm.s32 $0x1BFF;
	s21 =	sshll.u32 s6, $0x1;
	s3 =	sadd.s32 s4, s19  }
0x9c: {  	s7 =	simm.s32 $0x0;
	s20 =	sshll.u32 s5, $0x1;
	s5 =	sadd.s32 s21, s3  }
0x9d: {  	[timem:s7], [sflag:s22] =	dma.local [hbm:s5], s20  }
0x9e: {  	_ =	swait.ge [sflag:s22], s20  }
0x9f: {  	s4 =	ssub.s32 $0x0, s20;
	[sflag:s22] =	ssyncset.done $0x0  }
0xa0: {  	[sflag:s22] =	ssyncadd.s32 s4;
	_ =	sdelay $0x1  }
0xa1: {  	s23 =	simm.s32 $0x1B8B  }
0xa2: {  	_ =	swait.ge [sflag:s23], $0x1  }
0xa3: {  	[sflag:s23] =	ssyncset.done $0x0  }
0xa4: {  	s25 =	simm.s32 $0x1B8E;
	s24 =	sld [smem:$0x3FFE];
	[sflag:s23] =	ssyncadd.s32 $0xFFFFFFFF  }
0xa5: {  	s26 =	simm.s32 $execute0_lowered;
	[smem:$0x3FD2] =	sst s25  }
0xa6: {  	s5 =	sshll.u32 s26, $0x1;
	_ =	strace $0x80000049;
	[dreg:$0x1] =	wrdreg $0xFFFFFFFF  }
0xa7: {  	s28 =	simm.s32 $_size_execute0_lowered;
	s3 =	sadd.s32 s3, s5;
	[dreg:$0x0] =	wrdreg $0x0  }
0xa8: {  	s5 =	sshll.u32 s28, $0x1;
	[dreg:$0x2] =	wrdreg s3  }
0xa9: {  	[dreg:$0x3] =	wrdreg s5  }
0xaa: {  	[dreg:$0x4] =	wrdreg $0xC0  }
0xab: {  	_ =	task [dreg:s7], $0x5FFFF  }
0xac: {  	[dreg:$0x1] =	wrdreg $0xFFFFFFFF  }
0xad: {  	[dreg:$0x0] =	wrdreg $0x60  }
0xae: {  	[dreg:$0x2] =	wrdreg s2  }
0xaf: {  	[dreg:$0x3] =	wrdreg s24  }
0xb0: {  	[dreg:$0x4] =	wrdreg $0xA8000  }
0xb1: {  	[dreg:$0x5] =	wrdreg $0x9  }
0xb2: {  	_ =	task.clear_ibuf [dreg:s7], $0x6FFFF;
	_ =	strace $0x90000049  }
0xb3: {  	s29 =	simm.s32 $0x9;
	_ =	strace $0x8000004B  }
0xb4: {  	_ =	swait.ge [sflag:s29], $0x1  }
0xb5: {  	[sflag:s29] =	ssyncadd.s32 $0xFFFFFFFF  }
0xb6: {  	_ =	strace $0x9000004B  }
0xb7: {  	_ =	sfence  }
0xb8: {  	s30 =	sld [smem:$0x0];
	_ =	sdelay $0x2  }
0xb9: {  	s31 =	sshll.u32 s1, $0xD;
	s1 =	sshrl.u32 s1, $0x2  }
0xba: {  	s3 =	sand.u32 $0x4000, s31;
	s1 =	sadd.s32 s1, s30  }
0xbb: {  	s0 =	sor.u32 s3, s0;
	s1 =	sshll.u32 s1, $0x11  }
0xbc: {  	s0 =	sor.u32 s1, s0  }
0xbd: {  	s0 =	sadd.s32 $0x8F2B, s0  }
0xbe: {  	[sflag:s0] =	ssyncadd.remote.s32 $0x1  }
0xbf: {  	_ =	sfence.sel $0xFFFF  }
0xc0: {  	[dreg:$0x0] =	wrdreg $0xFFFFFFFF;
	(pc) =	sbr.abs _section_cstart, $3  }
0xc1: {  	[dreg:$0x1] =	wrdreg $0xFFFFFFFF  }
0xc2: {  	_ =	task.clear_ibuf [dreg:s7], $0x2FFFF;
	_ =	strace $0x9FFFFFFF  }
0xc3: {  	(tm) =	ssettm $0x7FFFFFFF  }
tec
execute0_lowered:
.L_overlay_start_1:
0x0: {  	(tag) =	ssettag $0x1  }
0x1: {  	s1 =	rddreg [dreg:$0x0]  }
0x2: {  	s5 =	rddreg [dreg:$0x1]  }
0x3: {  	s2 =	rddreg [dreg:$0x2]  }
0x4: {  	s0 =	rddreg [dreg:$0x3];
	s4 =	simm.s32 $0x0;
	s6 =	srdreg.scid  }
0x5: {  	s3 =	stileid.u32;
	s21 =	simm.s32 $0x1;
	s22 =	simm.s32 $0x2  }
0x6: {  	s23 =	simm.s32 $0x1400;
	s24 =	simm.s32 $0x80;
	s25 =	simm.s32 $0x6800  }
0x7: {  	s26 =	simm.s32 $0x0;
	[smem:$0x7FF] =	sst s4;
	s8 =	smul.u32 $0x50000, s3  }
0x8: {  	s7 =	sand.u32 $0x1, s6;
	s18 =	sadd.s32 $0x16E00, s5;
	s10 =	smul.u32 $0x14000, s3  }
0x9: {  	s19 =	sadd.s32 $0x2E00, s5;
	s14 =	sadd.s32 $0x20E00, s5;
	s29 =	sshll.u32 s3, $0x1  }
0xa: {  	_ =	strace $0x8000004A;
	s6 =	ssub.s32 $0x2, s7;
	s13 =	sor.u32 s7, s29  }
0xb: {  	s17 =	smul.u32 $0x140000, s7;
	s9 =	sshrl.u32 s6, $0x1;
	s30 =	sshrl.u32 s8, $0x2  }
0xc: {  	s11 =	sadd.s32 $0x4000, s10;
	s12 =	sadd.s32 $0x8000, s10;
	s16 =	sadd.s32 $0xC000, s10  }
0xd: {  	s20 =	sadd.s32 $0x10000, s10;
	s31 =	smul.u32 $0x500, s13;
	s15 =	ssub.s32 s6, s9  }
0xe: {  	s5 =	sadd.s32 s30, s2;
	s6 =	sadd.s32 s11, s2;
	s7 =	sadd.s32 s12, s2  }
0xf: {  	s8 =	sadd.s32 s16, s2;
	s9 =	sadd.s32 s20, s2;
	s10 =	sadd.s32 s10, s17  }
0x10: {  	s11 =	sadd.s32 s17, s11;
	s12 =	sadd.s32 s17, s12;
	s16 =	sadd.s32 s17, s16  }
0x11: {  	s17 =	sadd.s32 s17, s20;
	s10 =	sshrl.u32 s10, $0x3;
	s11 =	sshrl.u32 s11, $0x3  }
0x12: {  	s12 =	sshrl.u32 s12, $0x3;
	s16 =	sshrl.u32 s16, $0x3;
	s17 =	sshrl.u32 s17, $0x3  }
0x13: {  	s15 =	smax.u32 s15, $0x1;
	s20 =	sadd.s32 $0x280, s31;
	s10 =	sadd.s32 s14, s10  }
0x14: {  	s11 =	sadd.s32 s14, s11;
	s12 =	sadd.s32 s14, s12;
	s13 =	sadd.s32 s14, s16  }
0x15: {  	s14 =	sadd.s32 s14, s17;
	s16 =	sadd.s32 s18, s31;
	s17 =	sadd.s32 s19, s31  }
0x16: {  	v0 =	vimm.f32 $0.0e+00;
	s18 =	sadd.s32 s18, s20;
	s19 =	sadd.s32 s19, s20;
	s20 =	simm.s32 $0x2800  }
.LBB2_1:
0x17: {  	s28 =	sand.u32 $0xFE00, s4  }
0x18: {  	s29 =	sand.u32 $0x70, s4;
	s30 =	sshrl.u32 s28, $0x2  }
0x19: {  	s28 =	simm.s32 $0x40;
	s30 =	sor.u32 s29, s30;
	s29 =	simm.s32 $0x0  }
.LBB2_2:
0x1a: {  	p0 =	sne.s32 s28, $0xFFC0  }
0x1b: {  	[tilespmem:s30+$0x2800] =	vst v0;
	s29 =	sadd.s32 $0x10, s29;
	s30 =	smov.u32 s28;
	s28 =	sadd.s32 $0x40, s28  }
.Ltmp0:
0x1c: {  	(pc) =	sbr.rel @p0 .LBB2_2-.Ltmp0, $4  }
0x1d: {  	_ = 	snop  }
0x1e: {  	s30 =	sand.u32 $0xFE00, s30  }
0x1f: {  	s31 =	sand.u32 $0x70, s29;
	s30 =	sshrl.u32 s30, $0x2  }
0x20: {  	s30 =	sor.u32 s31, s30  }
0x21: {  	[tilespmem:s30+$0x2800] =	vst v0  }
0x22: {  	[spmem:s5] =	stream.linear.scatter [tilespmem:s20], [sflag:$0x1], $0x4000, $0x38;
	[tilespmem:$0x1E800] =	vst v63  }
0x23: {  	_ = 	snop  }
0x24: {  	[spmem:s6] =	stream.linear.scatter [tilespmem:s20], [sflag:$0x1], $0x4000, $0x38;
	[tilespmem:$0x1E800] =	vst v63  }
0x25: {  	_ = 	snop  }
0x26: {  	[spmem:s7] =	stream.linear.scatter [tilespmem:s20], [sflag:$0x1], $0x4000, $0x38;
	[tilespmem:$0x1E800] =	vst v63  }
0x27: {  	_ = 	snop  }
0x28: {  	[spmem:s8] =	stream.linear.scatter [tilespmem:s20], [sflag:$0x1], $0x4000, $0x38;
	[tilespmem:$0x1E800] =	vst v63  }
0x29: {  	_ = 	snop  }
0x2a: {  	[spmem:s9] =	stream.linear.scatter [tilespmem:s20], [sflag:$0x1], $0x4000, $0x38;
	[tilespmem:$0x1E800] =	vst v63  }
0x2b: {  	_ =	swait.ge [sflag:s21], $0x4000  }
0x2c: {  	[sflag:s21] =	ssyncset.done $0x0  }
0x2d: {  	[sflag:s21] =	ssyncadd.s32 $0xFFFFC000  }
0x2e: {  	_ =	swait.ge [sflag:s21], $0x4000  }
0x2f: {  	[sflag:s21] =	ssyncset.done $0x0  }
0x30: {  	[sflag:s21] =	ssyncadd.s32 $0xFFFFC000  }
0x31: {  	_ =	swait.ge [sflag:s21], $0x4000  }
0x32: {  	[sflag:s21] =	ssyncset.done $0x0  }
0x33: {  	[sflag:s21] =	ssyncadd.s32 $0xFFFFC000  }
0x34: {  	_ =	swait.ge [sflag:s21], $0x4000  }
0x35: {  	[sflag:s21] =	ssyncset.done $0x0  }
0x36: {  	[sflag:s21] =	ssyncadd.s32 $0xFFFFC000  }
0x37: {  	_ =	swait.ge [sflag:s21], $0x4000  }
0x38: {  	[sflag:s21] =	ssyncset.done $0x0  }
0x39: {  	[sflag:s21] =	ssyncadd.s32 $0xFFFFC000  }
0x3a: {  	s28 =	simm.s32 $0x0;
	[bflag:$0x0] =	sbarrier.arrive $0xFFFF  }
0x3b: {  	[tilespmem:s28], [sflag:$0x2] =	stream.linear.gather [hbm4b:s16+s28], $0x1400, $0x38;
	[tilespmem:$0x1E800] =	vst v63  }
0x3c: {  	_ =	swait.ge [sflag:s22], $0x1400  }
0x3d: {  	[sflag:s22] =	ssyncset.done $0x0  }
0x3e: {  	[sflag:s22] =	ssyncadd.s32 $0xFFFFEC00  }
0x3f: {  	[tilespmem:s23], [sflag:$0x2] =	stream.linear.gather [hbm4b:s17+s28], $0x1400, $0x38;
	[tilespmem:$0x1E800] =	vst v63  }
0x40: {  	_ =	swait.ge [sflag:s22], $0x1400  }
0x41: {  	[sflag:s22] =	ssyncset.done $0x0  }
0x42: {  	s28 =	simm.s32 $0x0;
	[sflag:s22] =	ssyncadd.s32 $0xFFFFEC00  }
0x43: {  	[tilespmem:s20], [sflag:$0x1] =	stream.indirect.gather [hbm4b:s1+s24], $0x80, s28, s24, $0xb8;
	[tilespmem:$0x1E800] =	vst v63  }
0x44: {  	s28 =	simm.s32 $0x80  }
0x45: {  	[tilespmem:s25], [sflag:$0x1] =	stream.indirect.gather [hbm4b:s1+s24], $0x80, s28, s24, $0xb8;
	[tilespmem:$0x1E800] =	vst v63  }
0x46: {  	_ =	swait.ge [sflag:s21], $0x4000  }
0x47: {  	[sflag:s21] =	ssyncset.done $0x0  }
0x48: {  	s28 =	simm.s32 $0x1400;
	[sflag:s21] =	ssyncadd.s32 $0xFFFFC000  }
0x49: {  	[spmem:s2] =	stream.indirect.scatter.add.f32 [tilespmem:s20], [sflag:$0x2], $0x80, s28, s24, $0xb8;
	[tilespmem:$0x1E800] =	vst v63  }
0x4a: {  	_ =	swait.ge [sflag:s22], $0x4000  }
0x4b: {  	[sflag:s22] =	ssyncset.done $0x0  }
0x4c: {  	[sflag:s22] =	ssyncadd.s32 $0xFFFFC000  }
0x4d: {  	_ =	swait.ge [sflag:s21], $0x4000  }
0x4e: {  	[sflag:s21] =	ssyncset.done $0x0  }
0x4f: {  	s28 =	simm.s32 $0x1480;
	[sflag:s21] =	ssyncadd.s32 $0xFFFFC000  }
0x50: {  	[spmem:s2] =	stream.indirect.scatter.add.f32 [tilespmem:s25], [sflag:$0x2], $0x80, s28, s24, $0xb8;
	[tilespmem:$0x1E800] =	vst v63  }
0x51: {  	_ =	swait.ge [sflag:s22], $0x4000  }
0x52: {  	s29 =	simm.s32 $0x800;
	s28 =	simm.s32 $0x400;
	[sflag:s22] =	ssyncset.done $0x0  }
.LBB2_4:
0x53: {  	s30 =	sshra.s32 s28, $0x2  }
0x54: {  	[sflag:s22] =	ssyncadd.s32 $0xFFFFC000;
	s28 =	smov.u32 s29;
	s31 =	sadd.s32 $0x400, s29  }
0x55: {  	[tilespmem:s20], [sflag:$0x1] =	stream.indirect.gather [hbm4b:s1+s24], $0x80, s30, s24, $0xb8;
	[tilespmem:$0x1E800] =	vst v63  }
0x56: {  	p0 =	sne.s32 s29, $0x4C00;
	s29 =	sadd.s32 $0x80, s30  }
0x57: {  	[tilespmem:s25], [sflag:$0x1] =	stream.indirect.gather [hbm4b:s1+s24], $0x80, s29, s24, $0xb8;
	[tilespmem:$0x1E800] =	vst v63  }
0x58: {  	_ =	swait.ge [sflag:s21], $0x4000  }
0x59: {  	[sflag:s21] =	ssyncset.done $0x0  }
0x5a: {  	s29 =	sadd.s32 $0x1400, s30;
	[sflag:s21] =	ssyncadd.s32 $0xFFFFC000  }
0x5b: {  	[spmem:s2] =	stream.indirect.scatter.add.f32 [tilespmem:s20], [sflag:$0x2], $0x80, s29, s24, $0xb8;
	[tilespmem:$0x1E800] =	vst v63  }
0x5c: {  	_ =	swait.ge [sflag:s22], $0x4000  }
0x5d: {  	[sflag:s22] =	ssyncset.done $0x0  }
0x5e: {  	[sflag:s22] =	ssyncadd.s32 $0xFFFFC000  }
0x5f: {  	_ =	swait.ge [sflag:s21], $0x4000  }
.Ltmp1:
0x60: {  	[sflag:s21] =	ssyncset.done $0x0;
	(pc) =	sbr.rel @p0 .LBB2_4-.Ltmp1, $4  }
0x61: {  	s29 =	sadd.s32 $0x1480, s30;
	[sflag:s21] =	ssyncadd.s32 $0xFFFFC000  }
0x62: {  	[spmem:s2] =	stream.indirect.scatter.add.f32 [tilespmem:s25], [sflag:$0x2], $0x80, s29, s24, $0xb8;
	[tilespmem:$0x1E800] =	vst v63  }
0x63: {  	_ =	swait.ge [sflag:s22], $0x4000  }
0x64: {  	s29 =	smov.u32 s31;
	[sflag:s22] =	ssyncset.done $0x0  }
0x65: {  	s28 =	sshra.s32 s28, $0x2;
	[sflag:s22] =	ssyncadd.s32 $0xFFFFC000  }
0x66: {  	[tilespmem:s20], [sflag:$0x1] =	stream.indirect.gather [hbm4b:s1+s24], $0x80, s28, s24, $0xb8;
	[tilespmem:$0x1E800] =	vst v63  }
0x67: {  	s29 =	sadd.s32 $0x80, s28  }
0x68: {  	[tilespmem:s25], [sflag:$0x1] =	stream.indirect.gather [hbm4b:s1+s24], $0x80, s29, s24, $0xb8;
	[tilespmem:$0x1E800] =	vst v63  }
0x69: {  	_ =	swait.ge [sflag:s21], $0x4000  }
0x6a: {  	[sflag:s21] =	ssyncset.done $0x0  }
0x6b: {  	s29 =	sadd.s32 $0x1400, s28;
	[sflag:s21] =	ssyncadd.s32 $0xFFFFC000  }
0x6c: {  	[spmem:s2] =	stream.indirect.scatter.add.f32 [tilespmem:s20], [sflag:$0x2], $0x80, s29, s24, $0xb8;
	[tilespmem:$0x1E800] =	vst v63  }
0x6d: {  	_ =	swait.ge [sflag:s22], $0x4000  }
0x6e: {  	[sflag:s22] =	ssyncset.done $0x0  }
0x6f: {  	[sflag:s22] =	ssyncadd.s32 $0xFFFFC000  }
0x70: {  	_ =	swait.ge [sflag:s21], $0x4000  }
0x71: {  	[sflag:s21] =	ssyncset.done $0x0  }
0x72: {  	s28 =	sadd.s32 $0x1480, s28;
	[sflag:s21] =	ssyncadd.s32 $0xFFFFC000  }
0x73: {  	[spmem:s2] =	stream.indirect.scatter.add.f32 [tilespmem:s25], [sflag:$0x2], $0x80, s28, s24, $0xb8;
	[tilespmem:$0x1E800] =	vst v63  }
0x74: {  	_ =	swait.ge [sflag:s22], $0x4000  }
0x75: {  	[sflag:s22] =	ssyncset.done $0x0  }
0x76: {  	s28 =	simm.s32 $0x0;
	[sflag:s22] =	ssyncadd.s32 $0xFFFFC000  }
0x77: {  	[tilespmem:s28], [sflag:$0x2] =	stream.linear.gather [hbm4b:s18+s28], $0x1400, $0x38;
	[tilespmem:$0x1E800] =	vst v63  }
0x78: {  	_ =	swait.ge [sflag:s22], $0x1400  }
0x79: {  	[sflag:s22] =	ssyncset.done $0x0  }
0x7a: {  	[sflag:s22] =	ssyncadd.s32 $0xFFFFEC00  }
0x7b: {  	[tilespmem:s23], [sflag:$0x2] =	stream.linear.gather [hbm4b:s19+s28], $0x1400, $0x38;
	[tilespmem:$0x1E800] =	vst v63  }
0x7c: {  	_ =	swait.ge [sflag:s22], $0x1400  }
0x7d: {  	[sflag:s22] =	ssyncset.done $0x0  }
0x7e: {  	s28 =	simm.s32 $0x0;
	[sflag:s22] =	ssyncadd.s32 $0xFFFFEC00  }
0x7f: {  	[tilespmem:s20], [sflag:$0x1] =	stream.indirect.gather [hbm4b:s1+s24], $0x80, s28, s24, $0xb8;
	[tilespmem:$0x1E800] =	vst v63  }
0x80: {  	s28 =	simm.s32 $0x80  }
0x81: {  	[tilespmem:s25], [sflag:$0x1] =	stream.indirect.gather [hbm4b:s1+s24], $0x80, s28, s24, $0xb8;
	[tilespmem:$0x1E800] =	vst v63  }
0x82: {  	_ =	swait.ge [sflag:s21], $0x4000  }
0x83: {  	[sflag:s21] =	ssyncset.done $0x0  }
0x84: {  	s28 =	simm.s32 $0x1400;
	[sflag:s21] =	ssyncadd.s32 $0xFFFFC000  }
0x85: {  	[spmem:s2] =	stream.indirect.scatter.add.f32 [tilespmem:s20], [sflag:$0x2], $0x80, s28, s24, $0xb8;
	[tilespmem:$0x1E800] =	vst v63  }
0x86: {  	_ =	swait.ge [sflag:s22], $0x4000  }
0x87: {  	[sflag:s22] =	ssyncset.done $0x0  }
0x88: {  	[sflag:s22] =	ssyncadd.s32 $0xFFFFC000  }
0x89: {  	_ =	swait.ge [sflag:s21], $0x4000  }
0x8a: {  	[sflag:s21] =	ssyncset.done $0x0  }
0x8b: {  	s28 =	simm.s32 $0x1480;
	[sflag:s21] =	ssyncadd.s32 $0xFFFFC000  }
0x8c: {  	[spmem:s2] =	stream.indirect.scatter.add.f32 [tilespmem:s25], [sflag:$0x2], $0x80, s28, s24, $0xb8;
	[tilespmem:$0x1E800] =	vst v63  }
0x8d: {  	_ =	swait.ge [sflag:s22], $0x4000  }
0x8e: {  	s29 =	simm.s32 $0x800;
	s28 =	simm.s32 $0x400;
	[sflag:s22] =	ssyncset.done $0x0  }
.LBB2_6:
0x8f: {  	s30 =	sshra.s32 s28, $0x2  }
0x90: {  	[sflag:s22] =	ssyncadd.s32 $0xFFFFC000;
	s28 =	smov.u32 s29;
	s31 =	sadd.s32 $0x400, s29  }
0x91: {  	[tilespmem:s20], [sflag:$0x1] =	stream.indirect.gather [hbm4b:s1+s24], $0x80, s30, s24, $0xb8;
	[tilespmem:$0x1E800] =	vst v63  }
0x92: {  	p0 =	sne.s32 s29, $0x4C00;
	s29 =	sadd.s32 $0x80, s30  }
0x93: {  	[tilespmem:s25], [sflag:$0x1] =	stream.indirect.gather [hbm4b:s1+s24], $0x80, s29, s24, $0xb8;
	[tilespmem:$0x1E800] =	vst v63  }
0x94: {  	_ =	swait.ge [sflag:s21], $0x4000  }
0x95: {  	[sflag:s21] =	ssyncset.done $0x0  }
0x96: {  	s29 =	sadd.s32 $0x1400, s30;
	[sflag:s21] =	ssyncadd.s32 $0xFFFFC000  }
0x97: {  	[spmem:s2] =	stream.indirect.scatter.add.f32 [tilespmem:s20], [sflag:$0x2], $0x80, s29, s24, $0xb8;
	[tilespmem:$0x1E800] =	vst v63  }
0x98: {  	_ =	swait.ge [sflag:s22], $0x4000  }
0x99: {  	[sflag:s22] =	ssyncset.done $0x0  }
0x9a: {  	[sflag:s22] =	ssyncadd.s32 $0xFFFFC000  }
0x9b: {  	_ =	swait.ge [sflag:s21], $0x4000  }
.Ltmp2:
0x9c: {  	[sflag:s21] =	ssyncset.done $0x0;
	(pc) =	sbr.rel @p0 .LBB2_6-.Ltmp2, $4  }
0x9d: {  	s29 =	sadd.s32 $0x1480, s30;
	[sflag:s21] =	ssyncadd.s32 $0xFFFFC000  }
0x9e: {  	[spmem:s2] =	stream.indirect.scatter.add.f32 [tilespmem:s25], [sflag:$0x2], $0x80, s29, s24, $0xb8;
	[tilespmem:$0x1E800] =	vst v63  }
0x9f: {  	_ =	swait.ge [sflag:s22], $0x4000  }
0xa0: {  	s29 =	smov.u32 s31;
	[sflag:s22] =	ssyncset.done $0x0  }
0xa1: {  	s28 =	sshra.s32 s28, $0x2;
	[sflag:s22] =	ssyncadd.s32 $0xFFFFC000  }
0xa2: {  	[tilespmem:s20], [sflag:$0x1] =	stream.indirect.gather [hbm4b:s1+s24], $0x80, s28, s24, $0xb8;
	[tilespmem:$0x1E800] =	vst v63  }
0xa3: {  	s29 =	sadd.s32 $0x80, s28  }
0xa4: {  	[tilespmem:s25], [sflag:$0x1] =	stream.indirect.gather [hbm4b:s1+s24], $0x80, s29, s24, $0xb8;
	[tilespmem:$0x1E800] =	vst v63  }
0xa5: {  	_ =	swait.ge [sflag:s21], $0x4000  }
0xa6: {  	[sflag:s21] =	ssyncset.done $0x0  }
0xa7: {  	s31 =	sadd.s32 $0x1400, s28;
	[sflag:s21] =	ssyncadd.s32 $0xFFFFC000  }
0xa8: {  	[spmem:s2] =	stream.indirect.scatter.add.f32 [tilespmem:s20], [sflag:$0x2], $0x80, s31, s24, $0xb8;
	[tilespmem:$0x1E800] =	vst v63  }
0xa9: {  	_ =	swait.ge [sflag:s22], $0x4000  }
0xaa: {  	[sflag:s22] =	ssyncset.done $0x0  }
0xab: {  	[sflag:s22] =	ssyncadd.s32 $0xFFFFC000  }
0xac: {  	_ =	swait.ge [sflag:s21], $0x4000  }
0xad: {  	[sflag:s21] =	ssyncset.done $0x0  }
0xae: {  	s28 =	sadd.s32 $0x1480, s28;
	[sflag:s21] =	ssyncadd.s32 $0xFFFFC000  }
0xaf: {  	[spmem:s2] =	stream.indirect.scatter.add.f32 [tilespmem:s25], [sflag:$0x2], $0x80, s28, s24, $0xb8;
	[tilespmem:$0x1E800] =	vst v63  }
0xb0: {  	_ =	swait.ge [sflag:s22], $0x4000  }
0xb1: {  	[sflag:s22] =	ssyncset.done $0x0  }
0xb2: {  	s30 =	sshll.u32 s3, $0x6;
	[sflag:s22] =	ssyncadd.s32 $0xFFFFC000  }
0xb3: {  	s31 =	sshrl.u32 s5, $0x3;
	s28 =	sor.u32 $0x1C01, s30;
	[bflag:$0x0] =	sbarrier.arrive $0xFFFF  }
0xb4: {  	[hbm:s10], [sflag:s28] =	dma.local [spmem:s31], $0x800  }
0xb5: {  	s30 =	sshrl.u32 s6, $0x3;
	s31 =	sshrl.u32 s7, $0x3  }
0xb6: {  	[hbm:s11], [sflag:s28] =	dma.local [spmem:s30], $0x800  }
0xb7: {  	[hbm:s12], [sflag:s28] =	dma.local [spmem:s31], $0x800  }
0xb8: {  	s30 =	sshrl.u32 s8, $0x3;
	s31 =	sshrl.u32 s9, $0x3  }
0xb9: {  	[hbm:s13], [sflag:s28] =	dma.local [spmem:s30], $0x800  }
0xba: {  	[hbm:s14], [sflag:s28] =	dma.local [spmem:s31], $0x800  }
0xbb: {  	_ =	swait.ge [sflag:s21], $0x800  }
0xbc: {  	[sflag:s21] =	ssyncset.done $0x0  }
0xbd: {  	[sflag:s21] =	ssyncadd.s32 $0xFFFFF800  }
0xbe: {  	_ =	swait.ge [sflag:s21], $0x800  }
0xbf: {  	[sflag:s21] =	ssyncset.done $0x0  }
0xc0: {  	[sflag:s21] =	ssyncadd.s32 $0xFFFFF800  }
0xc1: {  	_ =	swait.ge [sflag:s21], $0x800  }
0xc2: {  	[sflag:s21] =	ssyncset.done $0x0  }
0xc3: {  	s26 =	sadd.s32 $0x1, s26;
	[sflag:s21] =	ssyncadd.s32 $0xFFFFF800  }
0xc4: {  	p0 =	sne.s32 s26, s15;
	_ =	swait.ge [sflag:s21], $0x800  }
.Ltmp3:
0xc5: {  	[sflag:s21] =	ssyncset.done $0x0;
	(pc) =	sbr.rel @p0 .LBB2_1-.Ltmp3, $4  }
0xc6: {  	[sflag:s21] =	ssyncadd.s32 $0xFFFFF800  }
0xc7: {  	_ =	swait.ge [sflag:s21], $0x800  }
0xc8: {  	[sflag:s21] =	ssyncset.done $0x0  }
0xc9: {  	[sflag:s21] =	ssyncadd.s32 $0xFFFFF800  }
0xca: {  	_ =	sfence.sel $0x180000  }
0xcb: {  	[bflag:$0x0] =	sbarrier.arrive $0xFFFF  }
0xcc: {  	p0 =	sne.s32 s3, $0x0;
	_ =	strace $0x9000004A  }
0xcd: {  	s0 =	sadd.s32 @!p0 $0x100000, s0;
	[bflag:$0x2] =	sbarrier.arrive $0xFFFF  }
0xce: {  	[sflag:s0] =	ssyncadd.tile.s32 @!p0 $0x1;
	_ =	shalt  }
.Lfunc_end2:
_tile_overlayer_lowered:
.L_overlay_start_2:
0xcf: {  	(tag) =	ssettag $0x2  }
0xd0: {  	s0 =	rddreg [dreg:$0x0];
	s2 =	stileid.u32  }
0xd1: {  	s1 =	rddreg [dreg:$0x1];
	p0 =	sne.s32 s2, $0x0  }
0xd2: {  	s3 =	rddreg [dreg:$0x2];
	[bflag:$0x3] =	sbarrier.arrive $0xFFFF;
	s2 =	simm.s32 @!p0 $0x1C02  }
0xd3: {  	[timem:s3], [sflag:s2] =	dma.local @!p0 [hbm:s0], s1  }
0xd4: {  	s0 =	simm.s32 @!p0 $0x2  }
0xd5: {  	_ =	swait.ge @!p0 [sflag:s0], s1  }
0xd6: {  	s1 =	ssub.s32 @!p0 $0x0, s1;
	[sflag:s0] =	ssyncset.done @!p0 $0x0  }
0xd7: {  	[sflag:s0] =	ssyncadd.s32 @!p0 s1  }
0xd8: {  	[bflag:$0x3] =	sbarrier.arrive $0xFFFF  }
0xd9: {  	_ =	shalt  }

// kernel: kernel.16.cloned.1.call-start
scs
__scs_entry_jumppad:
0x0: {  	(pc) =	sbr.rel $0x88, $3  }
0x1: {  	(tag) =	ssettag $0x0;
	lr =	simm.s32 $0x1  }
0x2: {  	[smem:$0x3F99] =	sst lr;
	_ =	strace $0xD0000000  }
0x3: {  	_ = 	snop  }
0x4: {  	_ = 	snop  }
0x5: {  	_ = 	snop  }
0x6: {  	_ = 	snop  }
0x7: {  	_ = 	snop  }
__scs_overlays_trampoline_lowered:
0x8: {  	[smem:$0x3FA8] =	sst s0  }
0x9: {  	[smem:$0x3FA9] =	sst s1  }
0xa: {  	[smem:$0x3FAA] =	sst s2  }
0xb: {  	[smem:$0x3FAB] =	sst s3  }
0xc: {  	[smem:$0x3FAC] =	sst s4  }
0xd: {  	[smem:$0x3FAD] =	sst s5  }
0xe: {  	[smem:$0x3FAE] =	sst s6  }
0xf: {  	[smem:$0x3FAF] =	sst s7  }
0x10: {  	[smem:$0x3FB0] =	sst s8  }
0x11: {  	[smem:$0x3FB1] =	sst s9;
	s0 =	simm.s32 @!p0 $0x0  }
0x12: {  	s1 =	sld [smem:$0x3F97];
	s0 =	simm.s32 @p0 $0x1  }
0x13: {  	[smem:$0x3FB2] =	sst s0;
	s0 =	simm.s32 @!p1 $0x0  }
0x14: {  	s2 =	sld [smem:$0x3F96];
	s0 =	simm.s32 @p1 $0x1  }
0x15: {  	[smem:$0x3FB3] =	sst s0;
	s0 =	simm.s32 @!p2 $0x0  }
0x16: {  	s3 =	sld [smem:$0x3FDB];
	s0 =	simm.s32 @p2 $0x1  }
0x17: {  	s4 =	simm.s32 $0x1BF5;
	[smem:$0x3FB5] =	sst s0  }
0x18: {  	s0 =	sld [smem:$0x3F98];
	_ =	swait.ge [sflag:s4], $0x0  }
0x19: {  	s7 =	sld [smem:$0x3F99]  }
0x1a: {  	s8 =	sadd.s32 $0xFFFFE003, lr  }
0x1b: {  	s9 =	sadd.s32 $0xFFFFFEF7, lr;
	s5 =	simm.s32 $0xFFFFFFFF;
	p2 =	slt.u32 s8, $0xFFFFF086  }
0x1c: {  	p1 =	slt.u32 s9, $0xF7A;
	s5 =	simm.s32 @!p2 $0x0  }
0x1d: {  	s5 =	simm.s32 @p1 $0x1;
	p0 =	seq.s32 s7, s2  }
0x1e: {  	s7 =	smul.u32 @!p0 $0xF7A, s2;
	p2 =	seq.s32 @!p0 s5, $0x0  }
0x1f: {  	s9 =	smul.u32 $0xF7A, s1;
	s8 =	simm.s32 @!p0 $0x1BF5;
	p2 =	por !p2, p0  }
0x20: {  	[sflag:s8] =	ssyncset.s32 @!p0 $0xFFFFF086;
	s6 =	sadd.s32 @!p0 s3, s7;
	s7 =	simm.s32 @!p0 $0x108  }
0x21: {  	s3 =	sadd.s32 s3, s9;
	s6 =	sadd.s32 @!p0 $0x88, s6;
	s7 =	simm.s32 @p2 $0x1082  }
0x22: {  	[simem:s7], [sflag:s8] =	dma.local @!p0 [hbm:s6], $0xF7A  }
0x23: {  	s9 =	sor.u32 $0xD0000000, s2;
	s6 =	simm.s32 $0x108;
	_ =	swait.ge @!p0 [sflag:s8], $0x0  }
0x24: {  	s3 =	sadd.s32 $0x88, s3;
	s6 =	simm.s32 @!p1 $0x1082;
	[sflag:s4] =	ssyncset.s32 $0xFFFFF086  }
0x25: {  	[simem:s6], [sflag:s4] =	dma.local [hbm:s3], $0xF7A  }
0x26: {  	[smem:$0x3F99] =	sst s1;
	(tag) =	ssettag s2;
	_ =	strace s9  }
0x27: {  	s1 =	sld [smem:$0x3FA9]  }
0x28: {  	s2 =	sld [smem:$0x3FAA]  }
0x29: {  	s4 =	sld [smem:$0x3FAC]  }
0x2a: {  	p0 =	seq.s32 s5, $0x0;
	s5 =	sld [smem:$0x3FAD]  }
0x2b: {  	s6 =	sld [smem:$0x3FAE]  }
0x2c: {  	s7 =	sld [smem:$0x3FAF]  }
0x2d: {  	s3 =	simm.s32 $0x108;
	s8 =	sld [smem:$0x3FB0]  }
0x2e: {  	s3 =	simm.s32 @!p0 $0x1082;
	s9 =	sld [smem:$0x3FB1]  }
0x2f: {  	lr =	sadd.s32 s0, s3;
	s0 =	sld [smem:$0x3FA8]  }
0x30: {  	s3 =	sld [smem:$0x3FAB]  }
0x31: {  	[smem:$0x3FB4] =	sst s10  }
0x32: {  	s10 =	sld [smem:$0x3FB2];
	_ =	sdelay $0x3  }
0x33: {  	p0 =	seq.s32 s10, $0x1;
	s10 =	sld [smem:$0x3FB4];
	_ =	sdelay $0x3  }
0x34: {  	[smem:$0x3FB4] =	sst s10  }
0x35: {  	s10 =	sld [smem:$0x3FB3];
	_ =	sdelay $0x3  }
0x36: {  	p1 =	seq.s32 s10, $0x1;
	s10 =	sld [smem:$0x3FB4];
	_ =	sdelay $0x3  }
0x37: {  	[smem:$0x3FB4] =	sst s10  }
0x38: {  	s10 =	sld [smem:$0x3FB5]  }
0x39: {  	_ = 	snop;
	(pc) =	sbr.ind lr, $3  }
0x3a: {  	_ = 	snop  }
0x3b: {  	_ = 	snop  }
0x3c: {  	p2 =	seq.s32 s10, $0x1;
	s10 =	sld [smem:$0x3FB4]  }
0x3d: {  	_ =	shalt  }
0x3e: {  	_ =	shalt  }
0x3f: {  	_ =	shalt  }
0x40: {  	_ =	shalt  }
0x41: {  	_ =	shalt  }
0x42: {  	_ =	shalt  }
0x43: {  	_ =	shalt  }
0x44: {  	_ =	shalt  }
0x45: {  	_ =	shalt  }
0x46: {  	_ =	shalt  }
0x47: {  	_ =	shalt  }
0x48: {  	_ =	shalt  }
0x49: {  	_ =	shalt  }
0x4a: {  	_ =	shalt  }
0x4b: {  	_ =	shalt  }
0x4c: {  	_ =	shalt  }
0x4d: {  	_ =	shalt  }
0x4e: {  	_ =	shalt  }
0x4f: {  	_ =	shalt  }
0x50: {  	_ =	shalt  }
0x51: {  	_ =	shalt  }
0x52: {  	_ =	shalt  }
0x53: {  	_ =	shalt  }
0x54: {  	_ =	shalt  }
0x55: {  	_ =	shalt  }
0x56: {  	_ =	shalt  }
0x57: {  	_ =	shalt  }
0x58: {  	_ =	shalt  }
0x59: {  	_ =	shalt  }
0x5a: {  	_ =	shalt  }
0x5b: {  	_ =	shalt  }
0x5c: {  	_ =	shalt  }
0x5d: {  	_ =	shalt  }
0x5e: {  	_ =	shalt  }
0x5f: {  	_ =	shalt  }
0x60: {  	_ =	shalt  }
0x61: {  	_ =	shalt  }
0x62: {  	_ =	shalt  }
0x63: {  	_ =	shalt  }
0x64: {  	_ =	shalt  }
0x65: {  	_ =	shalt  }
0x66: {  	_ =	shalt  }
0x67: {  	_ =	shalt  }
0x68: {  	_ =	shalt  }
0x69: {  	_ =	shalt  }
0x6a: {  	_ =	shalt  }
0x6b: {  	_ =	shalt  }
0x6c: {  	_ =	shalt  }
0x6d: {  	_ =	shalt  }
0x6e: {  	_ =	shalt  }
0x6f: {  	_ =	shalt  }
0x70: {  	_ =	shalt  }
0x71: {  	_ =	shalt  }
0x72: {  	_ =	shalt  }
0x73: {  	_ =	shalt  }
0x74: {  	_ =	shalt  }
0x75: {  	_ =	shalt  }
0x76: {  	_ =	shalt  }
0x77: {  	_ =	shalt  }
0x78: {  	_ =	shalt  }
0x79: {  	_ =	shalt  }
0x7a: {  	_ =	shalt  }
0x7b: {  	_ =	shalt  }
0x7c: {  	_ =	shalt  }
0x7d: {  	_ =	shalt  }
0x7e: {  	_ =	shalt  }
0x7f: {  	_ =	shalt  }
0x80: {  	_ =	shalt  }
0x81: {  	_ =	shalt  }
0x82: {  	_ =	shalt  }
0x83: {  	_ =	shalt  }
0x84: {  	_ =	shalt  }
0x85: {  	_ =	shalt  }
0x86: {  	_ =	shalt  }
0x87: {  	_ =	shalt  }
.Lfunc_end0:
.L_simem_size_0:
called_computation.2_lowered:
.L_overlay_start_0:
0x88: {  	s2 =	sld [smem:$0x3FD9]  }
0x89: {  	s3 =	sld [smem:$0x3FFE];
	_ =	sdelay $0x1  }
0x8a: {  	s1 =	srdreg.scid  }
0x8b: {  	s0 =	sand.u32 $0x1, s1  }
0x8c: {  	s17 =	sshll.u32 s0, $0xA;
	s2 =	sadd.s32 s3, s2  }
0x8d: {  	s2 =	sadd.s32 s2, s17  }
0x8e: {  	[smem:$0x3FC0] =	sst s2  }
0x8f: {  	_ = 	snop  }
0x90: {  	s2 =	sld [smem:$0x3FD0];
	(tm) =	ssettm $0x1  }
0x91: {  	s18 =	sld [smem:$0x3FFB];
	_ =	sdelay $0x3  }
0x92: {  	_ =	strace s18  }
0x93: {  	s3 =	sld [smem:$0x3FFC];
	_ =	sdelay $0x3  }
0x94: {  	_ =	strace s3  }
0x95: {  	s3 =	sld [smem:$0x3FFD];
	_ =	sdelay $0x3  }
0x96: {  	_ =	strace s3  }
0x97: {  	_ =	strace $0x8FFFFFFF  }
0x98: {  	s19 =	sld [smem:$0x3FDB];
	_ =	sdelay $0x1  }
0x99: {  	s4 =	simm.s32 $_scs_section_size  }
0x9a: {  	s5 =	simm.s32 $_size__tile_overlayer_lowered;
	s6 =	simm.s32 $_tile_overlayer_lowered  }
0x9b: {  	s22 =	simm.s32 $0x1BFF;
	s21 =	sshll.u32 s6, $0x1;
	s3 =	sadd.s32 s4, s19  }
0x9c: {  	s7 =	simm.s32 $0x0;
	s20 =	sshll.u32 s5, $0x1;
	s5 =	sadd.s32 s21, s3  }
0x9d: {  	[timem:s7], [sflag:s22] =	dma.local [hbm:s5], s20  }
0x9e: {  	_ =	swait.ge [sflag:s22], s20  }
0x9f: {  	s4 =	ssub.s32 $0x0, s20;
	[sflag:s22] =	ssyncset.done $0x0  }
0xa0: {  	[sflag:s22] =	ssyncadd.s32 s4;
	_ =	sdelay $0x1  }
0xa1: {  	s23 =	simm.s32 $0x1B8B  }
0xa2: {  	_ =	swait.ge [sflag:s23], $0x1  }
0xa3: {  	[sflag:s23] =	ssyncset.done $0x0  }
0xa4: {  	s25 =	simm.s32 $0x1B8E;
	s24 =	sld [smem:$0x3FFE];
	[sflag:s23] =	ssyncadd.s32 $0xFFFFFFFF  }
0xa5: {  	s26 =	simm.s32 $execute0_lowered;
	[smem:$0x3FD2] =	sst s25  }
0xa6: {  	s5 =	sshll.u32 s26, $0x1;
	_ =	strace $0x8000004C;
	[dreg:$0x1] =	wrdreg $0xFFFFFFFF  }
0xa7: {  	s28 =	simm.s32 $_size_execute0_lowered;
	s3 =	sadd.s32 s3, s5;
	[dreg:$0x0] =	wrdreg $0x0  }
0xa8: {  	s5 =	sshll.u32 s28, $0x1;
	[dreg:$0x2] =	wrdreg s3  }
0xa9: {  	[dreg:$0x3] =	wrdreg s5  }
0xaa: {  	[dreg:$0x4] =	wrdreg $0xC0  }
0xab: {  	_ =	task [dreg:s7], $0x5FFFF  }
0xac: {  	[dreg:$0x1] =	wrdreg $0xFFFFFFFF  }
0xad: {  	[dreg:$0x0] =	wrdreg $0x60  }
0xae: {  	[dreg:$0x2] =	wrdreg s2  }
0xaf: {  	[dreg:$0x3] =	wrdreg s24  }
0xb0: {  	[dreg:$0x4] =	wrdreg $0xA8000  }
0xb1: {  	[dreg:$0x5] =	wrdreg $0x9  }
0xb2: {  	_ =	task.clear_ibuf [dreg:s7], $0x6FFFF;
	_ =	strace $0x9000004C  }
0xb3: {  	s29 =	simm.s32 $0x9;
	_ =	strace $0x8000004E  }
0xb4: {  	_ =	swait.ge [sflag:s29], $0x1  }
0xb5: {  	[sflag:s29] =	ssyncadd.s32 $0xFFFFFFFF  }
0xb6: {  	_ =	strace $0x9000004E  }
0xb7: {  	_ =	sfence  }
0xb8: {  	s30 =	sld [smem:$0x0];
	_ =	sdelay $0x2  }
0xb9: {  	s31 =	sshll.u32 s1, $0xD;
	s1 =	sshrl.u32 s1, $0x2  }
0xba: {  	s3 =	sand.u32 $0x4000, s31;
	s1 =	sadd.s32 s1, s30  }
0xbb: {  	s0 =	sor.u32 s3, s0;
	s1 =	sshll.u32 s1, $0x11  }
0xbc: {  	s0 =	sor.u32 s1, s0  }
0xbd: {  	s0 =	sadd.s32 $0x8F2B, s0  }
0xbe: {  	[sflag:s0] =	ssyncadd.remote.s32 $0x1  }
0xbf: {  	_ =	sfence.sel $0xFFFF  }
0xc0: {  	[dreg:$0x0] =	wrdreg $0xFFFFFFFF;
	(pc) =	sbr.abs _section_cstart, $3  }
0xc1: {  	[dreg:$0x1] =	wrdreg $0xFFFFFFFF  }
0xc2: {  	_ =	task.clear_ibuf [dreg:s7], $0x2FFFF;
	_ =	strace $0x9FFFFFFF  }
0xc3: {  	(tm) =	ssettm $0x7FFFFFFF  }
tec
execute0_lowered:
.L_overlay_start_1:
0x0: {  	(tag) =	ssettag $0x1  }
0x1: {  	s1 =	rddreg [dreg:$0x0]  }
0x2: {  	s5 =	rddreg [dreg:$0x1]  }
0x3: {  	s2 =	rddreg [dreg:$0x2]  }
0x4: {  	s0 =	rddreg [dreg:$0x3];
	s4 =	simm.s32 $0x0;
	s6 =	srdreg.scid  }
0x5: {  	s3 =	stileid.u32;
	s21 =	simm.s32 $0x1;
	s22 =	simm.s32 $0x2  }
0x6: {  	s23 =	simm.s32 $0x1400;
	s24 =	simm.s32 $0x80;
	s25 =	simm.s32 $0x6800  }
0x7: {  	s26 =	simm.s32 $0x0;
	[smem:$0x7FF] =	sst s4;
	s8 =	smul.u32 $0x50000, s3  }
0x8: {  	s7 =	sand.u32 $0x1, s6;
	s18 =	sadd.s32 $0x16E00, s5;
	s10 =	smul.u32 $0x14000, s3  }
0x9: {  	s19 =	sadd.s32 $0x2E00, s5;
	s14 =	sadd.s32 $0x20E00, s5;
	s29 =	sshll.u32 s3, $0x1  }
0xa: {  	_ =	strace $0x8000004D;
	s6 =	ssub.s32 $0x2, s7;
	s13 =	sor.u32 s7, s29  }
0xb: {  	s17 =	smul.u32 $0x140000, s7;
	s9 =	sshrl.u32 s6, $0x1;
	s30 =	sshrl.u32 s8, $0x2  }
0xc: {  	s11 =	sadd.s32 $0x4000, s10;
	s12 =	sadd.s32 $0x8000, s10;
	s16 =	sadd.s32 $0xC000, s10  }
0xd: {  	s20 =	sadd.s32 $0x10000, s10;
	s31 =	smul.u32 $0x500, s13;
	s15 =	ssub.s32 s6, s9  }
0xe: {  	s5 =	sadd.s32 s30, s2;
	s6 =	sadd.s32 s11, s2;
	s7 =	sadd.s32 s12, s2  }
0xf: {  	s8 =	sadd.s32 s16, s2;
	s9 =	sadd.s32 s20, s2;
	s10 =	sadd.s32 s10, s17  }
0x10: {  	s11 =	sadd.s32 s17, s11;
	s12 =	sadd.s32 s17, s12;
	s16 =	sadd.s32 s17, s16  }
0x11: {  	s17 =	sadd.s32 s17, s20;
	s10 =	sshrl.u32 s10, $0x3;
	s11 =	sshrl.u32 s11, $0x3  }
0x12: {  	s12 =	sshrl.u32 s12, $0x3;
	s16 =	sshrl.u32 s16, $0x3;
	s17 =	sshrl.u32 s17, $0x3  }
0x13: {  	s15 =	smax.u32 s15, $0x1;
	s20 =	sadd.s32 $0x280, s31;
	s10 =	sadd.s32 s14, s10  }
0x14: {  	s11 =	sadd.s32 s14, s11;
	s12 =	sadd.s32 s14, s12;
	s13 =	sadd.s32 s14, s16  }
0x15: {  	s14 =	sadd.s32 s14, s17;
	s16 =	sadd.s32 s18, s31;
	s17 =	sadd.s32 s19, s31  }
0x16: {  	v0 =	vimm.f32 $0.0e+00;
	s18 =	sadd.s32 s18, s20;
	s19 =	sadd.s32 s19, s20;
	s20 =	simm.s32 $0x2800  }
.LBB2_1:
0x17: {  	s28 =	sand.u32 $0xFE00, s4  }
0x18: {  	s29 =	sand.u32 $0x70, s4;
	s30 =	sshrl.u32 s28, $0x2  }
0x19: {  	s28 =	simm.s32 $0x40;
	s30 =	sor.u32 s29, s30;
	s29 =	simm.s32 $0x0  }
.LBB2_2:
0x1a: {  	p0 =	sne.s32 s28, $0xFFC0  }
0x1b: {  	[tilespmem:s30+$0x2800] =	vst v0;
	s29 =	sadd.s32 $0x10, s29;
	s30 =	smov.u32 s28;
	s28 =	sadd.s32 $0x40, s28  }
.Ltmp0:
0x1c: {  	(pc) =	sbr.rel @p0 .LBB2_2-.Ltmp0, $4  }
0x1d: {  	_ = 	snop  }
0x1e: {  	s30 =	sand.u32 $0xFE00, s30  }
0x1f: {  	s31 =	sand.u32 $0x70, s29;
	s30 =	sshrl.u32 s30, $0x2  }
0x20: {  	s30 =	sor.u32 s31, s30  }
0x21: {  	[tilespmem:s30+$0x2800] =	vst v0  }
0x22: {  	[spmem:s5] =	stream.linear.scatter [tilespmem:s20], [sflag:$0x1], $0x4000, $0x38;
	[tilespmem:$0x1E800] =	vst v63  }
0x23: {  	_ = 	snop  }
0x24: {  	[spmem:s6] =	stream.linear.scatter [tilespmem:s20], [sflag:$0x1], $0x4000, $0x38;
	[tilespmem:$0x1E800] =	vst v63  }
0x25: {  	_ = 	snop  }
0x26: {  	[spmem:s7] =	stream.linear.scatter [tilespmem:s20], [sflag:$0x1], $0x4000, $0x38;
	[tilespmem:$0x1E800] =	vst v63  }
0x27: {  	_ = 	snop  }
0x28: {  	[spmem:s8] =	stream.linear.scatter [tilespmem:s20], [sflag:$0x1], $0x4000, $0x38;
	[tilespmem:$0x1E800] =	vst v63  }
0x29: {  	_ = 	snop  }
0x2a: {  	[spmem:s9] =	stream.linear.scatter [tilespmem:s20], [sflag:$0x1], $0x4000, $0x38;
	[tilespmem:$0x1E800] =	vst v63  }
0x2b: {  	_ =	swait.ge [sflag:s21], $0x4000  }
0x2c: {  	[sflag:s21] =	ssyncset.done $0x0  }
0x2d: {  	[sflag:s21] =	ssyncadd.s32 $0xFFFFC000  }
0x2e: {  	_ =	swait.ge [sflag:s21], $0x4000  }
0x2f: {  	[sflag:s21] =	ssyncset.done $0x0  }
0x30: {  	[sflag:s21] =	ssyncadd.s32 $0xFFFFC000  }
0x31: {  	_ =	swait.ge [sflag:s21], $0x4000  }
0x32: {  	[sflag:s21] =	ssyncset.done $0x0  }
0x33: {  	[sflag:s21] =	ssyncadd.s32 $0xFFFFC000  }
0x34: {  	_ =	swait.ge [sflag:s21], $0x4000  }
0x35: {  	[sflag:s21] =	ssyncset.done $0x0  }
0x36: {  	[sflag:s21] =	ssyncadd.s32 $0xFFFFC000  }
0x37: {  	_ =	swait.ge [sflag:s21], $0x4000  }
0x38: {  	[sflag:s21] =	ssyncset.done $0x0  }
0x39: {  	[sflag:s21] =	ssyncadd.s32 $0xFFFFC000  }
0x3a: {  	s28 =	simm.s32 $0x0;
	[bflag:$0x0] =	sbarrier.arrive $0xFFFF  }
0x3b: {  	[tilespmem:s28], [sflag:$0x2] =	stream.linear.gather [hbm4b:s16+s28], $0x1400, $0x38;
	[tilespmem:$0x1E800] =	vst v63  }
0x3c: {  	_ =	swait.ge [sflag:s22], $0x1400  }
0x3d: {  	[sflag:s22] =	ssyncset.done $0x0  }
0x3e: {  	[sflag:s22] =	ssyncadd.s32 $0xFFFFEC00  }
0x3f: {  	[tilespmem:s23], [sflag:$0x2] =	stream.linear.gather [hbm4b:s17+s28], $0x1400, $0x38;
	[tilespmem:$0x1E800] =	vst v63  }
0x40: {  	_ =	swait.ge [sflag:s22], $0x1400  }
0x41: {  	[sflag:s22] =	ssyncset.done $0x0  }
0x42: {  	s28 =	simm.s32 $0x0;
	[sflag:s22] =	ssyncadd.s32 $0xFFFFEC00  }
0x43: {  	[tilespmem:s20], [sflag:$0x1] =	stream.indirect.gather [hbm4b:s1+s24], $0x80, s28, s24, $0xb8;
	[tilespmem:$0x1E800] =	vst v63  }
0x44: {  	s28 =	simm.s32 $0x80  }
0x45: {  	[tilespmem:s25], [sflag:$0x1] =	stream.indirect.gather [hbm4b:s1+s24], $0x80, s28, s24, $0xb8;
	[tilespmem:$0x1E800] =	vst v63  }
0x46: {  	_ =	swait.ge [sflag:s21], $0x4000  }
0x47: {  	[sflag:s21] =	ssyncset.done $0x0  }
0x48: {  	s28 =	simm.s32 $0x1400;
	[sflag:s21] =	ssyncadd.s32 $0xFFFFC000  }
0x49: {  	[spmem:s2] =	stream.indirect.scatter.add.f32 [tilespmem:s20], [sflag:$0x2], $0x80, s28, s24, $0xb8;
	[tilespmem:$0x1E800] =	vst v63  }
0x4a: {  	_ =	swait.ge [sflag:s22], $0x4000  }
0x4b: {  	[sflag:s22] =	ssyncset.done $0x0  }
0x4c: {  	[sflag:s22] =	ssyncadd.s32 $0xFFFFC000  }
0x4d: {  	_ =	swait.ge [sflag:s21], $0x4000  }
0x4e: {  	[sflag:s21] =	ssyncset.done $0x0  }
0x4f: {  	s28 =	simm.s32 $0x1480;
	[sflag:s21] =	ssyncadd.s32 $0xFFFFC000  }
0x50: {  	[spmem:s2] =	stream.indirect.scatter.add.f32 [tilespmem:s25], [sflag:$0x2], $0x80, s28, s24, $0xb8;
	[tilespmem:$0x1E800] =	vst v63  }
0x51: {  	_ =	swait.ge [sflag:s22], $0x4000  }
0x52: {  	s29 =	simm.s32 $0x800;
	s28 =	simm.s32 $0x400;
	[sflag:s22] =	ssyncset.done $0x0  }
.LBB2_4:
0x53: {  	s30 =	sshra.s32 s28, $0x2  }
0x54: {  	[sflag:s22] =	ssyncadd.s32 $0xFFFFC000;
	s28 =	smov.u32 s29;
	s31 =	sadd.s32 $0x400, s29  }
0x55: {  	[tilespmem:s20], [sflag:$0x1] =	stream.indirect.gather [hbm4b:s1+s24], $0x80, s30, s24, $0xb8;
	[tilespmem:$0x1E800] =	vst v63  }
0x56: {  	p0 =	sne.s32 s29, $0x4C00;
	s29 =	sadd.s32 $0x80, s30  }
0x57: {  	[tilespmem:s25], [sflag:$0x1] =	stream.indirect.gather [hbm4b:s1+s24], $0x80, s29, s24, $0xb8;
	[tilespmem:$0x1E800] =	vst v63  }
0x58: {  	_ =	swait.ge [sflag:s21], $0x4000  }
0x59: {  	[sflag:s21] =	ssyncset.done $0x0  }
0x5a: {  	s29 =	sadd.s32 $0x1400, s30;
	[sflag:s21] =	ssyncadd.s32 $0xFFFFC000  }
0x5b: {  	[spmem:s2] =	stream.indirect.scatter.add.f32 [tilespmem:s20], [sflag:$0x2], $0x80, s29, s24, $0xb8;
	[tilespmem:$0x1E800] =	vst v63  }
0x5c: {  	_ =	swait.ge [sflag:s22], $0x4000  }
0x5d: {  	[sflag:s22] =	ssyncset.done $0x0  }
0x5e: {  	[sflag:s22] =	ssyncadd.s32 $0xFFFFC000  }
0x5f: {  	_ =	swait.ge [sflag:s21], $0x4000  }
.Ltmp1:
0x60: {  	[sflag:s21] =	ssyncset.done $0x0;
	(pc) =	sbr.rel @p0 .LBB2_4-.Ltmp1, $4  }
0x61: {  	s29 =	sadd.s32 $0x1480, s30;
	[sflag:s21] =	ssyncadd.s32 $0xFFFFC000  }
0x62: {  	[spmem:s2] =	stream.indirect.scatter.add.f32 [tilespmem:s25], [sflag:$0x2], $0x80, s29, s24, $0xb8;
	[tilespmem:$0x1E800] =	vst v63  }
0x63: {  	_ =	swait.ge [sflag:s22], $0x4000  }
0x64: {  	s29 =	smov.u32 s31;
	[sflag:s22] =	ssyncset.done $0x0  }
0x65: {  	s28 =	sshra.s32 s28, $0x2;
	[sflag:s22] =	ssyncadd.s32 $0xFFFFC000  }
0x66: {  	[tilespmem:s20], [sflag:$0x1] =	stream.indirect.gather [hbm4b:s1+s24], $0x80, s28, s24, $0xb8;
	[tilespmem:$0x1E800] =	vst v63  }
0x67: {  	s29 =	sadd.s32 $0x80, s28  }
0x68: {  	[tilespmem:s25], [sflag:$0x1] =	stream.indirect.gather [hbm4b:s1+s24], $0x80, s29, s24, $0xb8;
	[tilespmem:$0x1E800] =	vst v63  }
0x69: {  	_ =	swait.ge [sflag:s21], $0x4000  }
0x6a: {  	[sflag:s21] =	ssyncset.done $0x0  }
0x6b: {  	s29 =	sadd.s32 $0x1400, s28;
	[sflag:s21] =	ssyncadd.s32 $0xFFFFC000  }
0x6c: {  	[spmem:s2] =	stream.indirect.scatter.add.f32 [tilespmem:s20], [sflag:$0x2], $0x80, s29, s24, $0xb8;
	[tilespmem:$0x1E800] =	vst v63  }
0x6d: {  	_ =	swait.ge [sflag:s22], $0x4000  }
0x6e: {  	[sflag:s22] =	ssyncset.done $0x0  }
0x6f: {  	[sflag:s22] =	ssyncadd.s32 $0xFFFFC000  }
0x70: {  	_ =	swait.ge [sflag:s21], $0x4000  }
0x71: {  	[sflag:s21] =	ssyncset.done $0x0  }
0x72: {  	s28 =	sadd.s32 $0x1480, s28;
	[sflag:s21] =	ssyncadd.s32 $0xFFFFC000  }
0x73: {  	[spmem:s2] =	stream.indirect.scatter.add.f32 [tilespmem:s25], [sflag:$0x2], $0x80, s28, s24, $0xb8;
	[tilespmem:$0x1E800] =	vst v63  }
0x74: {  	_ =	swait.ge [sflag:s22], $0x4000  }
0x75: {  	[sflag:s22] =	ssyncset.done $0x0  }
0x76: {  	s28 =	simm.s32 $0x0;
	[sflag:s22] =	ssyncadd.s32 $0xFFFFC000  }
0x77: {  	[tilespmem:s28], [sflag:$0x2] =	stream.linear.gather [hbm4b:s18+s28], $0x1400, $0x38;
	[tilespmem:$0x1E800] =	vst v63  }
0x78: {  	_ =	swait.ge [sflag:s22], $0x1400  }
0x79: {  	[sflag:s22] =	ssyncset.done $0x0  }
0x7a: {  	[sflag:s22] =	ssyncadd.s32 $0xFFFFEC00  }
0x7b: {  	[tilespmem:s23], [sflag:$0x2] =	stream.linear.gather [hbm4b:s19+s28], $0x1400, $0x38;
	[tilespmem:$0x1E800] =	vst v63  }
0x7c: {  	_ =	swait.ge [sflag:s22], $0x1400  }
0x7d: {  	[sflag:s22] =	ssyncset.done $0x0  }
0x7e: {  	s28 =	simm.s32 $0x0;
	[sflag:s22] =	ssyncadd.s32 $0xFFFFEC00  }
0x7f: {  	[tilespmem:s20], [sflag:$0x1] =	stream.indirect.gather [hbm4b:s1+s24], $0x80, s28, s24, $0xb8;
	[tilespmem:$0x1E800] =	vst v63  }
0x80: {  	s28 =	simm.s32 $0x80  }
0x81: {  	[tilespmem:s25], [sflag:$0x1] =	stream.indirect.gather [hbm4b:s1+s24], $0x80, s28, s24, $0xb8;
	[tilespmem:$0x1E800] =	vst v63  }
0x82: {  	_ =	swait.ge [sflag:s21], $0x4000  }
0x83: {  	[sflag:s21] =	ssyncset.done $0x0  }
0x84: {  	s28 =	simm.s32 $0x1400;
	[sflag:s21] =	ssyncadd.s32 $0xFFFFC000  }
0x85: {  	[spmem:s2] =	stream.indirect.scatter.add.f32 [tilespmem:s20], [sflag:$0x2], $0x80, s28, s24, $0xb8;
	[tilespmem:$0x1E800] =	vst v63  }
0x86: {  	_ =	swait.ge [sflag:s22], $0x4000  }
0x87: {  	[sflag:s22] =	ssyncset.done $0x0  }
0x88: {  	[sflag:s22] =	ssyncadd.s32 $0xFFFFC000  }
0x89: {  	_ =	swait.ge [sflag:s21], $0x4000  }
0x8a: {  	[sflag:s21] =	ssyncset.done $0x0  }
0x8b: {  	s28 =	simm.s32 $0x1480;
	[sflag:s21] =	ssyncadd.s32 $0xFFFFC000  }
0x8c: {  	[spmem:s2] =	stream.indirect.scatter.add.f32 [tilespmem:s25], [sflag:$0x2], $0x80, s28, s24, $0xb8;
	[tilespmem:$0x1E800] =	vst v63  }
0x8d: {  	_ =	swait.ge [sflag:s22], $0x4000  }
0x8e: {  	s29 =	simm.s32 $0x800;
	s28 =	simm.s32 $0x400;
	[sflag:s22] =	ssyncset.done $0x0  }
.LBB2_6:
0x8f: {  	s30 =	sshra.s32 s28, $0x2  }
0x90: {  	[sflag:s22] =	ssyncadd.s32 $0xFFFFC000;
	s28 =	smov.u32 s29;
	s31 =	sadd.s32 $0x400, s29  }
0x91: {  	[tilespmem:s20], [sflag:$0x1] =	stream.indirect.gather [hbm4b:s1+s24], $0x80, s30, s24, $0xb8;
	[tilespmem:$0x1E800] =	vst v63  }
0x92: {  	p0 =	sne.s32 s29, $0x4C00;
	s29 =	sadd.s32 $0x80, s30  }
0x93: {  	[tilespmem:s25], [sflag:$0x1] =	stream.indirect.gather [hbm4b:s1+s24], $0x80, s29, s24, $0xb8;
	[tilespmem:$0x1E800] =	vst v63  }
0x94: {  	_ =	swait.ge [sflag:s21], $0x4000  }
0x95: {  	[sflag:s21] =	ssyncset.done $0x0  }
0x96: {  	s29 =	sadd.s32 $0x1400, s30;
	[sflag:s21] =	ssyncadd.s32 $0xFFFFC000  }
0x97: {  	[spmem:s2] =	stream.indirect.scatter.add.f32 [tilespmem:s20], [sflag:$0x2], $0x80, s29, s24, $0xb8;
	[tilespmem:$0x1E800] =	vst v63  }
0x98: {  	_ =	swait.ge [sflag:s22], $0x4000  }
0x99: {  	[sflag:s22] =	ssyncset.done $0x0  }
0x9a: {  	[sflag:s22] =	ssyncadd.s32 $0xFFFFC000  }
0x9b: {  	_ =	swait.ge [sflag:s21], $0x4000  }
.Ltmp2:
0x9c: {  	[sflag:s21] =	ssyncset.done $0x0;
	(pc) =	sbr.rel @p0 .LBB2_6-.Ltmp2, $4  }
0x9d: {  	s29 =	sadd.s32 $0x1480, s30;
	[sflag:s21] =	ssyncadd.s32 $0xFFFFC000  }
0x9e: {  	[spmem:s2] =	stream.indirect.scatter.add.f32 [tilespmem:s25], [sflag:$0x2], $0x80, s29, s24, $0xb8;
	[tilespmem:$0x1E800] =	vst v63  }
0x9f: {  	_ =	swait.ge [sflag:s22], $0x4000  }
0xa0: {  	s29 =	smov.u32 s31;
	[sflag:s22] =	ssyncset.done $0x0  }
0xa1: {  	s28 =	sshra.s32 s28, $0x2;
	[sflag:s22] =	ssyncadd.s32 $0xFFFFC000  }
0xa2: {  	[tilespmem:s20], [sflag:$0x1] =	stream.indirect.gather [hbm4b:s1+s24], $0x80, s28, s24, $0xb8;
	[tilespmem:$0x1E800] =	vst v63  }
0xa3: {  	s29 =	sadd.s32 $0x80, s28  }
0xa4: {  	[tilespmem:s25], [sflag:$0x1] =	stream.indirect.gather [hbm4b:s1+s24], $0x80, s29, s24, $0xb8;
	[tilespmem:$0x1E800] =	vst v63  }
0xa5: {  	_ =	swait.ge [sflag:s21], $0x4000  }
0xa6: {  	[sflag:s21] =	ssyncset.done $0x0  }
0xa7: {  	s31 =	sadd.s32 $0x1400, s28;
	[sflag:s21] =	ssyncadd.s32 $0xFFFFC000  }
0xa8: {  	[spmem:s2] =	stream.indirect.scatter.add.f32 [tilespmem:s20], [sflag:$0x2], $0x80, s31, s24, $0xb8;
	[tilespmem:$0x1E800] =	vst v63  }
0xa9: {  	_ =	swait.ge [sflag:s22], $0x4000  }
0xaa: {  	[sflag:s22] =	ssyncset.done $0x0  }
0xab: {  	[sflag:s22] =	ssyncadd.s32 $0xFFFFC000  }
0xac: {  	_ =	swait.ge [sflag:s21], $0x4000  }
0xad: {  	[sflag:s21] =	ssyncset.done $0x0  }
0xae: {  	s28 =	sadd.s32 $0x1480, s28;
	[sflag:s21] =	ssyncadd.s32 $0xFFFFC000  }
0xaf: {  	[spmem:s2] =	stream.indirect.scatter.add.f32 [tilespmem:s25], [sflag:$0x2], $0x80, s28, s24, $0xb8;
	[tilespmem:$0x1E800] =	vst v63  }
0xb0: {  	_ =	swait.ge [sflag:s22], $0x4000  }
0xb1: {  	[sflag:s22] =	ssyncset.done $0x0  }
0xb2: {  	s30 =	sshll.u32 s3, $0x6;
	[sflag:s22] =	ssyncadd.s32 $0xFFFFC000  }
0xb3: {  	s31 =	sshrl.u32 s5, $0x3;
	s28 =	sor.u32 $0x1C01, s30;
	[bflag:$0x0] =	sbarrier.arrive $0xFFFF  }
0xb4: {  	[hbm:s10], [sflag:s28] =	dma.local [spmem:s31], $0x800  }
0xb5: {  	s30 =	sshrl.u32 s6, $0x3;
	s31 =	sshrl.u32 s7, $0x3  }
0xb6: {  	[hbm:s11], [sflag:s28] =	dma.local [spmem:s30], $0x800  }
0xb7: {  	[hbm:s12], [sflag:s28] =	dma.local [spmem:s31], $0x800  }
0xb8: {  	s30 =	sshrl.u32 s8, $0x3;
	s31 =	sshrl.u32 s9, $0x3  }
0xb9: {  	[hbm:s13], [sflag:s28] =	dma.local [spmem:s30], $0x800  }
0xba: {  	[hbm:s14], [sflag:s28] =	dma.local [spmem:s31], $0x800  }
0xbb: {  	_ =	swait.ge [sflag:s21], $0x800  }
0xbc: {  	[sflag:s21] =	ssyncset.done $0x0  }
0xbd: {  	[sflag:s21] =	ssyncadd.s32 $0xFFFFF800  }
0xbe: {  	_ =	swait.ge [sflag:s21], $0x800  }
0xbf: {  	[sflag:s21] =	ssyncset.done $0x0  }
0xc0: {  	[sflag:s21] =	ssyncadd.s32 $0xFFFFF800  }
0xc1: {  	_ =	swait.ge [sflag:s21], $0x800  }
0xc2: {  	[sflag:s21] =	ssyncset.done $0x0  }
0xc3: {  	s26 =	sadd.s32 $0x1, s26;
	[sflag:s21] =	ssyncadd.s32 $0xFFFFF800  }
0xc4: {  	p0 =	sne.s32 s26, s15;
	_ =	swait.ge [sflag:s21], $0x800  }
.Ltmp3:
0xc5: {  	[sflag:s21] =	ssyncset.done $0x0;
	(pc) =	sbr.rel @p0 .LBB2_1-.Ltmp3, $4  }
0xc6: {  	[sflag:s21] =	ssyncadd.s32 $0xFFFFF800  }
0xc7: {  	_ =	swait.ge [sflag:s21], $0x800  }
0xc8: {  	[sflag:s21] =	ssyncset.done $0x0  }
0xc9: {  	[sflag:s21] =	ssyncadd.s32 $0xFFFFF800  }
0xca: {  	_ =	sfence.sel $0x180000  }
0xcb: {  	[bflag:$0x0] =	sbarrier.arrive $0xFFFF  }
0xcc: {  	p0 =	sne.s32 s3, $0x0;
	_ =	strace $0x9000004D  }
0xcd: {  	s0 =	sadd.s32 @!p0 $0x100000, s0;
	[bflag:$0x2] =	sbarrier.arrive $0xFFFF  }
0xce: {  	[sflag:s0] =	ssyncadd.tile.s32 @!p0 $0x1;
	_ =	shalt  }
.Lfunc_end2:
_tile_overlayer_lowered:
.L_overlay_start_2:
0xcf: {  	(tag) =	ssettag $0x2  }
0xd0: {  	s0 =	rddreg [dreg:$0x0];
	s2 =	stileid.u32  }
0xd1: {  	s1 =	rddreg [dreg:$0x1];
	p0 =	sne.s32 s2, $0x0  }
0xd2: {  	s3 =	rddreg [dreg:$0x2];
	[bflag:$0x3] =	sbarrier.arrive $0xFFFF;
	s2 =	simm.s32 @!p0 $0x1C02  }
0xd3: {  	[timem:s3], [sflag:s2] =	dma.local @!p0 [hbm:s0], s1  }
0xd4: {  	s0 =	simm.s32 @!p0 $0x2  }
0xd5: {  	_ =	swait.ge @!p0 [sflag:s0], s1  }
0xd6: {  	s1 =	ssub.s32 @!p0 $0x0, s1;
	[sflag:s0] =	ssyncset.done @!p0 $0x0  }
0xd7: {  	[sflag:s0] =	ssyncadd.s32 @!p0 s1  }
0xd8: {  	[bflag:$0x3] =	sbarrier.arrive $0xFFFF  }
0xd9: {  	_ =	shalt  }

</sc_bundles>
